<compile_context>
chip_gen: v7x
topology: tpu7x:2x2x1
jax: 0.10.2.dev20260603
libtpu: 0.0.44.dev20260713+nightly
codegen_flags: <defaults>
</compile_context>

<pallas_src>
import jax
import jax.numpy as jnp
from jax import lax
from jax.experimental import pallas as pl
from jax.experimental.pallas import tpu as pltpu
from jax.experimental.pallas import tpu_sc as plsc

D = 128
EPS = 1e-12
NC = 2
NS = 16
NW = NC * NS
CHUNK = 128
NVR = D // 16


def _rsqrt_newton(x):
    i = plsc.bitcast(x, jnp.int32)
    i = jnp.int32(0x5F3759DF) - lax.shift_right_arithmetic(i, 1)
    y = plsc.bitcast(i, jnp.float32)
    half = jnp.float32(0.5) * x
    y = y * (jnp.float32(1.5) - half * y * y)
    return y


def _tree_sum(vs):
    while len(vs) > 1:
        vs = [vs[i] + vs[i + 1] for i in range(0, len(vs) - 1, 2)] + (
            [vs[-1]] if len(vs) % 2 else [])
    return vs[0]


def _fused_body(idx_hbm, tid_hbm, table_hbm, ttab_hbm, pos_hbm, gam_hbm,
                bet_hbm, out_hbm, idx_v, tid_v, wbuf0, wbuf1, pbuf0, pbuf1,
                obuf0, obuf1, const_v, wsem0, wsem1, psem0, psem1,
                osem0, osem1, ssem):
    wid = lax.axis_index("s") * NC + lax.axis_index("c")
    batch, seq_len = idx_hbm.shape
    rows_per_w = seq_len * batch // NW
    runs_per_row = seq_len // rows_per_w
    n_chunks = rows_per_w // CHUNK
    rb = wid // runs_per_row
    pos0 = (wid % runs_per_row) * rows_per_w
    base_row = wid * rows_per_w

    stage = []
    for jj in range(n_chunks):
        stage.append(pltpu.async_copy(
            idx_hbm.at[rb, pl.ds(pos0 + jj * CHUNK, CHUNK)], idx_v.at[jj],
            ssem))
        stage.append(pltpu.async_copy(
            tid_hbm.at[rb, pl.ds(pos0 + jj * CHUNK, CHUNK)], tid_v.at[jj],
            ssem))
    stage.append(pltpu.async_copy(gam_hbm, const_v.at[0], ssem))
    stage.append(pltpu.async_copy(bet_hbm, const_v.at[1], ssem))
    stage.append(pltpu.async_copy(ttab_hbm.at[0], const_v.at[2], ssem))
    stage.append(pltpu.async_copy(ttab_hbm.at[1], const_v.at[3], ssem))
    for cp in stage:
        cp.wait()

    scale = jnp.float32(float(D) ** 0.5)
    inv_d = jnp.float32(1.0 / D)
    gdn = lax.GatherDimensionNumbers(
        offset_dims=(), collapsed_slice_dims=(0,), start_index_map=(0,))

    gam_c = [const_v[0, pl.ds(r * 16, 16)] for r in range(NVR)]
    bet_c = [const_v[1, pl.ds(r * 16, 16)] for r in range(NVR)]
    ty0_c = [scale * const_v[2, pl.ds(r * 16, 16)] for r in range(NVR)]
    ty1_c = [scale * const_v[3, pl.ds(r * 16, 16)] for r in range(NVR)]

    wbufs = (wbuf0, wbuf1)
    pbufs = (pbuf0, pbuf1)
    obufs = (obuf0, obuf1)
    wsems = (wsem0, wsem1)
    psems = (psem0, psem1)
    osems = (osem0, osem1)

    def start(jj, b):
        pltpu.async_copy(table_hbm.at[idx_v.at[jj]], wbufs[b], wsems[b])
        pltpu.async_copy(pos_hbm.at[pl.ds(pos0 + jj * CHUNK, CHUNK)],
                         pbufs[b], psems[b])

    def wait(jj, b):
        pltpu.make_async_copy(table_hbm.at[idx_v.at[jj]], wbufs[b],
                              wsems[b]).wait()
        pltpu.make_async_copy(pos_hbm.at[pl.ds(pos0 + jj * CHUNK, CHUNK)],
                              pbufs[b], psems[b]).wait()

    def out_start(jj, b):
        pltpu.async_copy(obufs[b],
                         out_hbm.at[pl.ds(base_row + jj * CHUNK, CHUNK)],
                         osems[b])

    def out_drain(jj, b):
        pltpu.make_async_copy(obufs[b],
                              out_hbm.at[pl.ds(base_row + jj * CHUNK, CHUNK)],
                              osems[b]).wait()

    def process(jj, b):
        wb = wbufs[b]
        pb = pbufs[b]
        ob = obufs[b]
        tid_row = tid_v.at[jj]

        @plsc.parallel_loop(0, CHUNK, unroll=2)
        def token(i):
            g16 = lax.shift_right_logical(i, 4)
            lane = lax.bitwise_and(i, 15)
            tid16 = tid_row[pl.ds(g16 * 16, 16)]
            lane_v = jnp.full((16, 1), lane, dtype=jnp.int32)
            tid_splat = lax.gather(
                tid16, lane_v, gdn, (1,),
                mode=lax.GatherScatterMode.PROMISE_IN_BOUNDS)
            is0 = tid_splat == 0
            xs = []
            sqs = []
            for r in range(NVR):
                tok = wb[i, pl.ds(r * 16, 16)]
                posr = pb[i, pl.ds(r * 16, 16)]
                te = jnp.where(is0, ty0_c[r], ty1_c[r])
                x = scale * tok + te + posr
                xs.append(x)
                sqs.append(x * x)
            ssum = _tree_sum(list(xs))
            ssq = _tree_sum(sqs)
            tsum = jnp.broadcast_to(lax.reduce_sum(ssum, (0,)), (16,))
            tsq = jnp.broadcast_to(lax.reduce_sum(ssq, (0,)), (16,))
            mean = tsum * inv_d
            var = tsq * inv_d - mean * mean
            rstd = _rsqrt_newton(var + jnp.float32(EPS))
            for r in range(NVR):
                ob[i, pl.ds(r * 16, 16)] = (
                    (xs[r] - mean) * (gam_c[r] * rstd) + bet_c[r])

    start(0, 0)
    start(1, 1)

    def two_chunks(k, carry):
        j0 = 2 * k
        wait(j0, 0)

        @pl.when(j0 >= 2)
        def _():
            out_drain(j0 - 2, 0)

        process(j0, 0)
        out_start(j0, 0)

        @pl.when(j0 + 2 < n_chunks)
        def _():
            start(j0 + 2, 0)

        wait(j0 + 1, 1)

        @pl.when(j0 >= 1)
        def _():
            out_drain(j0 - 1, 1)

        process(j0 + 1, 1)
        out_start(j0 + 1, 1)

        @pl.when(j0 + 3 < n_chunks)
        def _():
            start(j0 + 3, 1)

        return carry

    lax.fori_loop(0, n_chunks // 2, two_chunks, 0)
    out_drain(n_chunks - 2, 0)
    out_drain(n_chunks - 1, 1)


def kernel(token_ids, type_ids, word_table, type_table, pos_table,
           ln_gamma, ln_beta):
    b, s = token_ids.shape
    t_rows = b * s
    n_chunks = t_rows // CHUNK // NW
    fn = pl.kernel(
        _fused_body,
        out_type=jax.ShapeDtypeStruct((t_rows, D), jnp.float32),
        mesh=plsc.VectorSubcoreMesh(core_axis_name="c", subcore_axis_name="s"),
        scratch_types=[
            pltpu.VMEM((n_chunks, CHUNK), jnp.int32),
            pltpu.VMEM((n_chunks, CHUNK), jnp.int32),
            pltpu.VMEM((CHUNK, D), jnp.float32),
            pltpu.VMEM((CHUNK, D), jnp.float32),
            pltpu.VMEM((CHUNK, D), jnp.float32),
            pltpu.VMEM((CHUNK, D), jnp.float32),
            pltpu.VMEM((CHUNK, D), jnp.float32),
            pltpu.VMEM((CHUNK, D), jnp.float32),
            pltpu.VMEM((4, D), jnp.float32),
            pltpu.SemaphoreType.DMA,
            pltpu.SemaphoreType.DMA,
            pltpu.SemaphoreType.DMA,
            pltpu.SemaphoreType.DMA,
            pltpu.SemaphoreType.DMA,
            pltpu.SemaphoreType.DMA,
            pltpu.SemaphoreType.DMA,
        ],
        compiler_params=pltpu.CompilerParams(
            needs_layout_passes=False, disable_bounds_checks=True,
            disable_semaphore_checks=True),
    )
    out2d = fn(token_ids.astype(jnp.int32), type_ids.astype(jnp.int32),
               word_table, type_table, pos_table, ln_gamma, ln_beta)
    return out2d.reshape(b, s, D)

# --- scband reference (transcript-rebuilt; emitter-appended) ---
"""Pipeline reference for scband-embeddings-55078660604628 (READ-ONLY COPY).

The authoritative reference and input builder live on the scoring server;
editing this copy changes nothing except your own understanding.
"""

import jax, jax.numpy as jnp
import numpy as np
import math

VOCAB = 100000
TYPE_VOCAB = 2
MAX_POS = 8192
D = 128
EPS = 1e-12

def _get_positional_embeddings(max_len, d):
    position = np.arange(0, max_len, dtype=np.float32)[:, None]
    div_term = np.exp(np.arange(0, d, 2).astype(np.float32) * (-math.log(10000.0) / d))
    pe = np.zeros((max_len, d), dtype=np.float32)
    pe[:, 0::2] = np.sin(position * div_term)
    pe[:, 1::2] = np.cos(position * div_term)
    return pe

def setup_inputs(seed: int = 0) -> dict:
    key = jax.random.key(seed)
    k1, k2, k3, k4 = jax.random.split(key, 4)
    token_ids = jax.random.randint(k1, (4, 8192), 0, VOCAB, dtype=jnp.int64 if jax.config.jax_enable_x64 else jnp.int32)
    type_ids = jax.random.randint(k2, (4, 8192), 0, TYPE_VOCAB, dtype=jnp.int64 if jax.config.jax_enable_x64 else jnp.int32)
    word_table = jax.random.normal(k3, (VOCAB, D), dtype=jnp.float32) * 0.02
    word_table = word_table.at[0].set(0.0)  # padding_idx=0
    type_table = jax.random.normal(k4, (TYPE_VOCAB, D), dtype=jnp.float32) * 0.02
    pe = _get_positional_embeddings(MAX_POS - 1, D)
    pos_table = jnp.asarray(np.concatenate([np.zeros((1, D), dtype=np.float32), pe], axis=0))
    ln_gamma = jnp.ones((D,), dtype=jnp.float32)
    ln_beta = jnp.zeros((D,), dtype=jnp.float32)
    return {"token_ids": token_ids, "type_ids": type_ids, "word_table": word_table,
            "type_table": type_table, "pos_table": pos_table, "ln_gamma": ln_gamma, "ln_beta": ln_beta}

def reference(token_ids, type_ids, word_table, type_table, pos_table, ln_gamma, ln_beta):
    # word / type / position embedding lookups (gathers)
    token_emb = jnp.take(word_table, token_ids, axis=0)        # [B, S, D]
    type_emb = jnp.take(type_table, type_ids, axis=0)          # [B, S, D]
    seq_len = token_ids.shape[1]
    position_ids = jnp.arange(seq_len)                         # position_ids=None branch
    pos_emb = jnp.take(pos_table, position_ids, axis=0)        # [S, D], broadcasts over batch
    emb = jnp.sqrt(jnp.float32(D)) * (token_emb + type_emb) + pos_emb
    # LayerNorm (elementwise affine)
    mean = jnp.mean(emb, axis=-1, keepdims=True)
    var = jnp.var(emb, axis=-1, keepdims=True)
    out = (emb - mean) / jnp.sqrt(var + EPS) * ln_gamma + ln_beta
    # dropout is identity in eval mode
    return out

if __name__ == "__main__":
    import jax
    _d = setup_inputs()
    print(jax.jit(kernel)(*tuple(_d.values())))

</pallas_src>

<mosaic_0001>
#map = affine_map<(d0, d1) -> (0, 0)>
#map1 = affine_map<(d0, d1) -> (0)>
module attributes {stable_mosaic.version = 14 : i64} {
  func.func @_fused_body(%arg0: i32, %arg1: i32, %arg2: memref<4x8192xi32, #tpu.memory_space<hbm>>, %arg3: memref<4x8192xi32, #tpu.memory_space<hbm>>, %arg4: memref<100000x128xf32, #tpu.memory_space<hbm>>, %arg5: memref<2x128xf32, #tpu.memory_space<hbm>>, %arg6: memref<8192x128xf32, #tpu.memory_space<hbm>>, %arg7: memref<128xf32, #tpu.memory_space<hbm>>, %arg8: memref<128xf32, #tpu.memory_space<hbm>>, %arg9: memref<32768x128xf32, #tpu.memory_space<hbm>>, %arg10: memref<8x128xi32, #tpu.memory_space<vmem>>, %arg11: memref<8x128xi32, #tpu.memory_space<vmem>>, %arg12: memref<128x128xf32, #tpu.memory_space<vmem>>, %arg13: memref<128x128xf32, #tpu.memory_space<vmem>>, %arg14: memref<128x128xf32, #tpu.memory_space<vmem>>, %arg15: memref<128x128xf32, #tpu.memory_space<vmem>>, %arg16: memref<128x128xf32, #tpu.memory_space<vmem>>, %arg17: memref<128x128xf32, #tpu.memory_space<vmem>>, %arg18: memref<4x128xf32, #tpu.memory_space<vmem>>, %arg19: memref<!tpu.dma_semaphore, #tpu.memory_space<semaphore_mem>>, %arg20: memref<!tpu.dma_semaphore, #tpu.memory_space<semaphore_mem>>, %arg21: memref<!tpu.dma_semaphore, #tpu.memory_space<semaphore_mem>>, %arg22: memref<!tpu.dma_semaphore, #tpu.memory_space<semaphore_mem>>, %arg23: memref<!tpu.dma_semaphore, #tpu.memory_space<semaphore_mem>>, %arg24: memref<!tpu.dma_semaphore, #tpu.memory_space<semaphore_mem>>, %arg25: memref<!tpu.dma_semaphore, #tpu.memory_space<semaphore_mem>>) attributes {dimension_semantics = [#tpu.dimension_semantics<core_parallel>, #tpu.dimension_semantics<subcore_parallel>], iteration_bounds = array<i64: 2, 16>, scalar_prefetch = 0 : i64, scratch_operands = 16 : i64, tpu.core_type = #tpu.core_type<sc_vector_subcore>, window_params = [{transform_indices = #map}, {transform_indices = #map}, {transform_indices = #map}, {transform_indices = #map}, {transform_indices = #map}, {transform_indices = #map1}, {transform_indices = #map1}, {transform_indices = #map}]} {
    %mul3A = arith.constant 2 : i32
    %mul3A_0 = arith.muli %arg1, %mul3A : i32
    %add3A = arith.addi %mul3A_0, %arg0 : i32
    %jit3A = arith.constant 8 : i32
    %div3A = arith.divsi %add3A, %jit3A : i32
    %sign3A = arith.constant 0 : i32
    %sign3A_1 = arith.cmpi sgt, %add3A, %sign3A : i32
    %sign3A_2 = arith.extui %sign3A_1 : i1 to i32
    %sign3A_3 = arith.constant 0 : i32
    %sign3A_4 = arith.cmpi slt, %add3A, %sign3A_3 : i32
    %sign3A_5 = arith.extui %sign3A_4 : i1 to i32
    %sign3A_6 = arith.subi %sign3A_2, %sign3A_5 : i32
    %sign3A_7 = arith.constant 0 : i32
    %sign3A_8 = arith.cmpi sgt, %jit3A, %sign3A_7 : i32
    %sign3A_9 = arith.extui %sign3A_8 : i1 to i32
    %sign3A_10 = arith.constant 0 : i32
    %sign3A_11 = arith.cmpi slt, %jit3A, %sign3A_10 : i32
    %sign3A_12 = arith.extui %sign3A_11 : i1 to i32
    %sign3A_13 = arith.subi %sign3A_9, %sign3A_12 : i32
    %ne3A = arith.cmpi ne, %sign3A_6, %sign3A_13 : i32
    %rem3A = arith.remsi %add3A, %jit3A : i32
    %ne3A_14 = arith.constant 0 : i32
    %ne3A_15 = arith.cmpi ne, %rem3A, %ne3A_14 : i32
    %and3A = arith.andi %ne3A, %ne3A_15 : i1
    %sub3A = arith.constant 1 : i32
    %sub3A_16 = arith.subi %div3A, %sub3A : i32
    %select_n3A = arith.select %and3A, %sub3A_16, %div3A : i32
    %jit3A_17 = arith.constant 8 : i32
    %eq3A = arith.constant 0 : i32
    %eq3A_18 = arith.cmpi eq, %jit3A_17, %eq3A : i32
    %jit3A_19 = arith.constant 1 : i32
    %select_n3A_20 = arith.select %eq3A_18, %jit3A_19, %jit3A_17 : i32
    %rem3A_21 = arith.remsi %add3A, %select_n3A_20 : i32
    %ne3A_22 = arith.constant 0 : i32
    %ne3A_23 = arith.cmpi ne, %rem3A_21, %ne3A_22 : i32
    %lt3A = arith.constant 0 : i32
    %lt3A_24 = arith.cmpi slt, %rem3A_21, %lt3A : i32
    %lt3A_25 = arith.constant 0 : i32
    %lt3A_26 = arith.cmpi slt, %select_n3A_20, %lt3A_25 : i32
    %ne3A_27 = arith.xori %lt3A_24, %lt3A_26 : i1
    %and3A_28 = arith.andi %ne3A_27, %ne3A_23 : i1
    %add3A_29 = arith.addi %rem3A_21, %select_n3A_20 : i32
    %select_n3A_30 = arith.select %and3A_28, %add3A_29, %rem3A_21 : i32
    %mul3A_31 = arith.constant 1024 : i32
    %mul3A_32 = arith.muli %select_n3A_30, %mul3A_31 : i32
    %mul3A_33 = arith.constant 1024 : i32
    %mul3A_34 = arith.muli %add3A, %mul3A_33 : i32
    %add3A_35 = arith.constant 0 : i32
    %add3A_36 = arith.addi %mul3A_32, %add3A_35 : i32
    %dma_start3A = arith.constant 0 : i32
    %dma_start3A_37 = arith.constant 0 : i32
    %dma_start3A_38 = tpu.memref_slice %arg10[%dma_start3A, %dma_start3A_37] : memref<8x128xi32, #tpu.memory_space<vmem>> -> memref<1x128xi32, #tpu.memory_space<vmem>>
    %dma_start3A_39 = tpu.memref_squeeze %dma_start3A_38 : memref<1x128xi32, #tpu.memory_space<vmem>> -> memref<128xi32, #tpu.memory_space<vmem>>
    %dma_start3A_40 = tpu.memref_slice %arg2[%select_n3A, %add3A_36] : memref<4x8192xi32, #tpu.memory_space<hbm>> -> memref<1x128xi32, #tpu.memory_space<hbm>>
    %dma_start3A_41 = tpu.memref_squeeze %dma_start3A_40 : memref<1x128xi32, #tpu.memory_space<hbm>> -> memref<128xi32, #tpu.memory_space<hbm>>
    %dma_start3A_42 = arith.constant 0 : i32
    %dma_start3A_43 = tpu.memref_slice %arg10[%dma_start3A, %dma_start3A_42] : memref<8x128xi32, #tpu.memory_space<vmem>> -> memref<1x128xi32, #tpu.memory_space<vmem>>
    %dma_start3A_44 = tpu.memref_squeeze %dma_start3A_43 : memref<1x128xi32, #tpu.memory_space<vmem>> -> memref<128xi32, #tpu.memory_space<vmem>>
    %dma_start3A_45 = tpu.memref_slice %arg2[%select_n3A, %add3A_36] : memref<4x8192xi32, #tpu.memory_space<hbm>> -> memref<1x128xi32, #tpu.memory_space<hbm>>
    %dma_start3A_46 = tpu.memref_squeeze %dma_start3A_45 : memref<1x128xi32, #tpu.memory_space<hbm>> -> memref<128xi32, #tpu.memory_space<hbm>>
    tpu.enqueue_dma source(%dma_start3A_46 : memref<128xi32, #tpu.memory_space<hbm>>) target(%dma_start3A_44 : memref<128xi32, #tpu.memory_space<vmem>>) target_semaphore(%arg25 : memref<!tpu.dma_semaphore, #tpu.memory_space<semaphore_mem>>)
    %add3A_47 = arith.constant 0 : i32
    %add3A_48 = arith.addi %mul3A_32, %add3A_47 : i32
    %dma_start3A_49 = arith.constant 0 : i32
    %dma_start3A_50 = arith.constant 0 : i32
    %dma_start3A_51 = tpu.memref_slice %arg11[%dma_start3A_49, %dma_start3A_50] : memref<8x128xi32, #tpu.memory_space<vmem>> -> memref<1x128xi32, #tpu.memory_space<vmem>>
    %dma_start3A_52 = tpu.memref_squeeze %dma_start3A_51 : memref<1x128xi32, #tpu.memory_space<vmem>> -> memref<128xi32, #tpu.memory_space<vmem>>
    %dma_start3A_53 = tpu.memref_slice %arg3[%select_n3A, %add3A_48] : memref<4x8192xi32, #tpu.memory_space<hbm>> -> memref<1x128xi32, #tpu.memory_space<hbm>>
    %dma_start3A_54 = tpu.memref_squeeze %dma_start3A_53 : memref<1x128xi32, #tpu.memory_space<hbm>> -> memref<128xi32, #tpu.memory_space<hbm>>
    %dma_start3A_55 = arith.constant 0 : i32
    %dma_start3A_56 = tpu.memref_slice %arg11[%dma_start3A_49, %dma_start3A_55] : memref<8x128xi32, #tpu.memory_space<vmem>> -> memref<1x128xi32, #tpu.memory_space<vmem>>
    %dma_start3A_57 = tpu.memref_squeeze %dma_start3A_56 : memref<1x128xi32, #tpu.memory_space<vmem>> -> memref<128xi32, #tpu.memory_space<vmem>>
    %dma_start3A_58 = tpu.memref_slice %arg3[%select_n3A, %add3A_48] : memref<4x8192xi32, #tpu.memory_space<hbm>> -> memref<1x128xi32, #tpu.memory_space<hbm>>
    %dma_start3A_59 = tpu.memref_squeeze %dma_start3A_58 : memref<1x128xi32, #tpu.memory_space<hbm>> -> memref<128xi32, #tpu.memory_space<hbm>>
    tpu.enqueue_dma source(%dma_start3A_59 : memref<128xi32, #tpu.memory_space<hbm>>) target(%dma_start3A_57 : memref<128xi32, #tpu.memory_space<vmem>>) target_semaphore(%arg25 : memref<!tpu.dma_semaphore, #tpu.memory_space<semaphore_mem>>)
    %add3A_60 = arith.constant 128 : i32
    %add3A_61 = arith.addi %mul3A_32, %add3A_60 : i32
    %dma_start3A_62 = arith.constant 1 : i32
    %dma_start3A_63 = arith.constant 0 : i32
    %dma_start3A_64 = tpu.memref_slice %arg10[%dma_start3A_62, %dma_start3A_63] : memref<8x128xi32, #tpu.memory_space<vmem>> -> memref<1x128xi32, #tpu.memory_space<vmem>>
    %dma_start3A_65 = tpu.memref_squeeze %dma_start3A_64 : memref<1x128xi32, #tpu.memory_space<vmem>> -> memref<128xi32, #tpu.memory_space<vmem>>
    %dma_start3A_66 = tpu.memref_slice %arg2[%select_n3A, %add3A_61] : memref<4x8192xi32, #tpu.memory_space<hbm>> -> memref<1x128xi32, #tpu.memory_space<hbm>>
    %dma_start3A_67 = tpu.memref_squeeze %dma_start3A_66 : memref<1x128xi32, #tpu.memory_space<hbm>> -> memref<128xi32, #tpu.memory_space<hbm>>
    %dma_start3A_68 = arith.constant 0 : i32
    %dma_start3A_69 = tpu.memref_slice %arg10[%dma_start3A_62, %dma_start3A_68] : memref<8x128xi32, #tpu.memory_space<vmem>> -> memref<1x128xi32, #tpu.memory_space<vmem>>
    %dma_start3A_70 = tpu.memref_squeeze %dma_start3A_69 : memref<1x128xi32, #tpu.memory_space<vmem>> -> memref<128xi32, #tpu.memory_space<vmem>>
    %dma_start3A_71 = tpu.memref_slice %arg2[%select_n3A, %add3A_61] : memref<4x8192xi32, #tpu.memory_space<hbm>> -> memref<1x128xi32, #tpu.memory_space<hbm>>
    %dma_start3A_72 = tpu.memref_squeeze %dma_start3A_71 : memref<1x128xi32, #tpu.memory_space<hbm>> -> memref<128xi32, #tpu.memory_space<hbm>>
    tpu.enqueue_dma source(%dma_start3A_72 : memref<128xi32, #tpu.memory_space<hbm>>) target(%dma_start3A_70 : memref<128xi32, #tpu.memory_space<vmem>>) target_semaphore(%arg25 : memref<!tpu.dma_semaphore, #tpu.memory_space<semaphore_mem>>)
    %add3A_73 = arith.constant 128 : i32
    %add3A_74 = arith.addi %mul3A_32, %add3A_73 : i32
    %dma_start3A_75 = arith.constant 1 : i32
    %dma_start3A_76 = arith.constant 0 : i32
    %dma_start3A_77 = tpu.memref_slice %arg11[%dma_start3A_75, %dma_start3A_76] : memref<8x128xi32, #tpu.memory_space<vmem>> -> memref<1x128xi32, #tpu.memory_space<vmem>>
    %dma_start3A_78 = tpu.memref_squeeze %dma_start3A_77 : memref<1x128xi32, #tpu.memory_space<vmem>> -> memref<128xi32, #tpu.memory_space<vmem>>
    %dma_start3A_79 = tpu.memref_slice %arg3[%select_n3A, %add3A_74] : memref<4x8192xi32, #tpu.memory_space<hbm>> -> memref<1x128xi32, #tpu.memory_space<hbm>>
    %dma_start3A_80 = tpu.memref_squeeze %dma_start3A_79 : memref<1x128xi32, #tpu.memory_space<hbm>> -> memref<128xi32, #tpu.memory_space<hbm>>
    %dma_start3A_81 = arith.constant 0 : i32
    %dma_start3A_82 = tpu.memref_slice %arg11[%dma_start3A_75, %dma_start3A_81] : memref<8x128xi32, #tpu.memory_space<vmem>> -> memref<1x128xi32, #tpu.memory_space<vmem>>
    %dma_start3A_83 = tpu.memref_squeeze %dma_start3A_82 : memref<1x128xi32, #tpu.memory_space<vmem>> -> memref<128xi32, #tpu.memory_space<vmem>>
    %dma_start3A_84 = tpu.memref_slice %arg3[%select_n3A, %add3A_74] : memref<4x8192xi32, #tpu.memory_space<hbm>> -> memref<1x128xi32, #tpu.memory_space<hbm>>
    %dma_start3A_85 = tpu.memref_squeeze %dma_start3A_84 : memref<1x128xi32, #tpu.memory_space<hbm>> -> memref<128xi32, #tpu.memory_space<hbm>>
    tpu.enqueue_dma source(%dma_start3A_85 : memref<128xi32, #tpu.memory_space<hbm>>) target(%dma_start3A_83 : memref<128xi32, #tpu.memory_space<vmem>>) target_semaphore(%arg25 : memref<!tpu.dma_semaphore, #tpu.memory_space<semaphore_mem>>)
    %add3A_86 = arith.constant 256 : i32
    %add3A_87 = arith.addi %mul3A_32, %add3A_86 : i32
    %dma_start3A_88 = arith.constant 2 : i32
    %dma_start3A_89 = arith.constant 0 : i32
    %dma_start3A_90 = tpu.memref_slice %arg10[%dma_start3A_88, %dma_start3A_89] : memref<8x128xi32, #tpu.memory_space<vmem>> -> memref<1x128xi32, #tpu.memory_space<vmem>>
    %dma_start3A_91 = tpu.memref_squeeze %dma_start3A_90 : memref<1x128xi32, #tpu.memory_space<vmem>> -> memref<128xi32, #tpu.memory_space<vmem>>
    %dma_start3A_92 = tpu.memref_slice %arg2[%select_n3A, %add3A_87] : memref<4x8192xi32, #tpu.memory_space<hbm>> -> memref<1x128xi32, #tpu.memory_space<hbm>>
    %dma_start3A_93 = tpu.memref_squeeze %dma_start3A_92 : memref<1x128xi32, #tpu.memory_space<hbm>> -> memref<128xi32, #tpu.memory_space<hbm>>
    %dma_start3A_94 = arith.constant 0 : i32
    %dma_start3A_95 = tpu.memref_slice %arg10[%dma_start3A_88, %dma_start3A_94] : memref<8x128xi32, #tpu.memory_space<vmem>> -> memref<1x128xi32, #tpu.memory_space<vmem>>
    %dma_start3A_96 = tpu.memref_squeeze %dma_start3A_95 : memref<1x128xi32, #tpu.memory_space<vmem>> -> memref<128xi32, #tpu.memory_space<vmem>>
    %dma_start3A_97 = tpu.memref_slice %arg2[%select_n3A, %add3A_87] : memref<4x8192xi32, #tpu.memory_space<hbm>> -> memref<1x128xi32, #tpu.memory_space<hbm>>
    %dma_start3A_98 = tpu.memref_squeeze %dma_start3A_97 : memref<1x128xi32, #tpu.memory_space<hbm>> -> memref<128xi32, #tpu.memory_space<hbm>>
    tpu.enqueue_dma source(%dma_start3A_98 : memref<128xi32, #tpu.memory_space<hbm>>) target(%dma_start3A_96 : memref<128xi32, #tpu.memory_space<vmem>>) target_semaphore(%arg25 : memref<!tpu.dma_semaphore, #tpu.memory_space<semaphore_mem>>)
    %add3A_99 = arith.constant 256 : i32
    %add3A_100 = arith.addi %mul3A_32, %add3A_99 : i32
    %dma_start3A_101 = arith.constant 2 : i32
    %dma_start3A_102 = arith.constant 0 : i32
    %dma_start3A_103 = tpu.memref_slice %arg11[%dma_start3A_101, %dma_start3A_102] : memref<8x128xi32, #tpu.memory_space<vmem>> -> memref<1x128xi32, #tpu.memory_space<vmem>>
    %dma_start3A_104 = tpu.memref_squeeze %dma_start3A_103 : memref<1x128xi32, #tpu.memory_space<vmem>> -> memref<128xi32, #tpu.memory_space<vmem>>
    %dma_start3A_105 = tpu.memref_slice %arg3[%select_n3A, %add3A_100] : memref<4x8192xi32, #tpu.memory_space<hbm>> -> memref<1x128xi32, #tpu.memory_space<hbm>>
    %dma_start3A_106 = tpu.memref_squeeze %dma_start3A_105 : memref<1x128xi32, #tpu.memory_space<hbm>> -> memref<128xi32, #tpu.memory_space<hbm>>
    %dma_start3A_107 = arith.constant 0 : i32
    %dma_start3A_108 = tpu.memref_slice %arg11[%dma_start3A_101, %dma_start3A_107] : memref<8x128xi32, #tpu.memory_space<vmem>> -> memref<1x128xi32, #tpu.memory_space<vmem>>
    %dma_start3A_109 = tpu.memref_squeeze %dma_start3A_108 : memref<1x128xi32, #tpu.memory_space<vmem>> -> memref<128xi32, #tpu.memory_space<vmem>>
    %dma_start3A_110 = tpu.memref_slice %arg3[%select_n3A, %add3A_100] : memref<4x8192xi32, #tpu.memory_space<hbm>> -> memref<1x128xi32, #tpu.memory_space<hbm>>
    %dma_start3A_111 = tpu.memref_squeeze %dma_start3A_110 : memref<1x128xi32, #tpu.memory_space<hbm>> -> memref<128xi32, #tpu.memory_space<hbm>>
    tpu.enqueue_dma source(%dma_start3A_111 : memref<128xi32, #tpu.memory_space<hbm>>) target(%dma_start3A_109 : memref<128xi32, #tpu.memory_space<vmem>>) target_semaphore(%arg25 : memref<!tpu.dma_semaphore, #tpu.memory_space<semaphore_mem>>)
    %add3A_112 = arith.constant 384 : i32
    %add3A_113 = arith.addi %mul3A_32, %add3A_112 : i32
    %dma_start3A_114 = arith.constant 3 : i32
    %dma_start3A_115 = arith.constant 0 : i32
    %dma_start3A_116 = tpu.memref_slice %arg10[%dma_start3A_114, %dma_start3A_115] : memref<8x128xi32, #tpu.memory_space<vmem>> -> memref<1x128xi32, #tpu.memory_space<vmem>>
    %dma_start3A_117 = tpu.memref_squeeze %dma_start3A_116 : memref<1x128xi32, #tpu.memory_space<vmem>> -> memref<128xi32, #tpu.memory_space<vmem>>
    %dma_start3A_118 = tpu.memref_slice %arg2[%select_n3A, %add3A_113] : memref<4x8192xi32, #tpu.memory_space<hbm>> -> memref<1x128xi32, #tpu.memory_space<hbm>>
    %dma_start3A_119 = tpu.memref_squeeze %dma_start3A_118 : memref<1x128xi32, #tpu.memory_space<hbm>> -> memref<128xi32, #tpu.memory_space<hbm>>
    %dma_start3A_120 = arith.constant 0 : i32
    %dma_start3A_121 = tpu.memref_slice %arg10[%dma_start3A_114, %dma_start3A_120] : memref<8x128xi32, #tpu.memory_space<vmem>> -> memref<1x128xi32, #tpu.memory_space<vmem>>
    %dma_start3A_122 = tpu.memref_squeeze %dma_start3A_121 : memref<1x128xi32, #tpu.memory_space<vmem>> -> memref<128xi32, #tpu.memory_space<vmem>>
    %dma_start3A_123 = tpu.memref_slice %arg2[%select_n3A, %add3A_113] : memref<4x8192xi32, #tpu.memory_space<hbm>> -> memref<1x128xi32, #tpu.memory_space<hbm>>
    %dma_start3A_124 = tpu.memref_squeeze %dma_start3A_123 : memref<1x128xi32, #tpu.memory_space<hbm>> -> memref<128xi32, #tpu.memory_space<hbm>>
    tpu.enqueue_dma source(%dma_start3A_124 : memref<128xi32, #tpu.memory_space<hbm>>) target(%dma_start3A_122 : memref<128xi32, #tpu.memory_space<vmem>>) target_semaphore(%arg25 : memref<!tpu.dma_semaphore, #tpu.memory_space<semaphore_mem>>)
    %add3A_125 = arith.constant 384 : i32
    %add3A_126 = arith.addi %mul3A_32, %add3A_125 : i32
    %dma_start3A_127 = arith.constant 3 : i32
    %dma_start3A_128 = arith.constant 0 : i32
    %dma_start3A_129 = tpu.memref_slice %arg11[%dma_start3A_127, %dma_start3A_128] : memref<8x128xi32, #tpu.memory_space<vmem>> -> memref<1x128xi32, #tpu.memory_space<vmem>>
    %dma_start3A_130 = tpu.memref_squeeze %dma_start3A_129 : memref<1x128xi32, #tpu.memory_space<vmem>> -> memref<128xi32, #tpu.memory_space<vmem>>
    %dma_start3A_131 = tpu.memref_slice %arg3[%select_n3A, %add3A_126] : memref<4x8192xi32, #tpu.memory_space<hbm>> -> memref<1x128xi32, #tpu.memory_space<hbm>>
    %dma_start3A_132 = tpu.memref_squeeze %dma_start3A_131 : memref<1x128xi32, #tpu.memory_space<hbm>> -> memref<128xi32, #tpu.memory_space<hbm>>
    %dma_start3A_133 = arith.constant 0 : i32
    %dma_start3A_134 = tpu.memref_slice %arg11[%dma_start3A_127, %dma_start3A_133] : memref<8x128xi32, #tpu.memory_space<vmem>> -> memref<1x128xi32, #tpu.memory_space<vmem>>
    %dma_start3A_135 = tpu.memref_squeeze %dma_start3A_134 : memref<1x128xi32, #tpu.memory_space<vmem>> -> memref<128xi32, #tpu.memory_space<vmem>>
    %dma_start3A_136 = tpu.memref_slice %arg3[%select_n3A, %add3A_126] : memref<4x8192xi32, #tpu.memory_space<hbm>> -> memref<1x128xi32, #tpu.memory_space<hbm>>
    %dma_start3A_137 = tpu.memref_squeeze %dma_start3A_136 : memref<1x128xi32, #tpu.memory_space<hbm>> -> memref<128xi32, #tpu.memory_space<hbm>>
    tpu.enqueue_dma source(%dma_start3A_137 : memref<128xi32, #tpu.memory_space<hbm>>) target(%dma_start3A_135 : memref<128xi32, #tpu.memory_space<vmem>>) target_semaphore(%arg25 : memref<!tpu.dma_semaphore, #tpu.memory_space<semaphore_mem>>)
    %add3A_138 = arith.constant 512 : i32
    %add3A_139 = arith.addi %mul3A_32, %add3A_138 : i32
    %dma_start3A_140 = arith.constant 4 : i32
    %dma_start3A_141 = arith.constant 0 : i32
    %dma_start3A_142 = tpu.memref_slice %arg10[%dma_start3A_140, %dma_start3A_141] : memref<8x128xi32, #tpu.memory_space<vmem>> -> memref<1x128xi32, #tpu.memory_space<vmem>>
    %dma_start3A_143 = tpu.memref_squeeze %dma_start3A_142 : memref<1x128xi32, #tpu.memory_space<vmem>> -> memref<128xi32, #tpu.memory_space<vmem>>
    %dma_start3A_144 = tpu.memref_slice %arg2[%select_n3A, %add3A_139] : memref<4x8192xi32, #tpu.memory_space<hbm>> -> memref<1x128xi32, #tpu.memory_space<hbm>>
    %dma_start3A_145 = tpu.memref_squeeze %dma_start3A_144 : memref<1x128xi32, #tpu.memory_space<hbm>> -> memref<128xi32, #tpu.memory_space<hbm>>
    %dma_start3A_146 = arith.constant 0 : i32
    %dma_start3A_147 = tpu.memref_slice %arg10[%dma_start3A_140, %dma_start3A_146] : memref<8x128xi32, #tpu.memory_space<vmem>> -> memref<1x128xi32, #tpu.memory_space<vmem>>
    %dma_start3A_148 = tpu.memref_squeeze %dma_start3A_147 : memref<1x128xi32, #tpu.memory_space<vmem>> -> memref<128xi32, #tpu.memory_space<vmem>>
    %dma_start3A_149 = tpu.memref_slice %arg2[%select_n3A, %add3A_139] : memref<4x8192xi32, #tpu.memory_space<hbm>> -> memref<1x128xi32, #tpu.memory_space<hbm>>
    %dma_start3A_150 = tpu.memref_squeeze %dma_start3A_149 : memref<1x128xi32, #tpu.memory_space<hbm>> -> memref<128xi32, #tpu.memory_space<hbm>>
    tpu.enqueue_dma source(%dma_start3A_150 : memref<128xi32, #tpu.memory_space<hbm>>) target(%dma_start3A_148 : memref<128xi32, #tpu.memory_space<vmem>>) target_semaphore(%arg25 : memref<!tpu.dma_semaphore, #tpu.memory_space<semaphore_mem>>)
    %add3A_151 = arith.constant 512 : i32
    %add3A_152 = arith.addi %mul3A_32, %add3A_151 : i32
    %dma_start3A_153 = arith.constant 4 : i32
    %dma_start3A_154 = arith.constant 0 : i32
    %dma_start3A_155 = tpu.memref_slice %arg11[%dma_start3A_153, %dma_start3A_154] : memref<8x128xi32, #tpu.memory_space<vmem>> -> memref<1x128xi32, #tpu.memory_space<vmem>>
    %dma_start3A_156 = tpu.memref_squeeze %dma_start3A_155 : memref<1x128xi32, #tpu.memory_space<vmem>> -> memref<128xi32, #tpu.memory_space<vmem>>
    %dma_start3A_157 = tpu.memref_slice %arg3[%select_n3A, %add3A_152] : memref<4x8192xi32, #tpu.memory_space<hbm>> -> memref<1x128xi32, #tpu.memory_space<hbm>>
    %dma_start3A_158 = tpu.memref_squeeze %dma_start3A_157 : memref<1x128xi32, #tpu.memory_space<hbm>> -> memref<128xi32, #tpu.memory_space<hbm>>
    %dma_start3A_159 = arith.constant 0 : i32
    %dma_start3A_160 = tpu.memref_slice %arg11[%dma_start3A_153, %dma_start3A_159] : memref<8x128xi32, #tpu.memory_space<vmem>> -> memref<1x128xi32, #tpu.memory_space<vmem>>
    %dma_start3A_161 = tpu.memref_squeeze %dma_start3A_160 : memref<1x128xi32, #tpu.memory_space<vmem>> -> memref<128xi32, #tpu.memory_space<vmem>>
    %dma_start3A_162 = tpu.memref_slice %arg3[%select_n3A, %add3A_152] : memref<4x8192xi32, #tpu.memory_space<hbm>> -> memref<1x128xi32, #tpu.memory_space<hbm>>
    %dma_start3A_163 = tpu.memref_squeeze %dma_start3A_162 : memref<1x128xi32, #tpu.memory_space<hbm>> -> memref<128xi32, #tpu.memory_space<hbm>>
    tpu.enqueue_dma source(%dma_start3A_163 : memref<128xi32, #tpu.memory_space<hbm>>) target(%dma_start3A_161 : memref<128xi32, #tpu.memory_space<vmem>>) target_semaphore(%arg25 : memref<!tpu.dma_semaphore, #tpu.memory_space<semaphore_mem>>)
    %add3A_164 = arith.constant 640 : i32
    %add3A_165 = arith.addi %mul3A_32, %add3A_164 : i32
    %dma_start3A_166 = arith.constant 5 : i32
    %dma_start3A_167 = arith.constant 0 : i32
    %dma_start3A_168 = tpu.memref_slice %arg10[%dma_start3A_166, %dma_start3A_167] : memref<8x128xi32, #tpu.memory_space<vmem>> -> memref<1x128xi32, #tpu.memory_space<vmem>>
    %dma_start3A_169 = tpu.memref_squeeze %dma_start3A_168 : memref<1x128xi32, #tpu.memory_space<vmem>> -> memref<128xi32, #tpu.memory_space<vmem>>
    %dma_start3A_170 = tpu.memref_slice %arg2[%select_n3A, %add3A_165] : memref<4x8192xi32, #tpu.memory_space<hbm>> -> memref<1x128xi32, #tpu.memory_space<hbm>>
    %dma_start3A_171 = tpu.memref_squeeze %dma_start3A_170 : memref<1x128xi32, #tpu.memory_space<hbm>> -> memref<128xi32, #tpu.memory_space<hbm>>
    %dma_start3A_172 = arith.constant 0 : i32
    %dma_start3A_173 = tpu.memref_slice %arg10[%dma_start3A_166, %dma_start3A_172] : memref<8x128xi32, #tpu.memory_space<vmem>> -> memref<1x128xi32, #tpu.memory_space<vmem>>
    %dma_start3A_174 = tpu.memref_squeeze %dma_start3A_173 : memref<1x128xi32, #tpu.memory_space<vmem>> -> memref<128xi32, #tpu.memory_space<vmem>>
    %dma_start3A_175 = tpu.memref_slice %arg2[%select_n3A, %add3A_165] : memref<4x8192xi32, #tpu.memory_space<hbm>> -> memref<1x128xi32, #tpu.memory_space<hbm>>
    %dma_start3A_176 = tpu.memref_squeeze %dma_start3A_175 : memref<1x128xi32, #tpu.memory_space<hbm>> -> memref<128xi32, #tpu.memory_space<hbm>>
    tpu.enqueue_dma source(%dma_start3A_176 : memref<128xi32, #tpu.memory_space<hbm>>) target(%dma_start3A_174 : memref<128xi32, #tpu.memory_space<vmem>>) target_semaphore(%arg25 : memref<!tpu.dma_semaphore, #tpu.memory_space<semaphore_mem>>)
    %add3A_177 = arith.constant 640 : i32
    %add3A_178 = arith.addi %mul3A_32, %add3A_177 : i32
    %dma_start3A_179 = arith.constant 5 : i32
    %dma_start3A_180 = arith.constant 0 : i32
    %dma_start3A_181 = tpu.memref_slice %arg11[%dma_start3A_179, %dma_start3A_180] : memref<8x128xi32, #tpu.memory_space<vmem>> -> memref<1x128xi32, #tpu.memory_space<vmem>>
    %dma_start3A_182 = tpu.memref_squeeze %dma_start3A_181 : memref<1x128xi32, #tpu.memory_space<vmem>> -> memref<128xi32, #tpu.memory_space<vmem>>
    %dma_start3A_183 = tpu.memref_slice %arg3[%select_n3A, %add3A_178] : memref<4x8192xi32, #tpu.memory_space<hbm>> -> memref<1x128xi32, #tpu.memory_space<hbm>>
    %dma_start3A_184 = tpu.memref_squeeze %dma_start3A_183 : memref<1x128xi32, #tpu.memory_space<hbm>> -> memref<128xi32, #tpu.memory_space<hbm>>
    %dma_start3A_185 = arith.constant 0 : i32
    %dma_start3A_186 = tpu.memref_slice %arg11[%dma_start3A_179, %dma_start3A_185] : memref<8x128xi32, #tpu.memory_space<vmem>> -> memref<1x128xi32, #tpu.memory_space<vmem>>
    %dma_start3A_187 = tpu.memref_squeeze %dma_start3A_186 : memref<1x128xi32, #tpu.memory_space<vmem>> -> memref<128xi32, #tpu.memory_space<vmem>>
    %dma_start3A_188 = tpu.memref_slice %arg3[%select_n3A, %add3A_178] : memref<4x8192xi32, #tpu.memory_space<hbm>> -> memref<1x128xi32, #tpu.memory_space<hbm>>
    %dma_start3A_189 = tpu.memref_squeeze %dma_start3A_188 : memref<1x128xi32, #tpu.memory_space<hbm>> -> memref<128xi32, #tpu.memory_space<hbm>>
    tpu.enqueue_dma source(%dma_start3A_189 : memref<128xi32, #tpu.memory_space<hbm>>) target(%dma_start3A_187 : memref<128xi32, #tpu.memory_space<vmem>>) target_semaphore(%arg25 : memref<!tpu.dma_semaphore, #tpu.memory_space<semaphore_mem>>)
    %add3A_190 = arith.constant 768 : i32
    %add3A_191 = arith.addi %mul3A_32, %add3A_190 : i32
    %dma_start3A_192 = arith.constant 6 : i32
    %dma_start3A_193 = arith.constant 0 : i32
    %dma_start3A_194 = tpu.memref_slice %arg10[%dma_start3A_192, %dma_start3A_193] : memref<8x128xi32, #tpu.memory_space<vmem>> -> memref<1x128xi32, #tpu.memory_space<vmem>>
    %dma_start3A_195 = tpu.memref_squeeze %dma_start3A_194 : memref<1x128xi32, #tpu.memory_space<vmem>> -> memref<128xi32, #tpu.memory_space<vmem>>
    %dma_start3A_196 = tpu.memref_slice %arg2[%select_n3A, %add3A_191] : memref<4x8192xi32, #tpu.memory_space<hbm>> -> memref<1x128xi32, #tpu.memory_space<hbm>>
    %dma_start3A_197 = tpu.memref_squeeze %dma_start3A_196 : memref<1x128xi32, #tpu.memory_space<hbm>> -> memref<128xi32, #tpu.memory_space<hbm>>
    %dma_start3A_198 = arith.constant 0 : i32
    %dma_start3A_199 = tpu.memref_slice %arg10[%dma_start3A_192, %dma_start3A_198] : memref<8x128xi32, #tpu.memory_space<vmem>> -> memref<1x128xi32, #tpu.memory_space<vmem>>
    %dma_start3A_200 = tpu.memref_squeeze %dma_start3A_199 : memref<1x128xi32, #tpu.memory_space<vmem>> -> memref<128xi32, #tpu.memory_space<vmem>>
    %dma_start3A_201 = tpu.memref_slice %arg2[%select_n3A, %add3A_191] : memref<4x8192xi32, #tpu.memory_space<hbm>> -> memref<1x128xi32, #tpu.memory_space<hbm>>
    %dma_start3A_202 = tpu.memref_squeeze %dma_start3A_201 : memref<1x128xi32, #tpu.memory_space<hbm>> -> memref<128xi32, #tpu.memory_space<hbm>>
    tpu.enqueue_dma source(%dma_start3A_202 : memref<128xi32, #tpu.memory_space<hbm>>) target(%dma_start3A_200 : memref<128xi32, #tpu.memory_space<vmem>>) target_semaphore(%arg25 : memref<!tpu.dma_semaphore, #tpu.memory_space<semaphore_mem>>)
    %add3A_203 = arith.constant 768 : i32
    %add3A_204 = arith.addi %mul3A_32, %add3A_203 : i32
    %dma_start3A_205 = arith.constant 6 : i32
    %dma_start3A_206 = arith.constant 0 : i32
    %dma_start3A_207 = tpu.memref_slice %arg11[%dma_start3A_205, %dma_start3A_206] : memref<8x128xi32, #tpu.memory_space<vmem>> -> memref<1x128xi32, #tpu.memory_space<vmem>>
    %dma_start3A_208 = tpu.memref_squeeze %dma_start3A_207 : memref<1x128xi32, #tpu.memory_space<vmem>> -> memref<128xi32, #tpu.memory_space<vmem>>
    %dma_start3A_209 = tpu.memref_slice %arg3[%select_n3A, %add3A_204] : memref<4x8192xi32, #tpu.memory_space<hbm>> -> memref<1x128xi32, #tpu.memory_space<hbm>>
    %dma_start3A_210 = tpu.memref_squeeze %dma_start3A_209 : memref<1x128xi32, #tpu.memory_space<hbm>> -> memref<128xi32, #tpu.memory_space<hbm>>
    %dma_start3A_211 = arith.constant 0 : i32
    %dma_start3A_212 = tpu.memref_slice %arg11[%dma_start3A_205, %dma_start3A_211] : memref<8x128xi32, #tpu.memory_space<vmem>> -> memref<1x128xi32, #tpu.memory_space<vmem>>
    %dma_start3A_213 = tpu.memref_squeeze %dma_start3A_212 : memref<1x128xi32, #tpu.memory_space<vmem>> -> memref<128xi32, #tpu.memory_space<vmem>>
    %dma_start3A_214 = tpu.memref_slice %arg3[%select_n3A, %add3A_204] : memref<4x8192xi32, #tpu.memory_space<hbm>> -> memref<1x128xi32, #tpu.memory_space<hbm>>
    %dma_start3A_215 = tpu.memref_squeeze %dma_start3A_214 : memref<1x128xi32, #tpu.memory_space<hbm>> -> memref<128xi32, #tpu.memory_space<hbm>>
    tpu.enqueue_dma source(%dma_start3A_215 : memref<128xi32, #tpu.memory_space<hbm>>) target(%dma_start3A_213 : memref<128xi32, #tpu.memory_space<vmem>>) target_semaphore(%arg25 : memref<!tpu.dma_semaphore, #tpu.memory_space<semaphore_mem>>)
    %add3A_216 = arith.constant 896 : i32
    %add3A_217 = arith.addi %mul3A_32, %add3A_216 : i32
    %dma_start3A_218 = arith.constant 7 : i32
    %dma_start3A_219 = arith.constant 0 : i32
    %dma_start3A_220 = tpu.memref_slice %arg10[%dma_start3A_218, %dma_start3A_219] : memref<8x128xi32, #tpu.memory_space<vmem>> -> memref<1x128xi32, #tpu.memory_space<vmem>>
    %dma_start3A_221 = tpu.memref_squeeze %dma_start3A_220 : memref<1x128xi32, #tpu.memory_space<vmem>> -> memref<128xi32, #tpu.memory_space<vmem>>
    %dma_start3A_222 = tpu.memref_slice %arg2[%select_n3A, %add3A_217] : memref<4x8192xi32, #tpu.memory_space<hbm>> -> memref<1x128xi32, #tpu.memory_space<hbm>>
    %dma_start3A_223 = tpu.memref_squeeze %dma_start3A_222 : memref<1x128xi32, #tpu.memory_space<hbm>> -> memref<128xi32, #tpu.memory_space<hbm>>
    %dma_start3A_224 = arith.constant 0 : i32
    %dma_start3A_225 = tpu.memref_slice %arg10[%dma_start3A_218, %dma_start3A_224] : memref<8x128xi32, #tpu.memory_space<vmem>> -> memref<1x128xi32, #tpu.memory_space<vmem>>
    %dma_start3A_226 = tpu.memref_squeeze %dma_start3A_225 : memref<1x128xi32, #tpu.memory_space<vmem>> -> memref<128xi32, #tpu.memory_space<vmem>>
    %dma_start3A_227 = tpu.memref_slice %arg2[%select_n3A, %add3A_217] : memref<4x8192xi32, #tpu.memory_space<hbm>> -> memref<1x128xi32, #tpu.memory_space<hbm>>
    %dma_start3A_228 = tpu.memref_squeeze %dma_start3A_227 : memref<1x128xi32, #tpu.memory_space<hbm>> -> memref<128xi32, #tpu.memory_space<hbm>>
    tpu.enqueue_dma source(%dma_start3A_228 : memref<128xi32, #tpu.memory_space<hbm>>) target(%dma_start3A_226 : memref<128xi32, #tpu.memory_space<vmem>>) target_semaphore(%arg25 : memref<!tpu.dma_semaphore, #tpu.memory_space<semaphore_mem>>)
    %add3A_229 = arith.constant 896 : i32
    %add3A_230 = arith.addi %mul3A_32, %add3A_229 : i32
    %dma_start3A_231 = arith.constant 7 : i32
    %dma_start3A_232 = arith.constant 0 : i32
    %dma_start3A_233 = tpu.memref_slice %arg11[%dma_start3A_231, %dma_start3A_232] : memref<8x128xi32, #tpu.memory_space<vmem>> -> memref<1x128xi32, #tpu.memory_space<vmem>>
    %dma_start3A_234 = tpu.memref_squeeze %dma_start3A_233 : memref<1x128xi32, #tpu.memory_space<vmem>> -> memref<128xi32, #tpu.memory_space<vmem>>
    %dma_start3A_235 = tpu.memref_slice %arg3[%select_n3A, %add3A_230] : memref<4x8192xi32, #tpu.memory_space<hbm>> -> memref<1x128xi32, #tpu.memory_space<hbm>>
    %dma_start3A_236 = tpu.memref_squeeze %dma_start3A_235 : memref<1x128xi32, #tpu.memory_space<hbm>> -> memref<128xi32, #tpu.memory_space<hbm>>
    %dma_start3A_237 = arith.constant 0 : i32
    %dma_start3A_238 = tpu.memref_slice %arg11[%dma_start3A_231, %dma_start3A_237] : memref<8x128xi32, #tpu.memory_space<vmem>> -> memref<1x128xi32, #tpu.memory_space<vmem>>
    %dma_start3A_239 = tpu.memref_squeeze %dma_start3A_238 : memref<1x128xi32, #tpu.memory_space<vmem>> -> memref<128xi32, #tpu.memory_space<vmem>>
    %dma_start3A_240 = tpu.memref_slice %arg3[%select_n3A, %add3A_230] : memref<4x8192xi32, #tpu.memory_space<hbm>> -> memref<1x128xi32, #tpu.memory_space<hbm>>
    %dma_start3A_241 = tpu.memref_squeeze %dma_start3A_240 : memref<1x128xi32, #tpu.memory_space<hbm>> -> memref<128xi32, #tpu.memory_space<hbm>>
    tpu.enqueue_dma source(%dma_start3A_241 : memref<128xi32, #tpu.memory_space<hbm>>) target(%dma_start3A_239 : memref<128xi32, #tpu.memory_space<vmem>>) target_semaphore(%arg25 : memref<!tpu.dma_semaphore, #tpu.memory_space<semaphore_mem>>)
    %dma_start3A_242 = arith.constant 0 : i32
    %dma_start3A_243 = arith.constant 0 : i32
    %dma_start3A_244 = tpu.memref_slice %arg18[%dma_start3A_242, %dma_start3A_243] : memref<4x128xf32, #tpu.memory_space<vmem>> -> memref<1x128xf32, #tpu.memory_space<vmem>>
    %dma_start3A_245 = tpu.memref_squeeze %dma_start3A_244 : memref<1x128xf32, #tpu.memory_space<vmem>> -> memref<128xf32, #tpu.memory_space<vmem>>
    %dma_start3A_246 = arith.constant 0 : i32
    %dma_start3A_247 = tpu.memref_slice %arg18[%dma_start3A_242, %dma_start3A_246] : memref<4x128xf32, #tpu.memory_space<vmem>> -> memref<1x128xf32, #tpu.memory_space<vmem>>
    %dma_start3A_248 = tpu.memref_squeeze %dma_start3A_247 : memref<1x128xf32, #tpu.memory_space<vmem>> -> memref<128xf32, #tpu.memory_space<vmem>>
    tpu.enqueue_dma source(%arg7 : memref<128xf32, #tpu.memory_space<hbm>>) target(%dma_start3A_248 : memref<128xf32, #tpu.memory_space<vmem>>) target_semaphore(%arg25 : memref<!tpu.dma_semaphore, #tpu.memory_space<semaphore_mem>>)
    %dma_start3A_249 = arith.constant 1 : i32
    %dma_start3A_250 = arith.constant 0 : i32
    %dma_start3A_251 = tpu.memref_slice %arg18[%dma_start3A_249, %dma_start3A_250] : memref<4x128xf32, #tpu.memory_space<vmem>> -> memref<1x128xf32, #tpu.memory_space<vmem>>
    %dma_start3A_252 = tpu.memref_squeeze %dma_start3A_251 : memref<1x128xf32, #tpu.memory_space<vmem>> -> memref<128xf32, #tpu.memory_space<vmem>>
    %dma_start3A_253 = arith.constant 0 : i32
    %dma_start3A_254 = tpu.memref_slice %arg18[%dma_start3A_249, %dma_start3A_253] : memref<4x128xf32, #tpu.memory_space<vmem>> -> memref<1x128xf32, #tpu.memory_space<vmem>>
    %dma_start3A_255 = tpu.memref_squeeze %dma_start3A_254 : memref<1x128xf32, #tpu.memory_space<vmem>> -> memref<128xf32, #tpu.memory_space<vmem>>
    tpu.enqueue_dma source(%arg8 : memref<128xf32, #tpu.memory_space<hbm>>) target(%dma_start3A_255 : memref<128xf32, #tpu.memory_space<vmem>>) target_semaphore(%arg25 : memref<!tpu.dma_semaphore, #tpu.memory_space<semaphore_mem>>)
    %dma_start3A_256 = arith.constant 0 : i32
    %dma_start3A_257 = arith.constant 2 : i32
    %dma_start3A_258 = arith.constant 0 : i32
    %dma_start3A_259 = tpu.memref_slice %arg18[%dma_start3A_257, %dma_start3A_258] : memref<4x128xf32, #tpu.memory_space<vmem>> -> memref<1x128xf32, #tpu.memory_space<vmem>>
    %dma_start3A_260 = tpu.memref_squeeze %dma_start3A_259 : memref<1x128xf32, #tpu.memory_space<vmem>> -> memref<128xf32, #tpu.memory_space<vmem>>
    %dma_start3A_261 = arith.constant 0 : i32
    %dma_start3A_262 = tpu.memref_slice %arg5[%dma_start3A_256, %dma_start3A_261] : memref<2x128xf32, #tpu.memory_space<hbm>> -> memref<1x128xf32, #tpu.memory_space<hbm>>
    %dma_start3A_263 = tpu.memref_squeeze %dma_start3A_262 : memref<1x128xf32, #tpu.memory_space<hbm>> -> memref<128xf32, #tpu.memory_space<hbm>>
    %dma_start3A_264 = arith.constant 0 : i32
    %dma_start3A_265 = tpu.memref_slice %arg18[%dma_start3A_257, %dma_start3A_264] : memref<4x128xf32, #tpu.memory_space<vmem>> -> memref<1x128xf32, #tpu.memory_space<vmem>>
    %dma_start3A_266 = tpu.memref_squeeze %dma_start3A_265 : memref<1x128xf32, #tpu.memory_space<vmem>> -> memref<128xf32, #tpu.memory_space<vmem>>
    %dma_start3A_267 = arith.constant 0 : i32
    %dma_start3A_268 = tpu.memref_slice %arg5[%dma_start3A_256, %dma_start3A_267] : memref<2x128xf32, #tpu.memory_space<hbm>> -> memref<1x128xf32, #tpu.memory_space<hbm>>
    %dma_start3A_269 = tpu.memref_squeeze %dma_start3A_268 : memref<1x128xf32, #tpu.memory_space<hbm>> -> memref<128xf32, #tpu.memory_space<hbm>>
    tpu.enqueue_dma source(%dma_start3A_269 : memref<128xf32, #tpu.memory_space<hbm>>) target(%dma_start3A_266 : memref<128xf32, #tpu.memory_space<vmem>>) target_semaphore(%arg25 : memref<!tpu.dma_semaphore, #tpu.memory_space<semaphore_mem>>)
    %dma_start3A_270 = arith.constant 1 : i32
    %dma_start3A_271 = arith.constant 3 : i32
    %dma_start3A_272 = arith.constant 0 : i32
    %dma_start3A_273 = tpu.memref_slice %arg18[%dma_start3A_271, %dma_start3A_272] : memref<4x128xf32, #tpu.memory_space<vmem>> -> memref<1x128xf32, #tpu.memory_space<vmem>>
    %dma_start3A_274 = tpu.memref_squeeze %dma_start3A_273 : memref<1x128xf32, #tpu.memory_space<vmem>> -> memref<128xf32, #tpu.memory_space<vmem>>
    %dma_start3A_275 = arith.constant 0 : i32
    %dma_start3A_276 = tpu.memref_slice %arg5[%dma_start3A_270, %dma_start3A_275] : memref<2x128xf32, #tpu.memory_space<hbm>> -> memref<1x128xf32, #tpu.memory_space<hbm>>
    %dma_start3A_277 = tpu.memref_squeeze %dma_start3A_276 : memref<1x128xf32, #tpu.memory_space<hbm>> -> memref<128xf32, #tpu.memory_space<hbm>>
    %dma_start3A_278 = arith.constant 0 : i32
    %dma_start3A_279 = tpu.memref_slice %arg18[%dma_start3A_271, %dma_start3A_278] : memref<4x128xf32, #tpu.memory_space<vmem>> -> memref<1x128xf32, #tpu.memory_space<vmem>>
    %dma_start3A_280 = tpu.memref_squeeze %dma_start3A_279 : memref<1x128xf32, #tpu.memory_space<vmem>> -> memref<128xf32, #tpu.memory_space<vmem>>
    %dma_start3A_281 = arith.constant 0 : i32
    %dma_start3A_282 = tpu.memref_slice %arg5[%dma_start3A_270, %dma_start3A_281] : memref<2x128xf32, #tpu.memory_space<hbm>> -> memref<1x128xf32, #tpu.memory_space<hbm>>
    %dma_start3A_283 = tpu.memref_squeeze %dma_start3A_282 : memref<1x128xf32, #tpu.memory_space<hbm>> -> memref<128xf32, #tpu.memory_space<hbm>>
    tpu.enqueue_dma source(%dma_start3A_283 : memref<128xf32, #tpu.memory_space<hbm>>) target(%dma_start3A_280 : memref<128xf32, #tpu.memory_space<vmem>>) target_semaphore(%arg25 : memref<!tpu.dma_semaphore, #tpu.memory_space<semaphore_mem>>)
    %dma_wait3A = arith.constant 0 : i32
    %dma_wait3A_284 = arith.constant 0 : i32
    %dma_wait3A_285 = tpu.memref_slice %arg10[%dma_wait3A, %dma_wait3A_284] : memref<8x128xi32, #tpu.memory_space<vmem>> -> memref<1x128xi32, #tpu.memory_space<vmem>>
    %dma_wait3A_286 = tpu.memref_squeeze %dma_wait3A_285 : memref<1x128xi32, #tpu.memory_space<vmem>> -> memref<128xi32, #tpu.memory_space<vmem>>
    %dma_wait3A_287 = tpu.memref_slice %arg2[%select_n3A, %add3A_36] : memref<4x8192xi32, #tpu.memory_space<hbm>> -> memref<1x128xi32, #tpu.memory_space<hbm>>
    %dma_wait3A_288 = tpu.memref_squeeze %dma_wait3A_287 : memref<1x128xi32, #tpu.memory_space<hbm>> -> memref<128xi32, #tpu.memory_space<hbm>>
    %dma_wait3A_289 = arith.constant 0 : i32
    %dma_wait3A_290 = tpu.memref_slice %arg10[%dma_wait3A, %dma_wait3A_289] : memref<8x128xi32, #tpu.memory_space<vmem>> -> memref<1x128xi32, #tpu.memory_space<vmem>>
    %dma_wait3A_291 = tpu.memref_squeeze %dma_wait3A_290 : memref<1x128xi32, #tpu.memory_space<vmem>> -> memref<128xi32, #tpu.memory_space<vmem>>
    %dma_wait3A_292 = tpu.memref_slice %arg2[%select_n3A, %add3A_36] : memref<4x8192xi32, #tpu.memory_space<hbm>> -> memref<1x128xi32, #tpu.memory_space<hbm>>
    %dma_wait3A_293 = tpu.memref_squeeze %dma_wait3A_292 : memref<1x128xi32, #tpu.memory_space<hbm>> -> memref<128xi32, #tpu.memory_space<hbm>>
    tpu.wait_dma2 semaphore(%arg25 : memref<!tpu.dma_semaphore, #tpu.memory_space<semaphore_mem>>) src(%dma_wait3A_293 : memref<128xi32, #tpu.memory_space<hbm>>) dst(%dma_wait3A_291 : memref<128xi32, #tpu.memory_space<vmem>>)
    %dma_wait3A_294 = arith.constant 0 : i32
    %dma_wait3A_295 = arith.constant 0 : i32
    %dma_wait3A_296 = tpu.memref_slice %arg11[%dma_wait3A_294, %dma_wait3A_295] : memref<8x128xi32, #tpu.memory_space<vmem>> -> memref<1x128xi32, #tpu.memory_space<vmem>>
    %dma_wait3A_297 = tpu.memref_squeeze %dma_wait3A_296 : memref<1x128xi32, #tpu.memory_space<vmem>> -> memref<128xi32, #tpu.memory_space<vmem>>
    %dma_wait3A_298 = tpu.memref_slice %arg3[%select_n3A, %add3A_48] : memref<4x8192xi32, #tpu.memory_space<hbm>> -> memref<1x128xi32, #tpu.memory_space<hbm>>
    %dma_wait3A_299 = tpu.memref_squeeze %dma_wait3A_298 : memref<1x128xi32, #tpu.memory_space<hbm>> -> memref<128xi32, #tpu.memory_space<hbm>>
    %dma_wait3A_300 = arith.constant 0 : i32
    %dma_wait3A_301 = tpu.memref_slice %arg11[%dma_wait3A_294, %dma_wait3A_300] : memref<8x128xi32, #tpu.memory_space<vmem>> -> memref<1x128xi32, #tpu.memory_space<vmem>>
    %dma_wait3A_302 = tpu.memref_squeeze %dma_wait3A_301 : memref<1x128xi32, #tpu.memory_space<vmem>> -> memref<128xi32, #tpu.memory_space<vmem>>
    %dma_wait3A_303 = tpu.memref_slice %arg3[%select_n3A, %add3A_48] : memref<4x8192xi32, #tpu.memory_space<hbm>> -> memref<1x128xi32, #tpu.memory_space<hbm>>
    %dma_wait3A_304 = tpu.memref_squeeze %dma_wait3A_303 : memref<1x128xi32, #tpu.memory_space<hbm>> -> memref<128xi32, #tpu.memory_space<hbm>>
    tpu.wait_dma2 semaphore(%arg25 : memref<!tpu.dma_semaphore, #tpu.memory_space<semaphore_mem>>) src(%dma_wait3A_304 : memref<128xi32, #tpu.memory_space<hbm>>) dst(%dma_wait3A_302 : memref<128xi32, #tpu.memory_space<vmem>>)
    %dma_wait3A_305 = arith.constant 1 : i32
    %dma_wait3A_306 = arith.constant 0 : i32
    %dma_wait3A_307 = tpu.memref_slice %arg10[%dma_wait3A_305, %dma_wait3A_306] : memref<8x128xi32, #tpu.memory_space<vmem>> -> memref<1x128xi32, #tpu.memory_space<vmem>>
    %dma_wait3A_308 = tpu.memref_squeeze %dma_wait3A_307 : memref<1x128xi32, #tpu.memory_space<vmem>> -> memref<128xi32, #tpu.memory_space<vmem>>
    %dma_wait3A_309 = tpu.memref_slice %arg2[%select_n3A, %add3A_61] : memref<4x8192xi32, #tpu.memory_space<hbm>> -> memref<1x128xi32, #tpu.memory_space<hbm>>
    %dma_wait3A_310 = tpu.memref_squeeze %dma_wait3A_309 : memref<1x128xi32, #tpu.memory_space<hbm>> -> memref<128xi32, #tpu.memory_space<hbm>>
    %dma_wait3A_311 = arith.constant 0 : i32
    %dma_wait3A_312 = tpu.memref_slice %arg10[%dma_wait3A_305, %dma_wait3A_311] : memref<8x128xi32, #tpu.memory_space<vmem>> -> memref<1x128xi32, #tpu.memory_space<vmem>>
    %dma_wait3A_313 = tpu.memref_squeeze %dma_wait3A_312 : memref<1x128xi32, #tpu.memory_space<vmem>> -> memref<128xi32, #tpu.memory_space<vmem>>
    %dma_wait3A_314 = tpu.memref_slice %arg2[%select_n3A, %add3A_61] : memref<4x8192xi32, #tpu.memory_space<hbm>> -> memref<1x128xi32, #tpu.memory_space<hbm>>
    %dma_wait3A_315 = tpu.memref_squeeze %dma_wait3A_314 : memref<1x128xi32, #tpu.memory_space<hbm>> -> memref<128xi32, #tpu.memory_space<hbm>>
    tpu.wait_dma2 semaphore(%arg25 : memref<!tpu.dma_semaphore, #tpu.memory_space<semaphore_mem>>) src(%dma_wait3A_315 : memref<128xi32, #tpu.memory_space<hbm>>) dst(%dma_wait3A_313 : memref<128xi32, #tpu.memory_space<vmem>>)
    %dma_wait3A_316 = arith.constant 1 : i32
    %dma_wait3A_317 = arith.constant 0 : i32
    %dma_wait3A_318 = tpu.memref_slice %arg11[%dma_wait3A_316, %dma_wait3A_317] : memref<8x128xi32, #tpu.memory_space<vmem>> -> memref<1x128xi32, #tpu.memory_space<vmem>>
    %dma_wait3A_319 = tpu.memref_squeeze %dma_wait3A_318 : memref<1x128xi32, #tpu.memory_space<vmem>> -> memref<128xi32, #tpu.memory_space<vmem>>
    %dma_wait3A_320 = tpu.memref_slice %arg3[%select_n3A, %add3A_74] : memref<4x8192xi32, #tpu.memory_space<hbm>> -> memref<1x128xi32, #tpu.memory_space<hbm>>
    %dma_wait3A_321 = tpu.memref_squeeze %dma_wait3A_320 : memref<1x128xi32, #tpu.memory_space<hbm>> -> memref<128xi32, #tpu.memory_space<hbm>>
    %dma_wait3A_322 = arith.constant 0 : i32
    %dma_wait3A_323 = tpu.memref_slice %arg11[%dma_wait3A_316, %dma_wait3A_322] : memref<8x128xi32, #tpu.memory_space<vmem>> -> memref<1x128xi32, #tpu.memory_space<vmem>>
    %dma_wait3A_324 = tpu.memref_squeeze %dma_wait3A_323 : memref<1x128xi32, #tpu.memory_space<vmem>> -> memref<128xi32, #tpu.memory_space<vmem>>
    %dma_wait3A_325 = tpu.memref_slice %arg3[%select_n3A, %add3A_74] : memref<4x8192xi32, #tpu.memory_space<hbm>> -> memref<1x128xi32, #tpu.memory_space<hbm>>
    %dma_wait3A_326 = tpu.memref_squeeze %dma_wait3A_325 : memref<1x128xi32, #tpu.memory_space<hbm>> -> memref<128xi32, #tpu.memory_space<hbm>>
    tpu.wait_dma2 semaphore(%arg25 : memref<!tpu.dma_semaphore, #tpu.memory_space<semaphore_mem>>) src(%dma_wait3A_326 : memref<128xi32, #tpu.memory_space<hbm>>) dst(%dma_wait3A_324 : memref<128xi32, #tpu.memory_space<vmem>>)
    %dma_wait3A_327 = arith.constant 2 : i32
    %dma_wait3A_328 = arith.constant 0 : i32
    %dma_wait3A_329 = tpu.memref_slice %arg10[%dma_wait3A_327, %dma_wait3A_328] : memref<8x128xi32, #tpu.memory_space<vmem>> -> memref<1x128xi32, #tpu.memory_space<vmem>>
    %dma_wait3A_330 = tpu.memref_squeeze %dma_wait3A_329 : memref<1x128xi32, #tpu.memory_space<vmem>> -> memref<128xi32, #tpu.memory_space<vmem>>
    %dma_wait3A_331 = tpu.memref_slice %arg2[%select_n3A, %add3A_87] : memref<4x8192xi32, #tpu.memory_space<hbm>> -> memref<1x128xi32, #tpu.memory_space<hbm>>
    %dma_wait3A_332 = tpu.memref_squeeze %dma_wait3A_331 : memref<1x128xi32, #tpu.memory_space<hbm>> -> memref<128xi32, #tpu.memory_space<hbm>>
    %dma_wait3A_333 = arith.constant 0 : i32
    %dma_wait3A_334 = tpu.memref_slice %arg10[%dma_wait3A_327, %dma_wait3A_333] : memref<8x128xi32, #tpu.memory_space<vmem>> -> memref<1x128xi32, #tpu.memory_space<vmem>>
    %dma_wait3A_335 = tpu.memref_squeeze %dma_wait3A_334 : memref<1x128xi32, #tpu.memory_space<vmem>> -> memref<128xi32, #tpu.memory_space<vmem>>
    %dma_wait3A_336 = tpu.memref_slice %arg2[%select_n3A, %add3A_87] : memref<4x8192xi32, #tpu.memory_space<hbm>> -> memref<1x128xi32, #tpu.memory_space<hbm>>
    %dma_wait3A_337 = tpu.memref_squeeze %dma_wait3A_336 : memref<1x128xi32, #tpu.memory_space<hbm>> -> memref<128xi32, #tpu.memory_space<hbm>>
    tpu.wait_dma2 semaphore(%arg25 : memref<!tpu.dma_semaphore, #tpu.memory_space<semaphore_mem>>) src(%dma_wait3A_337 : memref<128xi32, #tpu.memory_space<hbm>>) dst(%dma_wait3A_335 : memref<128xi32, #tpu.memory_space<vmem>>)
    %dma_wait3A_338 = arith.constant 2 : i32
    %dma_wait3A_339 = arith.constant 0 : i32
    %dma_wait3A_340 = tpu.memref_slice %arg11[%dma_wait3A_338, %dma_wait3A_339] : memref<8x128xi32, #tpu.memory_space<vmem>> -> memref<1x128xi32, #tpu.memory_space<vmem>>
    %dma_wait3A_341 = tpu.memref_squeeze %dma_wait3A_340 : memref<1x128xi32, #tpu.memory_space<vmem>> -> memref<128xi32, #tpu.memory_space<vmem>>
    %dma_wait3A_342 = tpu.memref_slice %arg3[%select_n3A, %add3A_100] : memref<4x8192xi32, #tpu.memory_space<hbm>> -> memref<1x128xi32, #tpu.memory_space<hbm>>
    %dma_wait3A_343 = tpu.memref_squeeze %dma_wait3A_342 : memref<1x128xi32, #tpu.memory_space<hbm>> -> memref<128xi32, #tpu.memory_space<hbm>>
    %dma_wait3A_344 = arith.constant 0 : i32
    %dma_wait3A_345 = tpu.memref_slice %arg11[%dma_wait3A_338, %dma_wait3A_344] : memref<8x128xi32, #tpu.memory_space<vmem>> -> memref<1x128xi32, #tpu.memory_space<vmem>>
    %dma_wait3A_346 = tpu.memref_squeeze %dma_wait3A_345 : memref<1x128xi32, #tpu.memory_space<vmem>> -> memref<128xi32, #tpu.memory_space<vmem>>
    %dma_wait3A_347 = tpu.memref_slice %arg3[%select_n3A, %add3A_100] : memref<4x8192xi32, #tpu.memory_space<hbm>> -> memref<1x128xi32, #tpu.memory_space<hbm>>
    %dma_wait3A_348 = tpu.memref_squeeze %dma_wait3A_347 : memref<1x128xi32, #tpu.memory_space<hbm>> -> memref<128xi32, #tpu.memory_space<hbm>>
    tpu.wait_dma2 semaphore(%arg25 : memref<!tpu.dma_semaphore, #tpu.memory_space<semaphore_mem>>) src(%dma_wait3A_348 : memref<128xi32, #tpu.memory_space<hbm>>) dst(%dma_wait3A_346 : memref<128xi32, #tpu.memory_space<vmem>>)
    %dma_wait3A_349 = arith.constant 3 : i32
    %dma_wait3A_350 = arith.constant 0 : i32
    %dma_wait3A_351 = tpu.memref_slice %arg10[%dma_wait3A_349, %dma_wait3A_350] : memref<8x128xi32, #tpu.memory_space<vmem>> -> memref<1x128xi32, #tpu.memory_space<vmem>>
    %dma_wait3A_352 = tpu.memref_squeeze %dma_wait3A_351 : memref<1x128xi32, #tpu.memory_space<vmem>> -> memref<128xi32, #tpu.memory_space<vmem>>
    %dma_wait3A_353 = tpu.memref_slice %arg2[%select_n3A, %add3A_113] : memref<4x8192xi32, #tpu.memory_space<hbm>> -> memref<1x128xi32, #tpu.memory_space<hbm>>
    %dma_wait3A_354 = tpu.memref_squeeze %dma_wait3A_353 : memref<1x128xi32, #tpu.memory_space<hbm>> -> memref<128xi32, #tpu.memory_space<hbm>>
    %dma_wait3A_355 = arith.constant 0 : i32
    %dma_wait3A_356 = tpu.memref_slice %arg10[%dma_wait3A_349, %dma_wait3A_355] : memref<8x128xi32, #tpu.memory_space<vmem>> -> memref<1x128xi32, #tpu.memory_space<vmem>>
    %dma_wait3A_357 = tpu.memref_squeeze %dma_wait3A_356 : memref<1x128xi32, #tpu.memory_space<vmem>> -> memref<128xi32, #tpu.memory_space<vmem>>
    %dma_wait3A_358 = tpu.memref_slice %arg2[%select_n3A, %add3A_113] : memref<4x8192xi32, #tpu.memory_space<hbm>> -> memref<1x128xi32, #tpu.memory_space<hbm>>
    %dma_wait3A_359 = tpu.memref_squeeze %dma_wait3A_358 : memref<1x128xi32, #tpu.memory_space<hbm>> -> memref<128xi32, #tpu.memory_space<hbm>>
    tpu.wait_dma2 semaphore(%arg25 : memref<!tpu.dma_semaphore, #tpu.memory_space<semaphore_mem>>) src(%dma_wait3A_359 : memref<128xi32, #tpu.memory_space<hbm>>) dst(%dma_wait3A_357 : memref<128xi32, #tpu.memory_space<vmem>>)
    %dma_wait3A_360 = arith.constant 3 : i32
    %dma_wait3A_361 = arith.constant 0 : i32
    %dma_wait3A_362 = tpu.memref_slice %arg11[%dma_wait3A_360, %dma_wait3A_361] : memref<8x128xi32, #tpu.memory_space<vmem>> -> memref<1x128xi32, #tpu.memory_space<vmem>>
    %dma_wait3A_363 = tpu.memref_squeeze %dma_wait3A_362 : memref<1x128xi32, #tpu.memory_space<vmem>> -> memref<128xi32, #tpu.memory_space<vmem>>
    %dma_wait3A_364 = tpu.memref_slice %arg3[%select_n3A, %add3A_126] : memref<4x8192xi32, #tpu.memory_space<hbm>> -> memref<1x128xi32, #tpu.memory_space<hbm>>
    %dma_wait3A_365 = tpu.memref_squeeze %dma_wait3A_364 : memref<1x128xi32, #tpu.memory_space<hbm>> -> memref<128xi32, #tpu.memory_space<hbm>>
    %dma_wait3A_366 = arith.constant 0 : i32
    %dma_wait3A_367 = tpu.memref_slice %arg11[%dma_wait3A_360, %dma_wait3A_366] : memref<8x128xi32, #tpu.memory_space<vmem>> -> memref<1x128xi32, #tpu.memory_space<vmem>>
    %dma_wait3A_368 = tpu.memref_squeeze %dma_wait3A_367 : memref<1x128xi32, #tpu.memory_space<vmem>> -> memref<128xi32, #tpu.memory_space<vmem>>
    %dma_wait3A_369 = tpu.memref_slice %arg3[%select_n3A, %add3A_126] : memref<4x8192xi32, #tpu.memory_space<hbm>> -> memref<1x128xi32, #tpu.memory_space<hbm>>
    %dma_wait3A_370 = tpu.memref_squeeze %dma_wait3A_369 : memref<1x128xi32, #tpu.memory_space<hbm>> -> memref<128xi32, #tpu.memory_space<hbm>>
    tpu.wait_dma2 semaphore(%arg25 : memref<!tpu.dma_semaphore, #tpu.memory_space<semaphore_mem>>) src(%dma_wait3A_370 : memref<128xi32, #tpu.memory_space<hbm>>) dst(%dma_wait3A_368 : memref<128xi32, #tpu.memory_space<vmem>>)
    %dma_wait3A_371 = arith.constant 4 : i32
    %dma_wait3A_372 = arith.constant 0 : i32
    %dma_wait3A_373 = tpu.memref_slice %arg10[%dma_wait3A_371, %dma_wait3A_372] : memref<8x128xi32, #tpu.memory_space<vmem>> -> memref<1x128xi32, #tpu.memory_space<vmem>>
    %dma_wait3A_374 = tpu.memref_squeeze %dma_wait3A_373 : memref<1x128xi32, #tpu.memory_space<vmem>> -> memref<128xi32, #tpu.memory_space<vmem>>
    %dma_wait3A_375 = tpu.memref_slice %arg2[%select_n3A, %add3A_139] : memref<4x8192xi32, #tpu.memory_space<hbm>> -> memref<1x128xi32, #tpu.memory_space<hbm>>
    %dma_wait3A_376 = tpu.memref_squeeze %dma_wait3A_375 : memref<1x128xi32, #tpu.memory_space<hbm>> -> memref<128xi32, #tpu.memory_space<hbm>>
    %dma_wait3A_377 = arith.constant 0 : i32
    %dma_wait3A_378 = tpu.memref_slice %arg10[%dma_wait3A_371, %dma_wait3A_377] : memref<8x128xi32, #tpu.memory_space<vmem>> -> memref<1x128xi32, #tpu.memory_space<vmem>>
    %dma_wait3A_379 = tpu.memref_squeeze %dma_wait3A_378 : memref<1x128xi32, #tpu.memory_space<vmem>> -> memref<128xi32, #tpu.memory_space<vmem>>
    %dma_wait3A_380 = tpu.memref_slice %arg2[%select_n3A, %add3A_139] : memref<4x8192xi32, #tpu.memory_space<hbm>> -> memref<1x128xi32, #tpu.memory_space<hbm>>
    %dma_wait3A_381 = tpu.memref_squeeze %dma_wait3A_380 : memref<1x128xi32, #tpu.memory_space<hbm>> -> memref<128xi32, #tpu.memory_space<hbm>>
    tpu.wait_dma2 semaphore(%arg25 : memref<!tpu.dma_semaphore, #tpu.memory_space<semaphore_mem>>) src(%dma_wait3A_381 : memref<128xi32, #tpu.memory_space<hbm>>) dst(%dma_wait3A_379 : memref<128xi32, #tpu.memory_space<vmem>>)
    %dma_wait3A_382 = arith.constant 4 : i32
    %dma_wait3A_383 = arith.constant 0 : i32
    %dma_wait3A_384 = tpu.memref_slice %arg11[%dma_wait3A_382, %dma_wait3A_383] : memref<8x128xi32, #tpu.memory_space<vmem>> -> memref<1x128xi32, #tpu.memory_space<vmem>>
    %dma_wait3A_385 = tpu.memref_squeeze %dma_wait3A_384 : memref<1x128xi32, #tpu.memory_space<vmem>> -> memref<128xi32, #tpu.memory_space<vmem>>
    %dma_wait3A_386 = tpu.memref_slice %arg3[%select_n3A, %add3A_152] : memref<4x8192xi32, #tpu.memory_space<hbm>> -> memref<1x128xi32, #tpu.memory_space<hbm>>
    %dma_wait3A_387 = tpu.memref_squeeze %dma_wait3A_386 : memref<1x128xi32, #tpu.memory_space<hbm>> -> memref<128xi32, #tpu.memory_space<hbm>>
    %dma_wait3A_388 = arith.constant 0 : i32
    %dma_wait3A_389 = tpu.memref_slice %arg11[%dma_wait3A_382, %dma_wait3A_388] : memref<8x128xi32, #tpu.memory_space<vmem>> -> memref<1x128xi32, #tpu.memory_space<vmem>>
    %dma_wait3A_390 = tpu.memref_squeeze %dma_wait3A_389 : memref<1x128xi32, #tpu.memory_space<vmem>> -> memref<128xi32, #tpu.memory_space<vmem>>
    %dma_wait3A_391 = tpu.memref_slice %arg3[%select_n3A, %add3A_152] : memref<4x8192xi32, #tpu.memory_space<hbm>> -> memref<1x128xi32, #tpu.memory_space<hbm>>
    %dma_wait3A_392 = tpu.memref_squeeze %dma_wait3A_391 : memref<1x128xi32, #tpu.memory_space<hbm>> -> memref<128xi32, #tpu.memory_space<hbm>>
    tpu.wait_dma2 semaphore(%arg25 : memref<!tpu.dma_semaphore, #tpu.memory_space<semaphore_mem>>) src(%dma_wait3A_392 : memref<128xi32, #tpu.memory_space<hbm>>) dst(%dma_wait3A_390 : memref<128xi32, #tpu.memory_space<vmem>>)
    %dma_wait3A_393 = arith.constant 5 : i32
    %dma_wait3A_394 = arith.constant 0 : i32
    %dma_wait3A_395 = tpu.memref_slice %arg10[%dma_wait3A_393, %dma_wait3A_394] : memref<8x128xi32, #tpu.memory_space<vmem>> -> memref<1x128xi32, #tpu.memory_space<vmem>>
    %dma_wait3A_396 = tpu.memref_squeeze %dma_wait3A_395 : memref<1x128xi32, #tpu.memory_space<vmem>> -> memref<128xi32, #tpu.memory_space<vmem>>
    %dma_wait3A_397 = tpu.memref_slice %arg2[%select_n3A, %add3A_165] : memref<4x8192xi32, #tpu.memory_space<hbm>> -> memref<1x128xi32, #tpu.memory_space<hbm>>
    %dma_wait3A_398 = tpu.memref_squeeze %dma_wait3A_397 : memref<1x128xi32, #tpu.memory_space<hbm>> -> memref<128xi32, #tpu.memory_space<hbm>>
    %dma_wait3A_399 = arith.constant 0 : i32
    %dma_wait3A_400 = tpu.memref_slice %arg10[%dma_wait3A_393, %dma_wait3A_399] : memref<8x128xi32, #tpu.memory_space<vmem>> -> memref<1x128xi32, #tpu.memory_space<vmem>>
    %dma_wait3A_401 = tpu.memref_squeeze %dma_wait3A_400 : memref<1x128xi32, #tpu.memory_space<vmem>> -> memref<128xi32, #tpu.memory_space<vmem>>
    %dma_wait3A_402 = tpu.memref_slice %arg2[%select_n3A, %add3A_165] : memref<4x8192xi32, #tpu.memory_space<hbm>> -> memref<1x128xi32, #tpu.memory_space<hbm>>
    %dma_wait3A_403 = tpu.memref_squeeze %dma_wait3A_402 : memref<1x128xi32, #tpu.memory_space<hbm>> -> memref<128xi32, #tpu.memory_space<hbm>>
    tpu.wait_dma2 semaphore(%arg25 : memref<!tpu.dma_semaphore, #tpu.memory_space<semaphore_mem>>) src(%dma_wait3A_403 : memref<128xi32, #tpu.memory_space<hbm>>) dst(%dma_wait3A_401 : memref<128xi32, #tpu.memory_space<vmem>>)
    %dma_wait3A_404 = arith.constant 5 : i32
    %dma_wait3A_405 = arith.constant 0 : i32
    %dma_wait3A_406 = tpu.memref_slice %arg11[%dma_wait3A_404, %dma_wait3A_405] : memref<8x128xi32, #tpu.memory_space<vmem>> -> memref<1x128xi32, #tpu.memory_space<vmem>>
    %dma_wait3A_407 = tpu.memref_squeeze %dma_wait3A_406 : memref<1x128xi32, #tpu.memory_space<vmem>> -> memref<128xi32, #tpu.memory_space<vmem>>
    %dma_wait3A_408 = tpu.memref_slice %arg3[%select_n3A, %add3A_178] : memref<4x8192xi32, #tpu.memory_space<hbm>> -> memref<1x128xi32, #tpu.memory_space<hbm>>
    %dma_wait3A_409 = tpu.memref_squeeze %dma_wait3A_408 : memref<1x128xi32, #tpu.memory_space<hbm>> -> memref<128xi32, #tpu.memory_space<hbm>>
    %dma_wait3A_410 = arith.constant 0 : i32
    %dma_wait3A_411 = tpu.memref_slice %arg11[%dma_wait3A_404, %dma_wait3A_410] : memref<8x128xi32, #tpu.memory_space<vmem>> -> memref<1x128xi32, #tpu.memory_space<vmem>>
    %dma_wait3A_412 = tpu.memref_squeeze %dma_wait3A_411 : memref<1x128xi32, #tpu.memory_space<vmem>> -> memref<128xi32, #tpu.memory_space<vmem>>
    %dma_wait3A_413 = tpu.memref_slice %arg3[%select_n3A, %add3A_178] : memref<4x8192xi32, #tpu.memory_space<hbm>> -> memref<1x128xi32, #tpu.memory_space<hbm>>
    %dma_wait3A_414 = tpu.memref_squeeze %dma_wait3A_413 : memref<1x128xi32, #tpu.memory_space<hbm>> -> memref<128xi32, #tpu.memory_space<hbm>>
    tpu.wait_dma2 semaphore(%arg25 : memref<!tpu.dma_semaphore, #tpu.memory_space<semaphore_mem>>) src(%dma_wait3A_414 : memref<128xi32, #tpu.memory_space<hbm>>) dst(%dma_wait3A_412 : memref<128xi32, #tpu.memory_space<vmem>>)
    %dma_wait3A_415 = arith.constant 6 : i32
    %dma_wait3A_416 = arith.constant 0 : i32
    %dma_wait3A_417 = tpu.memref_slice %arg10[%dma_wait3A_415, %dma_wait3A_416] : memref<8x128xi32, #tpu.memory_space<vmem>> -> memref<1x128xi32, #tpu.memory_space<vmem>>
    %dma_wait3A_418 = tpu.memref_squeeze %dma_wait3A_417 : memref<1x128xi32, #tpu.memory_space<vmem>> -> memref<128xi32, #tpu.memory_space<vmem>>
    %dma_wait3A_419 = tpu.memref_slice %arg2[%select_n3A, %add3A_191] : memref<4x8192xi32, #tpu.memory_space<hbm>> -> memref<1x128xi32, #tpu.memory_space<hbm>>
    %dma_wait3A_420 = tpu.memref_squeeze %dma_wait3A_419 : memref<1x128xi32, #tpu.memory_space<hbm>> -> memref<128xi32, #tpu.memory_space<hbm>>
    %dma_wait3A_421 = arith.constant 0 : i32
    %dma_wait3A_422 = tpu.memref_slice %arg10[%dma_wait3A_415, %dma_wait3A_421] : memref<8x128xi32, #tpu.memory_space<vmem>> -> memref<1x128xi32, #tpu.memory_space<vmem>>
    %dma_wait3A_423 = tpu.memref_squeeze %dma_wait3A_422 : memref<1x128xi32, #tpu.memory_space<vmem>> -> memref<128xi32, #tpu.memory_space<vmem>>
    %dma_wait3A_424 = tpu.memref_slice %arg2[%select_n3A, %add3A_191] : memref<4x8192xi32, #tpu.memory_space<hbm>> -> memref<1x128xi32, #tpu.memory_space<hbm>>
    %dma_wait3A_425 = tpu.memref_squeeze %dma_wait3A_424 : memref<1x128xi32, #tpu.memory_space<hbm>> -> memref<128xi32, #tpu.memory_space<hbm>>
    tpu.wait_dma2 semaphore(%arg25 : memref<!tpu.dma_semaphore, #tpu.memory_space<semaphore_mem>>) src(%dma_wait3A_425 : memref<128xi32, #tpu.memory_space<hbm>>) dst(%dma_wait3A_423 : memref<128xi32, #tpu.memory_space<vmem>>)
    %dma_wait3A_426 = arith.constant 6 : i32
    %dma_wait3A_427 = arith.constant 0 : i32
    %dma_wait3A_428 = tpu.memref_slice %arg11[%dma_wait3A_426, %dma_wait3A_427] : memref<8x128xi32, #tpu.memory_space<vmem>> -> memref<1x128xi32, #tpu.memory_space<vmem>>
    %dma_wait3A_429 = tpu.memref_squeeze %dma_wait3A_428 : memref<1x128xi32, #tpu.memory_space<vmem>> -> memref<128xi32, #tpu.memory_space<vmem>>
    %dma_wait3A_430 = tpu.memref_slice %arg3[%select_n3A, %add3A_204] : memref<4x8192xi32, #tpu.memory_space<hbm>> -> memref<1x128xi32, #tpu.memory_space<hbm>>
    %dma_wait3A_431 = tpu.memref_squeeze %dma_wait3A_430 : memref<1x128xi32, #tpu.memory_space<hbm>> -> memref<128xi32, #tpu.memory_space<hbm>>
    %dma_wait3A_432 = arith.constant 0 : i32
    %dma_wait3A_433 = tpu.memref_slice %arg11[%dma_wait3A_426, %dma_wait3A_432] : memref<8x128xi32, #tpu.memory_space<vmem>> -> memref<1x128xi32, #tpu.memory_space<vmem>>
    %dma_wait3A_434 = tpu.memref_squeeze %dma_wait3A_433 : memref<1x128xi32, #tpu.memory_space<vmem>> -> memref<128xi32, #tpu.memory_space<vmem>>
    %dma_wait3A_435 = tpu.memref_slice %arg3[%select_n3A, %add3A_204] : memref<4x8192xi32, #tpu.memory_space<hbm>> -> memref<1x128xi32, #tpu.memory_space<hbm>>
    %dma_wait3A_436 = tpu.memref_squeeze %dma_wait3A_435 : memref<1x128xi32, #tpu.memory_space<hbm>> -> memref<128xi32, #tpu.memory_space<hbm>>
    tpu.wait_dma2 semaphore(%arg25 : memref<!tpu.dma_semaphore, #tpu.memory_space<semaphore_mem>>) src(%dma_wait3A_436 : memref<128xi32, #tpu.memory_space<hbm>>) dst(%dma_wait3A_434 : memref<128xi32, #tpu.memory_space<vmem>>)
    %dma_wait3A_437 = arith.constant 7 : i32
    %dma_wait3A_438 = arith.constant 0 : i32
    %dma_wait3A_439 = tpu.memref_slice %arg10[%dma_wait3A_437, %dma_wait3A_438] : memref<8x128xi32, #tpu.memory_space<vmem>> -> memref<1x128xi32, #tpu.memory_space<vmem>>
    %dma_wait3A_440 = tpu.memref_squeeze %dma_wait3A_439 : memref<1x128xi32, #tpu.memory_space<vmem>> -> memref<128xi32, #tpu.memory_space<vmem>>
    %dma_wait3A_441 = tpu.memref_slice %arg2[%select_n3A, %add3A_217] : memref<4x8192xi32, #tpu.memory_space<hbm>> -> memref<1x128xi32, #tpu.memory_space<hbm>>
    %dma_wait3A_442 = tpu.memref_squeeze %dma_wait3A_441 : memref<1x128xi32, #tpu.memory_space<hbm>> -> memref<128xi32, #tpu.memory_space<hbm>>
    %dma_wait3A_443 = arith.constant 0 : i32
    %dma_wait3A_444 = tpu.memref_slice %arg10[%dma_wait3A_437, %dma_wait3A_443] : memref<8x128xi32, #tpu.memory_space<vmem>> -> memref<1x128xi32, #tpu.memory_space<vmem>>
    %dma_wait3A_445 = tpu.memref_squeeze %dma_wait3A_444 : memref<1x128xi32, #tpu.memory_space<vmem>> -> memref<128xi32, #tpu.memory_space<vmem>>
    %dma_wait3A_446 = tpu.memref_slice %arg2[%select_n3A, %add3A_217] : memref<4x8192xi32, #tpu.memory_space<hbm>> -> memref<1x128xi32, #tpu.memory_space<hbm>>
    %dma_wait3A_447 = tpu.memref_squeeze %dma_wait3A_446 : memref<1x128xi32, #tpu.memory_space<hbm>> -> memref<128xi32, #tpu.memory_space<hbm>>
    tpu.wait_dma2 semaphore(%arg25 : memref<!tpu.dma_semaphore, #tpu.memory_space<semaphore_mem>>) src(%dma_wait3A_447 : memref<128xi32, #tpu.memory_space<hbm>>) dst(%dma_wait3A_445 : memref<128xi32, #tpu.memory_space<vmem>>)
    %dma_wait3A_448 = arith.constant 7 : i32
    %dma_wait3A_449 = arith.constant 0 : i32
    %dma_wait3A_450 = tpu.memref_slice %arg11[%dma_wait3A_448, %dma_wait3A_449] : memref<8x128xi32, #tpu.memory_space<vmem>> -> memref<1x128xi32, #tpu.memory_space<vmem>>
    %dma_wait3A_451 = tpu.memref_squeeze %dma_wait3A_450 : memref<1x128xi32, #tpu.memory_space<vmem>> -> memref<128xi32, #tpu.memory_space<vmem>>
    %dma_wait3A_452 = tpu.memref_slice %arg3[%select_n3A, %add3A_230] : memref<4x8192xi32, #tpu.memory_space<hbm>> -> memref<1x128xi32, #tpu.memory_space<hbm>>
    %dma_wait3A_453 = tpu.memref_squeeze %dma_wait3A_452 : memref<1x128xi32, #tpu.memory_space<hbm>> -> memref<128xi32, #tpu.memory_space<hbm>>
    %dma_wait3A_454 = arith.constant 0 : i32
    %dma_wait3A_455 = tpu.memref_slice %arg11[%dma_wait3A_448, %dma_wait3A_454] : memref<8x128xi32, #tpu.memory_space<vmem>> -> memref<1x128xi32, #tpu.memory_space<vmem>>
    %dma_wait3A_456 = tpu.memref_squeeze %dma_wait3A_455 : memref<1x128xi32, #tpu.memory_space<vmem>> -> memref<128xi32, #tpu.memory_space<vmem>>
    %dma_wait3A_457 = tpu.memref_slice %arg3[%select_n3A, %add3A_230] : memref<4x8192xi32, #tpu.memory_space<hbm>> -> memref<1x128xi32, #tpu.memory_space<hbm>>
    %dma_wait3A_458 = tpu.memref_squeeze %dma_wait3A_457 : memref<1x128xi32, #tpu.memory_space<hbm>> -> memref<128xi32, #tpu.memory_space<hbm>>
    tpu.wait_dma2 semaphore(%arg25 : memref<!tpu.dma_semaphore, #tpu.memory_space<semaphore_mem>>) src(%dma_wait3A_458 : memref<128xi32, #tpu.memory_space<hbm>>) dst(%dma_wait3A_456 : memref<128xi32, #tpu.memory_space<vmem>>)
    %dma_wait3A_459 = arith.constant 0 : i32
    %dma_wait3A_460 = arith.constant 0 : i32
    %dma_wait3A_461 = tpu.memref_slice %arg18[%dma_wait3A_459, %dma_wait3A_460] : memref<4x128xf32, #tpu.memory_space<vmem>> -> memref<1x128xf32, #tpu.memory_space<vmem>>
    %dma_wait3A_462 = tpu.memref_squeeze %dma_wait3A_461 : memref<1x128xf32, #tpu.memory_space<vmem>> -> memref<128xf32, #tpu.memory_space<vmem>>
    %dma_wait3A_463 = arith.constant 0 : i32
    %dma_wait3A_464 = tpu.memref_slice %arg18[%dma_wait3A_459, %dma_wait3A_463] : memref<4x128xf32, #tpu.memory_space<vmem>> -> memref<1x128xf32, #tpu.memory_space<vmem>>
    %dma_wait3A_465 = tpu.memref_squeeze %dma_wait3A_464 : memref<1x128xf32, #tpu.memory_space<vmem>> -> memref<128xf32, #tpu.memory_space<vmem>>
    tpu.wait_dma2 semaphore(%arg25 : memref<!tpu.dma_semaphore, #tpu.memory_space<semaphore_mem>>) src(%arg7 : memref<128xf32, #tpu.memory_space<hbm>>) dst(%dma_wait3A_465 : memref<128xf32, #tpu.memory_space<vmem>>)
    %dma_wait3A_466 = arith.constant 1 : i32
    %dma_wait3A_467 = arith.constant 0 : i32
    %dma_wait3A_468 = tpu.memref_slice %arg18[%dma_wait3A_466, %dma_wait3A_467] : memref<4x128xf32, #tpu.memory_space<vmem>> -> memref<1x128xf32, #tpu.memory_space<vmem>>
    %dma_wait3A_469 = tpu.memref_squeeze %dma_wait3A_468 : memref<1x128xf32, #tpu.memory_space<vmem>> -> memref<128xf32, #tpu.memory_space<vmem>>
    %dma_wait3A_470 = arith.constant 0 : i32
    %dma_wait3A_471 = tpu.memref_slice %arg18[%dma_wait3A_466, %dma_wait3A_470] : memref<4x128xf32, #tpu.memory_space<vmem>> -> memref<1x128xf32, #tpu.memory_space<vmem>>
    %dma_wait3A_472 = tpu.memref_squeeze %dma_wait3A_471 : memref<1x128xf32, #tpu.memory_space<vmem>> -> memref<128xf32, #tpu.memory_space<vmem>>
    tpu.wait_dma2 semaphore(%arg25 : memref<!tpu.dma_semaphore, #tpu.memory_space<semaphore_mem>>) src(%arg8 : memref<128xf32, #tpu.memory_space<hbm>>) dst(%dma_wait3A_472 : memref<128xf32, #tpu.memory_space<vmem>>)
    %dma_wait3A_473 = arith.constant 0 : i32
    %dma_wait3A_474 = arith.constant 2 : i32
    %dma_wait3A_475 = arith.constant 0 : i32
    %dma_wait3A_476 = tpu.memref_slice %arg18[%dma_wait3A_474, %dma_wait3A_475] : memref<4x128xf32, #tpu.memory_space<vmem>> -> memref<1x128xf32, #tpu.memory_space<vmem>>
    %dma_wait3A_477 = tpu.memref_squeeze %dma_wait3A_476 : memref<1x128xf32, #tpu.memory_space<vmem>> -> memref<128xf32, #tpu.memory_space<vmem>>
    %dma_wait3A_478 = arith.constant 0 : i32
    %dma_wait3A_479 = tpu.memref_slice %arg5[%dma_wait3A_473, %dma_wait3A_478] : memref<2x128xf32, #tpu.memory_space<hbm>> -> memref<1x128xf32, #tpu.memory_space<hbm>>
    %dma_wait3A_480 = tpu.memref_squeeze %dma_wait3A_479 : memref<1x128xf32, #tpu.memory_space<hbm>> -> memref<128xf32, #tpu.memory_space<hbm>>
    %dma_wait3A_481 = arith.constant 0 : i32
    %dma_wait3A_482 = tpu.memref_slice %arg18[%dma_wait3A_474, %dma_wait3A_481] : memref<4x128xf32, #tpu.memory_space<vmem>> -> memref<1x128xf32, #tpu.memory_space<vmem>>
    %dma_wait3A_483 = tpu.memref_squeeze %dma_wait3A_482 : memref<1x128xf32, #tpu.memory_space<vmem>> -> memref<128xf32, #tpu.memory_space<vmem>>
    %dma_wait3A_484 = arith.constant 0 : i32
    %dma_wait3A_485 = tpu.memref_slice %arg5[%dma_wait3A_473, %dma_wait3A_484] : memref<2x128xf32, #tpu.memory_space<hbm>> -> memref<1x128xf32, #tpu.memory_space<hbm>>
    %dma_wait3A_486 = tpu.memref_squeeze %dma_wait3A_485 : memref<1x128xf32, #tpu.memory_space<hbm>> -> memref<128xf32, #tpu.memory_space<hbm>>
    tpu.wait_dma2 semaphore(%arg25 : memref<!tpu.dma_semaphore, #tpu.memory_space<semaphore_mem>>) src(%dma_wait3A_486 : memref<128xf32, #tpu.memory_space<hbm>>) dst(%dma_wait3A_483 : memref<128xf32, #tpu.memory_space<vmem>>)
    %dma_wait3A_487 = arith.constant 1 : i32
    %dma_wait3A_488 = arith.constant 3 : i32
    %dma_wait3A_489 = arith.constant 0 : i32
    %dma_wait3A_490 = tpu.memref_slice %arg18[%dma_wait3A_488, %dma_wait3A_489] : memref<4x128xf32, #tpu.memory_space<vmem>> -> memref<1x128xf32, #tpu.memory_space<vmem>>
    %dma_wait3A_491 = tpu.memref_squeeze %dma_wait3A_490 : memref<1x128xf32, #tpu.memory_space<vmem>> -> memref<128xf32, #tpu.memory_space<vmem>>
    %dma_wait3A_492 = arith.constant 0 : i32
    %dma_wait3A_493 = tpu.memref_slice %arg5[%dma_wait3A_487, %dma_wait3A_492] : memref<2x128xf32, #tpu.memory_space<hbm>> -> memref<1x128xf32, #tpu.memory_space<hbm>>
    %dma_wait3A_494 = tpu.memref_squeeze %dma_wait3A_493 : memref<1x128xf32, #tpu.memory_space<hbm>> -> memref<128xf32, #tpu.memory_space<hbm>>
    %dma_wait3A_495 = arith.constant 0 : i32
    %dma_wait3A_496 = tpu.memref_slice %arg18[%dma_wait3A_488, %dma_wait3A_495] : memref<4x128xf32, #tpu.memory_space<vmem>> -> memref<1x128xf32, #tpu.memory_space<vmem>>
    %dma_wait3A_497 = tpu.memref_squeeze %dma_wait3A_496 : memref<1x128xf32, #tpu.memory_space<vmem>> -> memref<128xf32, #tpu.memory_space<vmem>>
    %dma_wait3A_498 = arith.constant 0 : i32
    %dma_wait3A_499 = tpu.memref_slice %arg5[%dma_wait3A_487, %dma_wait3A_498] : memref<2x128xf32, #tpu.memory_space<hbm>> -> memref<1x128xf32, #tpu.memory_space<hbm>>
    %dma_wait3A_500 = tpu.memref_squeeze %dma_wait3A_499 : memref<1x128xf32, #tpu.memory_space<hbm>> -> memref<128xf32, #tpu.memory_space<hbm>>
    tpu.wait_dma2 semaphore(%arg25 : memref<!tpu.dma_semaphore, #tpu.memory_space<semaphore_mem>>) src(%dma_wait3A_500 : memref<128xf32, #tpu.memory_space<hbm>>) dst(%dma_wait3A_497 : memref<128xf32, #tpu.memory_space<vmem>>)
    %get3A = arith.constant 0 : i32
    %get3A_501 = arith.index_cast %get3A : i32 to index
    %get3A_502 = arith.constant 0 : index
    %get3A_503 = tpu.vector_load %arg18[%get3A_501, %get3A_502] {strides = array<i32>} : memref<4x128xf32, #tpu.memory_space<vmem>>, vector<16xf32>,
    %get3A_504 = arith.constant 0 : i32
    %get3A_505 = arith.index_cast %get3A_504 : i32 to index
    %get3A_506 = arith.constant 16 : index
    %get3A_507 = tpu.vector_load %arg18[%get3A_505, %get3A_506] {strides = array<i32>} : memref<4x128xf32, #tpu.memory_space<vmem>>, vector<16xf32>,
    %get3A_508 = arith.constant 0 : i32
    %get3A_509 = arith.index_cast %get3A_508 : i32 to index
    %get3A_510 = arith.constant 32 : index
    %get3A_511 = tpu.vector_load %arg18[%get3A_509, %get3A_510] {strides = array<i32>} : memref<4x128xf32, #tpu.memory_space<vmem>>, vector<16xf32>,
    %get3A_512 = arith.constant 0 : i32
    %get3A_513 = arith.index_cast %get3A_512 : i32 to index
    %get3A_514 = arith.constant 48 : index
    %get3A_515 = tpu.vector_load %arg18[%get3A_513, %get3A_514] {strides = array<i32>} : memref<4x128xf32, #tpu.memory_space<vmem>>, vector<16xf32>,
    %get3A_516 = arith.constant 0 : i32
    %get3A_517 = arith.index_cast %get3A_516 : i32 to index
    %get3A_518 = arith.constant 64 : index
    %get3A_519 = tpu.vector_load %arg18[%get3A_517, %get3A_518] {strides = array<i32>} : memref<4x128xf32, #tpu.memory_space<vmem>>, vector<16xf32>,
    %get3A_520 = arith.constant 0 : i32
    %get3A_521 = arith.index_cast %get3A_520 : i32 to index
    %get3A_522 = arith.constant 80 : index
    %get3A_523 = tpu.vector_load %arg18[%get3A_521, %get3A_522] {strides = array<i32>} : memref<4x128xf32, #tpu.memory_space<vmem>>, vector<16xf32>,
    %get3A_524 = arith.constant 0 : i32
    %get3A_525 = arith.index_cast %get3A_524 : i32 to index
    %get3A_526 = arith.constant 96 : index
    %get3A_527 = tpu.vector_load %arg18[%get3A_525, %get3A_526] {strides = array<i32>} : memref<4x128xf32, #tpu.memory_space<vmem>>, vector<16xf32>,
    %get3A_528 = arith.constant 0 : i32
    %get3A_529 = arith.index_cast %get3A_528 : i32 to index
    %get3A_530 = arith.constant 112 : index
    %get3A_531 = tpu.vector_load %arg18[%get3A_529, %get3A_530] {strides = array<i32>} : memref<4x128xf32, #tpu.memory_space<vmem>>, vector<16xf32>,
    %get3A_532 = arith.constant 1 : i32
    %get3A_533 = arith.index_cast %get3A_532 : i32 to index
    %get3A_534 = arith.constant 0 : index
    %get3A_535 = tpu.vector_load %arg18[%get3A_533, %get3A_534] {strides = array<i32>} : memref<4x128xf32, #tpu.memory_space<vmem>>, vector<16xf32>,
    %get3A_536 = arith.constant 1 : i32
    %get3A_537 = arith.index_cast %get3A_536 : i32 to index
    %get3A_538 = arith.constant 16 : index
    %get3A_539 = tpu.vector_load %arg18[%get3A_537, %get3A_538] {strides = array<i32>} : memref<4x128xf32, #tpu.memory_space<vmem>>, vector<16xf32>,
    %get3A_540 = arith.constant 1 : i32
    %get3A_541 = arith.index_cast %get3A_540 : i32 to index
    %get3A_542 = arith.constant 32 : index
    %get3A_543 = tpu.vector_load %arg18[%get3A_541, %get3A_542] {strides = array<i32>} : memref<4x128xf32, #tpu.memory_space<vmem>>, vector<16xf32>,
    %get3A_544 = arith.constant 1 : i32
    %get3A_545 = arith.index_cast %get3A_544 : i32 to index
    %get3A_546 = arith.constant 48 : index
    %get3A_547 = tpu.vector_load %arg18[%get3A_545, %get3A_546] {strides = array<i32>} : memref<4x128xf32, #tpu.memory_space<vmem>>, vector<16xf32>,
    %get3A_548 = arith.constant 1 : i32
    %get3A_549 = arith.index_cast %get3A_548 : i32 to index
    %get3A_550 = arith.constant 64 : index
    %get3A_551 = tpu.vector_load %arg18[%get3A_549, %get3A_550] {strides = array<i32>} : memref<4x128xf32, #tpu.memory_space<vmem>>, vector<16xf32>,
    %get3A_552 = arith.constant 1 : i32
    %get3A_553 = arith.index_cast %get3A_552 : i32 to index
    %get3A_554 = arith.constant 80 : index
    %get3A_555 = tpu.vector_load %arg18[%get3A_553, %get3A_554] {strides = array<i32>} : memref<4x128xf32, #tpu.memory_space<vmem>>, vector<16xf32>,
    %get3A_556 = arith.constant 1 : i32
    %get3A_557 = arith.index_cast %get3A_556 : i32 to index
    %get3A_558 = arith.constant 96 : index
    %get3A_559 = tpu.vector_load %arg18[%get3A_557, %get3A_558] {strides = array<i32>} : memref<4x128xf32, #tpu.memory_space<vmem>>, vector<16xf32>,
    %get3A_560 = arith.constant 1 : i32
    %get3A_561 = arith.index_cast %get3A_560 : i32 to index
    %get3A_562 = arith.constant 112 : index
    %get3A_563 = tpu.vector_load %arg18[%get3A_561, %get3A_562] {strides = array<i32>} : memref<4x128xf32, #tpu.memory_space<vmem>>, vector<16xf32>,
    %get3A_564 = arith.constant 2 : i32
    %get3A_565 = arith.index_cast %get3A_564 : i32 to index
    %get3A_566 = arith.constant 0 : index
    %get3A_567 = tpu.vector_load %arg18[%get3A_565, %get3A_566] {strides = array<i32>} : memref<4x128xf32, #tpu.memory_space<vmem>>, vector<16xf32>,
    %mul3A_568 = arith.constant 11.3137083 : f32
    %mul3A_569 = vector.broadcast %mul3A_568 : f32 to vector<16xf32>
    %mul3A_570 = arith.mulf %mul3A_569, %get3A_567 : vector<16xf32>
    %get3A_571 = arith.constant 2 : i32
    %get3A_572 = arith.index_cast %get3A_571 : i32 to index
    %get3A_573 = arith.constant 16 : index
    %get3A_574 = tpu.vector_load %arg18[%get3A_572, %get3A_573] {strides = array<i32>} : memref<4x128xf32, #tpu.memory_space<vmem>>, vector<16xf32>,
    %mul3A_575 = arith.constant 11.3137083 : f32
    %mul3A_576 = vector.broadcast %mul3A_575 : f32 to vector<16xf32>
    %mul3A_577 = arith.mulf %mul3A_576, %get3A_574 : vector<16xf32>
    %get3A_578 = arith.constant 2 : i32
    %get3A_579 = arith.index_cast %get3A_578 : i32 to index
    %get3A_580 = arith.constant 32 : index
    %get3A_581 = tpu.vector_load %arg18[%get3A_579, %get3A_580] {strides = array<i32>} : memref<4x128xf32, #tpu.memory_space<vmem>>, vector<16xf32>,
    %mul3A_582 = arith.constant 11.3137083 : f32
    %mul3A_583 = vector.broadcast %mul3A_582 : f32 to vector<16xf32>
    %mul3A_584 = arith.mulf %mul3A_583, %get3A_581 : vector<16xf32>
    %get3A_585 = arith.constant 2 : i32
    %get3A_586 = arith.index_cast %get3A_585 : i32 to index
    %get3A_587 = arith.constant 48 : index
    %get3A_588 = tpu.vector_load %arg18[%get3A_586, %get3A_587] {strides = array<i32>} : memref<4x128xf32, #tpu.memory_space<vmem>>, vector<16xf32>,
    %mul3A_589 = arith.constant 11.3137083 : f32
    %mul3A_590 = vector.broadcast %mul3A_589 : f32 to vector<16xf32>
    %mul3A_591 = arith.mulf %mul3A_590, %get3A_588 : vector<16xf32>
    %get3A_592 = arith.constant 2 : i32
    %get3A_593 = arith.index_cast %get3A_592 : i32 to index
    %get3A_594 = arith.constant 64 : index
    %get3A_595 = tpu.vector_load %arg18[%get3A_593, %get3A_594] {strides = array<i32>} : memref<4x128xf32, #tpu.memory_space<vmem>>, vector<16xf32>,
    %mul3A_596 = arith.constant 11.3137083 : f32
    %mul3A_597 = vector.broadcast %mul3A_596 : f32 to vector<16xf32>
    %mul3A_598 = arith.mulf %mul3A_597, %get3A_595 : vector<16xf32>
    %get3A_599 = arith.constant 2 : i32
    %get3A_600 = arith.index_cast %get3A_599 : i32 to index
    %get3A_601 = arith.constant 80 : index
    %get3A_602 = tpu.vector_load %arg18[%get3A_600, %get3A_601] {strides = array<i32>} : memref<4x128xf32, #tpu.memory_space<vmem>>, vector<16xf32>,
    %mul3A_603 = arith.constant 11.3137083 : f32
    %mul3A_604 = vector.broadcast %mul3A_603 : f32 to vector<16xf32>
    %mul3A_605 = arith.mulf %mul3A_604, %get3A_602 : vector<16xf32>
    %get3A_606 = arith.constant 2 : i32
    %get3A_607 = arith.index_cast %get3A_606 : i32 to index
    %get3A_608 = arith.constant 96 : index
    %get3A_609 = tpu.vector_load %arg18[%get3A_607, %get3A_608] {strides = array<i32>} : memref<4x128xf32, #tpu.memory_space<vmem>>, vector<16xf32>,
    %mul3A_610 = arith.constant 11.3137083 : f32
    %mul3A_611 = vector.broadcast %mul3A_610 : f32 to vector<16xf32>
    %mul3A_612 = arith.mulf %mul3A_611, %get3A_609 : vector<16xf32>
    %get3A_613 = arith.constant 2 : i32
    %get3A_614 = arith.index_cast %get3A_613 : i32 to index
    %get3A_615 = arith.constant 112 : index
    %get3A_616 = tpu.vector_load %arg18[%get3A_614, %get3A_615] {strides = array<i32>} : memref<4x128xf32, #tpu.memory_space<vmem>>, vector<16xf32>,
    %mul3A_617 = arith.constant 11.3137083 : f32
    %mul3A_618 = vector.broadcast %mul3A_617 : f32 to vector<16xf32>
    %mul3A_619 = arith.mulf %mul3A_618, %get3A_616 : vector<16xf32>
    %get3A_620 = arith.constant 3 : i32
    %get3A_621 = arith.index_cast %get3A_620 : i32 to index
    %get3A_622 = arith.constant 0 : index
    %get3A_623 = tpu.vector_load %arg18[%get3A_621, %get3A_622] {strides = array<i32>} : memref<4x128xf32, #tpu.memory_space<vmem>>, vector<16xf32>,
    %mul3A_624 = arith.constant 11.3137083 : f32
    %mul3A_625 = vector.broadcast %mul3A_624 : f32 to vector<16xf32>
    %mul3A_626 = arith.mulf %mul3A_625, %get3A_623 : vector<16xf32>
    %get3A_627 = arith.constant 3 : i32
    %get3A_628 = arith.index_cast %get3A_627 : i32 to index
    %get3A_629 = arith.constant 16 : index
    %get3A_630 = tpu.vector_load %arg18[%get3A_628, %get3A_629] {strides = array<i32>} : memref<4x128xf32, #tpu.memory_space<vmem>>, vector<16xf32>,
    %mul3A_631 = arith.constant 11.3137083 : f32
    %mul3A_632 = vector.broadcast %mul3A_631 : f32 to vector<16xf32>
    %mul3A_633 = arith.mulf %mul3A_632, %get3A_630 : vector<16xf32>
    %get3A_634 = arith.constant 3 : i32
    %get3A_635 = arith.index_cast %get3A_634 : i32 to index
    %get3A_636 = arith.constant 32 : index
    %get3A_637 = tpu.vector_load %arg18[%get3A_635, %get3A_636] {strides = array<i32>} : memref<4x128xf32, #tpu.memory_space<vmem>>, vector<16xf32>,
    %mul3A_638 = arith.constant 11.3137083 : f32
    %mul3A_639 = vector.broadcast %mul3A_638 : f32 to vector<16xf32>
    %mul3A_640 = arith.mulf %mul3A_639, %get3A_637 : vector<16xf32>
    %get3A_641 = arith.constant 3 : i32
    %get3A_642 = arith.index_cast %get3A_641 : i32 to index
    %get3A_643 = arith.constant 48 : index
    %get3A_644 = tpu.vector_load %arg18[%get3A_642, %get3A_643] {strides = array<i32>} : memref<4x128xf32, #tpu.memory_space<vmem>>, vector<16xf32>,
    %mul3A_645 = arith.constant 11.3137083 : f32
    %mul3A_646 = vector.broadcast %mul3A_645 : f32 to vector<16xf32>
    %mul3A_647 = arith.mulf %mul3A_646, %get3A_644 : vector<16xf32>
    %get3A_648 = arith.constant 3 : i32
    %get3A_649 = arith.index_cast %get3A_648 : i32 to index
    %get3A_650 = arith.constant 64 : index
    %get3A_651 = tpu.vector_load %arg18[%get3A_649, %get3A_650] {strides = array<i32>} : memref<4x128xf32, #tpu.memory_space<vmem>>, vector<16xf32>,
    %mul3A_652 = arith.constant 11.3137083 : f32
    %mul3A_653 = vector.broadcast %mul3A_652 : f32 to vector<16xf32>
    %mul3A_654 = arith.mulf %mul3A_653, %get3A_651 : vector<16xf32>
    %get3A_655 = arith.constant 3 : i32
    %get3A_656 = arith.index_cast %get3A_655 : i32 to index
    %get3A_657 = arith.constant 80 : index
    %get3A_658 = tpu.vector_load %arg18[%get3A_656, %get3A_657] {strides = array<i32>} : memref<4x128xf32, #tpu.memory_space<vmem>>, vector<16xf32>,
    %mul3A_659 = arith.constant 11.3137083 : f32
    %mul3A_660 = vector.broadcast %mul3A_659 : f32 to vector<16xf32>
    %mul3A_661 = arith.mulf %mul3A_660, %get3A_658 : vector<16xf32>
    %get3A_662 = arith.constant 3 : i32
    %get3A_663 = arith.index_cast %get3A_662 : i32 to index
    %get3A_664 = arith.constant 96 : index
    %get3A_665 = tpu.vector_load %arg18[%get3A_663, %get3A_664] {strides = array<i32>} : memref<4x128xf32, #tpu.memory_space<vmem>>, vector<16xf32>,
    %mul3A_666 = arith.constant 11.3137083 : f32
    %mul3A_667 = vector.broadcast %mul3A_666 : f32 to vector<16xf32>
    %mul3A_668 = arith.mulf %mul3A_667, %get3A_665 : vector<16xf32>
    %get3A_669 = arith.constant 3 : i32
    %get3A_670 = arith.index_cast %get3A_669 : i32 to index
    %get3A_671 = arith.constant 112 : index
    %get3A_672 = tpu.vector_load %arg18[%get3A_670, %get3A_671] {strides = array<i32>} : memref<4x128xf32, #tpu.memory_space<vmem>>, vector<16xf32>,
    %mul3A_673 = arith.constant 11.3137083 : f32
    %mul3A_674 = vector.broadcast %mul3A_673 : f32 to vector<16xf32>
    %mul3A_675 = arith.mulf %mul3A_674, %get3A_672 : vector<16xf32>
    %dma_start3A_676 = arith.constant 0 : i32
    %dma_start3A_677 = arith.constant 0 : i32
    %dma_start3A_678 = tpu.memref_slice %arg10[%dma_start3A_676, %dma_start3A_677] : memref<8x128xi32, #tpu.memory_space<vmem>> -> memref<1x128xi32, #tpu.memory_space<vmem>>
    %dma_start3A_679 = tpu.memref_squeeze %dma_start3A_678 : memref<1x128xi32, #tpu.memory_space<vmem>> -> memref<128xi32, #tpu.memory_space<vmem>>
    %dma_start3A_680 = arith.constant 0 : i32
    %dma_start3A_681 = arith.constant 0 : i32
    %dma_start3A_682 = tpu.memref_slice %arg4[%dma_start3A_680, %dma_start3A_681] : memref<100000x128xf32, #tpu.memory_space<hbm>> -> memref<100000x128xf32, #tpu.memory_space<hbm>>
    tpu.enqueue_indirect_dma source(%dma_start3A_682 : memref<100000x128xf32, #tpu.memory_space<hbm>>) target(%arg12 : memref<128x128xf32, #tpu.memory_space<vmem>>) offsets(%dma_start3A_679 : memref<128xi32, #tpu.memory_space<vmem>>) semaphore(%arg19 : memref<!tpu.dma_semaphore, #tpu.memory_space<semaphore_mem>>)
    %add3A_683 = arith.constant 0 : i32
    %add3A_684 = arith.addi %mul3A_32, %add3A_683 : i32
    %dma_start3A_685 = arith.constant 0 : i32
    %dma_start3A_686 = tpu.memref_slice %arg6[%add3A_684, %dma_start3A_685] : memref<8192x128xf32, #tpu.memory_space<hbm>> -> memref<128x128xf32, #tpu.memory_space<hbm>>
    %dma_start3A_687 = arith.constant 0 : i32
    %dma_start3A_688 = tpu.memref_slice %arg6[%add3A_684, %dma_start3A_687] : memref<8192x128xf32, #tpu.memory_space<hbm>> -> memref<128x128xf32, #tpu.memory_space<hbm>>
    tpu.enqueue_dma source(%dma_start3A_688 : memref<128x128xf32, #tpu.memory_space<hbm>>) target(%arg14 : memref<128x128xf32, #tpu.memory_space<vmem>>) target_semaphore(%arg21 : memref<!tpu.dma_semaphore, #tpu.memory_space<semaphore_mem>>)
    %dma_start3A_689 = arith.constant 1 : i32
    %dma_start3A_690 = arith.constant 0 : i32
    %dma_start3A_691 = tpu.memref_slice %arg10[%dma_start3A_689, %dma_start3A_690] : memref<8x128xi32, #tpu.memory_space<vmem>> -> memref<1x128xi32, #tpu.memory_space<vmem>>
    %dma_start3A_692 = tpu.memref_squeeze %dma_start3A_691 : memref<1x128xi32, #tpu.memory_space<vmem>> -> memref<128xi32, #tpu.memory_space<vmem>>
    %dma_start3A_693 = arith.constant 0 : i32
    %dma_start3A_694 = arith.constant 0 : i32
    %dma_start3A_695 = tpu.memref_slice %arg4[%dma_start3A_693, %dma_start3A_694] : memref<100000x128xf32, #tpu.memory_space<hbm>> -> memref<100000x128xf32, #tpu.memory_space<hbm>>
    tpu.enqueue_indirect_dma source(%dma_start3A_695 : memref<100000x128xf32, #tpu.memory_space<hbm>>) target(%arg13 : memref<128x128xf32, #tpu.memory_space<vmem>>) offsets(%dma_start3A_692 : memref<128xi32, #tpu.memory_space<vmem>>) semaphore(%arg20 : memref<!tpu.dma_semaphore, #tpu.memory_space<semaphore_mem>>)
    %add3A_696 = arith.constant 128 : i32
    %add3A_697 = arith.addi %mul3A_32, %add3A_696 : i32
    %dma_start3A_698 = arith.constant 0 : i32
    %dma_start3A_699 = tpu.memref_slice %arg6[%add3A_697, %dma_start3A_698] : memref<8192x128xf32, #tpu.memory_space<hbm>> -> memref<128x128xf32, #tpu.memory_space<hbm>>
    %dma_start3A_700 = arith.constant 0 : i32
    %dma_start3A_701 = tpu.memref_slice %arg6[%add3A_697, %dma_start3A_700] : memref<8192x128xf32, #tpu.memory_space<hbm>> -> memref<128x128xf32, #tpu.memory_space<hbm>>
    tpu.enqueue_dma source(%dma_start3A_701 : memref<128x128xf32, #tpu.memory_space<hbm>>) target(%arg15 : memref<128x128xf32, #tpu.memory_space<vmem>>) target_semaphore(%arg22 : memref<!tpu.dma_semaphore, #tpu.memory_space<semaphore_mem>>)
    %scan3A = arith.constant 0 : i32
    %scan3A_702 = arith.constant 11.3137083 : f32
    %scan3A_703 = arith.constant 7.812500e-03 : f32
    %scan3A_704 = arith.constant 0 : i32
    %scan3A_705 = arith.constant 4 : i32
    %scan3A_706 = arith.addi %scan3A_704, %scan3A_705 : i32
    %scan3A_707 = arith.constant 1 : i32
    scf.for %scan3A_721 = %scan3A_704 to %scan3A_706 step %scan3A_707  : i32 {
      %mul3A_722 = arith.constant 2 : i32
      %mul3A_723 = arith.muli %mul3A_722, %scan3A_721 : i32
      %dma_wait3A_724 = arith.constant 0 : i32
      %dma_wait3A_725 = tpu.memref_slice %arg10[%mul3A_723, %dma_wait3A_724] : memref<8x128xi32, #tpu.memory_space<vmem>> -> memref<1x128xi32, #tpu.memory_space<vmem>>
      %dma_wait3A_726 = tpu.memref_squeeze %dma_wait3A_725 : memref<1x128xi32, #tpu.memory_space<vmem>> -> memref<128xi32, #tpu.memory_space<vmem>>
      %dma_wait3A_727 = arith.constant 0 : i32
      %dma_wait3A_728 = arith.constant 0 : i32
      %dma_wait3A_729 = tpu.memref_slice %arg4[%dma_wait3A_727, %dma_wait3A_728] : memref<100000x128xf32, #tpu.memory_space<hbm>> -> memref<100000x128xf32, #tpu.memory_space<hbm>>
      tpu.wait_indirect_dma semaphore(%arg19 : memref<!tpu.dma_semaphore, #tpu.memory_space<semaphore_mem>>) src(%dma_wait3A_729 : memref<100000x128xf32, #tpu.memory_space<hbm>>) dst(%arg12 : memref<128x128xf32, #tpu.memory_space<vmem>>)
      %mul3A_730 = arith.constant 128 : i32
      %mul3A_731 = arith.muli %mul3A_723, %mul3A_730 : i32
      %add3A_732 = arith.addi %mul3A_32, %mul3A_731 : i32
      %dma_wait3A_733 = arith.constant 0 : i32
      %dma_wait3A_734 = tpu.memref_slice %arg6[%add3A_732, %dma_wait3A_733] : memref<8192x128xf32, #tpu.memory_space<hbm>> -> memref<128x128xf32, #tpu.memory_space<hbm>>
      %dma_wait3A_735 = arith.constant 0 : i32
      %dma_wait3A_736 = tpu.memref_slice %arg6[%add3A_732, %dma_wait3A_735] : memref<8192x128xf32, #tpu.memory_space<hbm>> -> memref<128x128xf32, #tpu.memory_space<hbm>>
      tpu.wait_dma2 semaphore(%arg21 : memref<!tpu.dma_semaphore, #tpu.memory_space<semaphore_mem>>) src(%dma_wait3A_736 : memref<128x128xf32, #tpu.memory_space<hbm>>) dst(%arg14 : memref<128x128xf32, #tpu.memory_space<vmem>>)
      %ge3A = arith.constant 2 : i32
      %ge3A_737 = arith.cmpi sge, %mul3A_723, %ge3A : i32
      %convert_element_type3A = arith.extui %ge3A_737 : i1 to i32
      %cond3A = arith.constant 0 : i32
      %cond3A_738 = arith.cmpi ne, %convert_element_type3A, %cond3A : i32
      scf.if %cond3A_738 {
        %sub3A_796 = arith.constant 2 : i32
        %sub3A_797 = arith.subi %mul3A_723, %sub3A_796 : i32
        %mul3A_798 = arith.constant 128 : i32
        %mul3A_799 = arith.muli %sub3A_797, %mul3A_798 : i32
        %add3A_800 = arith.addi %mul3A_34, %mul3A_799 : i32
        %dma_wait3A_801 = arith.constant 0 : i32
        %dma_wait3A_802 = tpu.memref_slice %arg9[%add3A_800, %dma_wait3A_801] : memref<32768x128xf32, #tpu.memory_space<hbm>> -> memref<128x128xf32, #tpu.memory_space<hbm>>
        %dma_wait3A_803 = arith.constant 0 : i32
        %dma_wait3A_804 = tpu.memref_slice %arg9[%add3A_800, %dma_wait3A_803] : memref<32768x128xf32, #tpu.memory_space<hbm>> -> memref<128x128xf32, #tpu.memory_space<hbm>>
        tpu.wait_dma2 semaphore(%arg23 : memref<!tpu.dma_semaphore, #tpu.memory_space<semaphore_mem>>) src(%arg16 : memref<128x128xf32, #tpu.memory_space<vmem>>) dst(%dma_wait3A_804 : memref<128x128xf32, #tpu.memory_space<hbm>>)
      } else {
      }
      %parallel_loop3A = arith.constant 0 : i32
      %parallel_loop3A_739 = arith.constant 128 : i32
      %parallel_loop3A_740 = arith.constant 1 : i32
      scf.for %parallel_loop3A_796 = %parallel_loop3A to %parallel_loop3A_739 step %parallel_loop3A_740  : i32 {
        %parallel_loop3A_797 = arith.constant 4 : i32
        %parallel_loop3A_798 = arith.shrui %parallel_loop3A_796, %parallel_loop3A_797 : i32
        %parallel_loop3A_799 = arith.constant 15 : i32
        %parallel_loop3A_800 = arith.andi %parallel_loop3A_796, %parallel_loop3A_799 : i32
        %parallel_loop3A_801 = arith.constant 16 : i32
        %parallel_loop3A_802 = arith.muli %parallel_loop3A_798, %parallel_loop3A_801 : i32
        %parallel_loop3A_803 = arith.constant 0 : i32
        %parallel_loop3A_804 = tpu.memref_slice %arg11[%mul3A_723, %parallel_loop3A_803] : memref<8x128xi32, #tpu.memory_space<vmem>> -> memref<1x128xi32, #tpu.memory_space<vmem>>
        %parallel_loop3A_805 = tpu.memref_squeeze %parallel_loop3A_804 : memref<1x128xi32, #tpu.memory_space<vmem>> -> memref<128xi32, #tpu.memory_space<vmem>>
        %parallel_loop3A_806 = arith.index_cast %parallel_loop3A_802 : i32 to index
        %parallel_loop3A_807 = tpu.vector_load %parallel_loop3A_805[%parallel_loop3A_806] {strides = array<i32>} : memref<128xi32, #tpu.memory_space<vmem>>, vector<16xi32>,
        %parallel_loop3A_808 = vector.broadcast %parallel_loop3A_800 : i32 to vector<16x1xi32>
        %parallel_loop3A_809 = vector.shape_cast %parallel_loop3A_808 : vector<16x1xi32> to vector<16xi32>
        %parallel_loop3A_810 = tpu.dynamic_gather %parallel_loop3A_807[%parallel_loop3A_809] in [0] : vector<16xi32>, vector<16xi32> -> vector<16xi32>
        %parallel_loop3A_811 = arith.constant 0 : i32
        %parallel_loop3A_812 = vector.broadcast %parallel_loop3A_811 : i32 to vector<16xi32>
        %parallel_loop3A_813 = arith.cmpi eq, %parallel_loop3A_810, %parallel_loop3A_812 : vector<16xi32>
        %parallel_loop3A_814 = arith.index_cast %parallel_loop3A_796 : i32 to index
        %parallel_loop3A_815 = arith.constant 0 : index
        %parallel_loop3A_816 = tpu.vector_load %arg12[%parallel_loop3A_814, %parallel_loop3A_815] {strides = array<i32>} : memref<128x128xf32, #tpu.memory_space<vmem>>, vector<16xf32>,
        %parallel_loop3A_817 = arith.index_cast %parallel_loop3A_796 : i32 to index
        %parallel_loop3A_818 = arith.constant 0 : index
        %parallel_loop3A_819 = tpu.vector_load %arg14[%parallel_loop3A_817, %parallel_loop3A_818] {strides = array<i32>} : memref<128x128xf32, #tpu.memory_space<vmem>>, vector<16xf32>,
        %parallel_loop3A_820 = arith.select %parallel_loop3A_813, %mul3A_570, %mul3A_626 : vector<16xi1>, vector<16xf32>
        %parallel_loop3A_821 = vector.broadcast %scan3A_702 : f32 to vector<16xf32>
        %parallel_loop3A_822 = arith.mulf %parallel_loop3A_821, %parallel_loop3A_816 : vector<16xf32>
        %parallel_loop3A_823 = arith.addf %parallel_loop3A_822, %parallel_loop3A_820 : vector<16xf32>
        %parallel_loop3A_824 = arith.addf %parallel_loop3A_823, %parallel_loop3A_819 : vector<16xf32>
        %parallel_loop3A_825 = arith.mulf %parallel_loop3A_824, %parallel_loop3A_824 : vector<16xf32>
        %parallel_loop3A_826 = arith.index_cast %parallel_loop3A_796 : i32 to index
        %parallel_loop3A_827 = arith.constant 16 : index
        %parallel_loop3A_828 = tpu.vector_load %arg12[%parallel_loop3A_826, %parallel_loop3A_827] {strides = array<i32>} : memref<128x128xf32, #tpu.memory_space<vmem>>, vector<16xf32>,
        %parallel_loop3A_829 = arith.index_cast %parallel_loop3A_796 : i32 to index
        %parallel_loop3A_830 = arith.constant 16 : index
        %parallel_loop3A_831 = tpu.vector_load %arg14[%parallel_loop3A_829, %parallel_loop3A_830] {strides = array<i32>} : memref<128x128xf32, #tpu.memory_space<vmem>>, vector<16xf32>,
        %parallel_loop3A_832 = arith.select %parallel_loop3A_813, %mul3A_577, %mul3A_633 : vector<16xi1>, vector<16xf32>
        %parallel_loop3A_833 = vector.broadcast %scan3A_702 : f32 to vector<16xf32>
        %parallel_loop3A_834 = arith.mulf %parallel_loop3A_833, %parallel_loop3A_828 : vector<16xf32>
        %parallel_loop3A_835 = arith.addf %parallel_loop3A_834, %parallel_loop3A_832 : vector<16xf32>
        %parallel_loop3A_836 = arith.addf %parallel_loop3A_835, %parallel_loop3A_831 : vector<16xf32>
        %parallel_loop3A_837 = arith.mulf %parallel_loop3A_836, %parallel_loop3A_836 : vector<16xf32>
        %parallel_loop3A_838 = arith.index_cast %parallel_loop3A_796 : i32 to index
        %parallel_loop3A_839 = arith.constant 32 : index
        %parallel_loop3A_840 = tpu.vector_load %arg12[%parallel_loop3A_838, %parallel_loop3A_839] {strides = array<i32>} : memref<128x128xf32, #tpu.memory_space<vmem>>, vector<16xf32>,
        %parallel_loop3A_841 = arith.index_cast %parallel_loop3A_796 : i32 to index
        %parallel_loop3A_842 = arith.constant 32 : index
        %parallel_loop3A_843 = tpu.vector_load %arg14[%parallel_loop3A_841, %parallel_loop3A_842] {strides = array<i32>} : memref<128x128xf32, #tpu.memory_space<vmem>>, vector<16xf32>,
        %parallel_loop3A_844 = arith.select %parallel_loop3A_813, %mul3A_584, %mul3A_640 : vector<16xi1>, vector<16xf32>
        %parallel_loop3A_845 = vector.broadcast %scan3A_702 : f32 to vector<16xf32>
        %parallel_loop3A_846 = arith.mulf %parallel_loop3A_845, %parallel_loop3A_840 : vector<16xf32>
        %parallel_loop3A_847 = arith.addf %parallel_loop3A_846, %parallel_loop3A_844 : vector<16xf32>
        %parallel_loop3A_848 = arith.addf %parallel_loop3A_847, %parallel_loop3A_843 : vector<16xf32>
        %parallel_loop3A_849 = arith.mulf %parallel_loop3A_848, %parallel_loop3A_848 : vector<16xf32>
        %parallel_loop3A_850 = arith.index_cast %parallel_loop3A_796 : i32 to index
        %parallel_loop3A_851 = arith.constant 48 : index
        %parallel_loop3A_852 = tpu.vector_load %arg12[%parallel_loop3A_850, %parallel_loop3A_851] {strides = array<i32>} : memref<128x128xf32, #tpu.memory_space<vmem>>, vector<16xf32>,
        %parallel_loop3A_853 = arith.index_cast %parallel_loop3A_796 : i32 to index
        %parallel_loop3A_854 = arith.constant 48 : index
        %parallel_loop3A_855 = tpu.vector_load %arg14[%parallel_loop3A_853, %parallel_loop3A_854] {strides = array<i32>} : memref<128x128xf32, #tpu.memory_space<vmem>>, vector<16xf32>,
        %parallel_loop3A_856 = arith.select %parallel_loop3A_813, %mul3A_591, %mul3A_647 : vector<16xi1>, vector<16xf32>
        %parallel_loop3A_857 = vector.broadcast %scan3A_702 : f32 to vector<16xf32>
        %parallel_loop3A_858 = arith.mulf %parallel_loop3A_857, %parallel_loop3A_852 : vector<16xf32>
        %parallel_loop3A_859 = arith.addf %parallel_loop3A_858, %parallel_loop3A_856 : vector<16xf32>
        %parallel_loop3A_860 = arith.addf %parallel_loop3A_859, %parallel_loop3A_855 : vector<16xf32>
        %parallel_loop3A_861 = arith.mulf %parallel_loop3A_860, %parallel_loop3A_860 : vector<16xf32>
        %parallel_loop3A_862 = arith.index_cast %parallel_loop3A_796 : i32 to index
        %parallel_loop3A_863 = arith.constant 64 : index
        %parallel_loop3A_864 = tpu.vector_load %arg12[%parallel_loop3A_862, %parallel_loop3A_863] {strides = array<i32>} : memref<128x128xf32, #tpu.memory_space<vmem>>, vector<16xf32>,
        %parallel_loop3A_865 = arith.index_cast %parallel_loop3A_796 : i32 to index
        %parallel_loop3A_866 = arith.constant 64 : index
        %parallel_loop3A_867 = tpu.vector_load %arg14[%parallel_loop3A_865, %parallel_loop3A_866] {strides = array<i32>} : memref<128x128xf32, #tpu.memory_space<vmem>>, vector<16xf32>,
        %parallel_loop3A_868 = arith.select %parallel_loop3A_813, %mul3A_598, %mul3A_654 : vector<16xi1>, vector<16xf32>
        %parallel_loop3A_869 = vector.broadcast %scan3A_702 : f32 to vector<16xf32>
        %parallel_loop3A_870 = arith.mulf %parallel_loop3A_869, %parallel_loop3A_864 : vector<16xf32>
        %parallel_loop3A_871 = arith.addf %parallel_loop3A_870, %parallel_loop3A_868 : vector<16xf32>
        %parallel_loop3A_872 = arith.addf %parallel_loop3A_871, %parallel_loop3A_867 : vector<16xf32>
        %parallel_loop3A_873 = arith.mulf %parallel_loop3A_872, %parallel_loop3A_872 : vector<16xf32>
        %parallel_loop3A_874 = arith.index_cast %parallel_loop3A_796 : i32 to index
        %parallel_loop3A_875 = arith.constant 80 : index
        %parallel_loop3A_876 = tpu.vector_load %arg12[%parallel_loop3A_874, %parallel_loop3A_875] {strides = array<i32>} : memref<128x128xf32, #tpu.memory_space<vmem>>, vector<16xf32>,
        %parallel_loop3A_877 = arith.index_cast %parallel_loop3A_796 : i32 to index
        %parallel_loop3A_878 = arith.constant 80 : index
        %parallel_loop3A_879 = tpu.vector_load %arg14[%parallel_loop3A_877, %parallel_loop3A_878] {strides = array<i32>} : memref<128x128xf32, #tpu.memory_space<vmem>>, vector<16xf32>,
        %parallel_loop3A_880 = arith.select %parallel_loop3A_813, %mul3A_605, %mul3A_661 : vector<16xi1>, vector<16xf32>
        %parallel_loop3A_881 = vector.broadcast %scan3A_702 : f32 to vector<16xf32>
        %parallel_loop3A_882 = arith.mulf %parallel_loop3A_881, %parallel_loop3A_876 : vector<16xf32>
        %parallel_loop3A_883 = arith.addf %parallel_loop3A_882, %parallel_loop3A_880 : vector<16xf32>
        %parallel_loop3A_884 = arith.addf %parallel_loop3A_883, %parallel_loop3A_879 : vector<16xf32>
        %parallel_loop3A_885 = arith.mulf %parallel_loop3A_884, %parallel_loop3A_884 : vector<16xf32>
        %parallel_loop3A_886 = arith.index_cast %parallel_loop3A_796 : i32 to index
        %parallel_loop3A_887 = arith.constant 96 : index
        %parallel_loop3A_888 = tpu.vector_load %arg12[%parallel_loop3A_886, %parallel_loop3A_887] {strides = array<i32>} : memref<128x128xf32, #tpu.memory_space<vmem>>, vector<16xf32>,
        %parallel_loop3A_889 = arith.index_cast %parallel_loop3A_796 : i32 to index
        %parallel_loop3A_890 = arith.constant 96 : index
        %parallel_loop3A_891 = tpu.vector_load %arg14[%parallel_loop3A_889, %parallel_loop3A_890] {strides = array<i32>} : memref<128x128xf32, #tpu.memory_space<vmem>>, vector<16xf32>,
        %parallel_loop3A_892 = arith.select %parallel_loop3A_813, %mul3A_612, %mul3A_668 : vector<16xi1>, vector<16xf32>
        %parallel_loop3A_893 = vector.broadcast %scan3A_702 : f32 to vector<16xf32>
        %parallel_loop3A_894 = arith.mulf %parallel_loop3A_893, %parallel_loop3A_888 : vector<16xf32>
        %parallel_loop3A_895 = arith.addf %parallel_loop3A_894, %parallel_loop3A_892 : vector<16xf32>
        %parallel_loop3A_896 = arith.addf %parallel_loop3A_895, %parallel_loop3A_891 : vector<16xf32>
        %parallel_loop3A_897 = arith.mulf %parallel_loop3A_896, %parallel_loop3A_896 : vector<16xf32>
        %parallel_loop3A_898 = arith.index_cast %parallel_loop3A_796 : i32 to index
        %parallel_loop3A_899 = arith.constant 112 : index
        %parallel_loop3A_900 = tpu.vector_load %arg12[%parallel_loop3A_898, %parallel_loop3A_899] {strides = array<i32>} : memref<128x128xf32, #tpu.memory_space<vmem>>, vector<16xf32>,
        %parallel_loop3A_901 = arith.index_cast %parallel_loop3A_796 : i32 to index
        %parallel_loop3A_902 = arith.constant 112 : index
        %parallel_loop3A_903 = tpu.vector_load %arg14[%parallel_loop3A_901, %parallel_loop3A_902] {strides = array<i32>} : memref<128x128xf32, #tpu.memory_space<vmem>>, vector<16xf32>,
        %parallel_loop3A_904 = arith.select %parallel_loop3A_813, %mul3A_619, %mul3A_675 : vector<16xi1>, vector<16xf32>
        %parallel_loop3A_905 = vector.broadcast %scan3A_702 : f32 to vector<16xf32>
        %parallel_loop3A_906 = arith.mulf %parallel_loop3A_905, %parallel_loop3A_900 : vector<16xf32>
        %parallel_loop3A_907 = arith.addf %parallel_loop3A_906, %parallel_loop3A_904 : vector<16xf32>
        %parallel_loop3A_908 = arith.addf %parallel_loop3A_907, %parallel_loop3A_903 : vector<16xf32>
        %parallel_loop3A_909 = arith.mulf %parallel_loop3A_908, %parallel_loop3A_908 : vector<16xf32>
        %parallel_loop3A_910 = arith.addf %parallel_loop3A_824, %parallel_loop3A_836 : vector<16xf32>
        %parallel_loop3A_911 = arith.addf %parallel_loop3A_848, %parallel_loop3A_860 : vector<16xf32>
        %parallel_loop3A_912 = arith.addf %parallel_loop3A_872, %parallel_loop3A_884 : vector<16xf32>
        %parallel_loop3A_913 = arith.addf %parallel_loop3A_896, %parallel_loop3A_908 : vector<16xf32>
        %parallel_loop3A_914 = arith.addf %parallel_loop3A_910, %parallel_loop3A_911 : vector<16xf32>
        %parallel_loop3A_915 = arith.addf %parallel_loop3A_912, %parallel_loop3A_913 : vector<16xf32>
        %parallel_loop3A_916 = arith.addf %parallel_loop3A_914, %parallel_loop3A_915 : vector<16xf32>
        %parallel_loop3A_917 = arith.addf %parallel_loop3A_825, %parallel_loop3A_837 : vector<16xf32>
        %parallel_loop3A_918 = arith.addf %parallel_loop3A_849, %parallel_loop3A_861 : vector<16xf32>
        %parallel_loop3A_919 = arith.addf %parallel_loop3A_873, %parallel_loop3A_885 : vector<16xf32>
        %parallel_loop3A_920 = arith.addf %parallel_loop3A_897, %parallel_loop3A_909 : vector<16xf32>
        %parallel_loop3A_921 = arith.addf %parallel_loop3A_917, %parallel_loop3A_918 : vector<16xf32>
        %parallel_loop3A_922 = arith.addf %parallel_loop3A_919, %parallel_loop3A_920 : vector<16xf32>
        %parallel_loop3A_923 = arith.addf %parallel_loop3A_921, %parallel_loop3A_922 : vector<16xf32>
        %parallel_loop3A_924 = arith.constant true
        %parallel_loop3A_925 = vector.broadcast %parallel_loop3A_924 : i1 to vector<16xi1>
        %parallel_loop3A_926 = tpu.scan <sum>, %parallel_loop3A_916 masked %parallel_loop3A_925 : vector<16xf32>, vector<16xi1> -> vector<16xf32>
        %parallel_loop3A_927 = vector.extract %parallel_loop3A_926[15] : f32 from vector<16xf32>
        %parallel_loop3A_928 = vector.broadcast %parallel_loop3A_927 : f32 to vector<16xf32>
        %parallel_loop3A_929 = arith.constant true
        %parallel_loop3A_930 = vector.broadcast %parallel_loop3A_929 : i1 to vector<16xi1>
        %parallel_loop3A_931 = tpu.scan <sum>, %parallel_loop3A_923 masked %parallel_loop3A_930 : vector<16xf32>, vector<16xi1> -> vector<16xf32>
        %parallel_loop3A_932 = vector.extract %parallel_loop3A_931[15] : f32 from vector<16xf32>
        %parallel_loop3A_933 = vector.broadcast %parallel_loop3A_932 : f32 to vector<16xf32>
        %parallel_loop3A_934 = vector.broadcast %scan3A_703 : f32 to vector<16xf32>
        %parallel_loop3A_935 = arith.mulf %parallel_loop3A_928, %parallel_loop3A_934 : vector<16xf32>
        %parallel_loop3A_936 = vector.broadcast %scan3A_703 : f32 to vector<16xf32>
        %parallel_loop3A_937 = arith.mulf %parallel_loop3A_933, %parallel_loop3A_936 : vector<16xf32>
        %parallel_loop3A_938 = arith.mulf %parallel_loop3A_935, %parallel_loop3A_935 : vector<16xf32>
        %parallel_loop3A_939 = arith.subf %parallel_loop3A_937, %parallel_loop3A_938 : vector<16xf32>
        %parallel_loop3A_940 = arith.constant 9.99999996E-13 : f32
        %parallel_loop3A_941 = vector.broadcast %parallel_loop3A_940 : f32 to vector<16xf32>
        %parallel_loop3A_942 = arith.addf %parallel_loop3A_939, %parallel_loop3A_941 : vector<16xf32>
        %parallel_loop3A_943 = vector.bitcast %parallel_loop3A_942 : vector<16xf32> to vector<16xi32>
        %parallel_loop3A_944 = arith.constant 1 : i32
        %parallel_loop3A_945 = vector.broadcast %parallel_loop3A_944 : i32 to vector<16xi32>
        %parallel_loop3A_946 = arith.shrsi %parallel_loop3A_943, %parallel_loop3A_945 : vector<16xi32>
        %parallel_loop3A_947 = arith.constant 1597463007 : i32
        %parallel_loop3A_948 = vector.broadcast %parallel_loop3A_947 : i32 to vector<16xi32>
        %parallel_loop3A_949 = arith.subi %parallel_loop3A_948, %parallel_loop3A_946 : vector<16xi32>
        %parallel_loop3A_950 = vector.bitcast %parallel_loop3A_949 : vector<16xi32> to vector<16xf32>
        %parallel_loop3A_951 = arith.constant 5.000000e-01 : f32
        %parallel_loop3A_952 = vector.broadcast %parallel_loop3A_951 : f32 to vector<16xf32>
        %parallel_loop3A_953 = arith.mulf %parallel_loop3A_952, %parallel_loop3A_942 : vector<16xf32>
        %parallel_loop3A_954 = arith.mulf %parallel_loop3A_953, %parallel_loop3A_950 : vector<16xf32>
        %parallel_loop3A_955 = arith.mulf %parallel_loop3A_954, %parallel_loop3A_950 : vector<16xf32>
        %parallel_loop3A_956 = arith.constant 1.500000e+00 : f32
        %parallel_loop3A_957 = vector.broadcast %parallel_loop3A_956 : f32 to vector<16xf32>
        %parallel_loop3A_958 = arith.subf %parallel_loop3A_957, %parallel_loop3A_955 : vector<16xf32>
        %parallel_loop3A_959 = arith.mulf %parallel_loop3A_950, %parallel_loop3A_958 : vector<16xf32>
        %parallel_loop3A_960 = arith.subf %parallel_loop3A_824, %parallel_loop3A_935 : vector<16xf32>
        %parallel_loop3A_961 = arith.mulf %get3A_503, %parallel_loop3A_959 : vector<16xf32>
        %parallel_loop3A_962 = arith.mulf %parallel_loop3A_960, %parallel_loop3A_961 : vector<16xf32>
        %parallel_loop3A_963 = arith.addf %parallel_loop3A_962, %get3A_535 : vector<16xf32>
        %parallel_loop3A_964 = arith.index_cast %parallel_loop3A_796 : i32 to index
        %parallel_loop3A_965 = arith.constant 0 : index
        %parallel_loop3A_966 = tpu.vector_load %arg16[%parallel_loop3A_964, %parallel_loop3A_965] {strides = array<i32>} : memref<128x128xf32, #tpu.memory_space<vmem>>, vector<16xf32>,
        tpu.vector_store %arg16[%parallel_loop3A_964, %parallel_loop3A_965], %parallel_loop3A_963 {strides = array<i32>} : memref<128x128xf32, #tpu.memory_space<vmem>>, vector<16xf32>,
        %parallel_loop3A_967 = arith.subf %parallel_loop3A_836, %parallel_loop3A_935 : vector<16xf32>
        %parallel_loop3A_968 = arith.mulf %get3A_507, %parallel_loop3A_959 : vector<16xf32>
        %parallel_loop3A_969 = arith.mulf %parallel_loop3A_967, %parallel_loop3A_968 : vector<16xf32>
        %parallel_loop3A_970 = arith.addf %parallel_loop3A_969, %get3A_539 : vector<16xf32>
        %parallel_loop3A_971 = arith.index_cast %parallel_loop3A_796 : i32 to index
        %parallel_loop3A_972 = arith.constant 16 : index
        %parallel_loop3A_973 = tpu.vector_load %arg16[%parallel_loop3A_971, %parallel_loop3A_972] {strides = array<i32>} : memref<128x128xf32, #tpu.memory_space<vmem>>, vector<16xf32>,
        tpu.vector_store %arg16[%parallel_loop3A_971, %parallel_loop3A_972], %parallel_loop3A_970 {strides = array<i32>} : memref<128x128xf32, #tpu.memory_space<vmem>>, vector<16xf32>,
        %parallel_loop3A_974 = arith.subf %parallel_loop3A_848, %parallel_loop3A_935 : vector<16xf32>
        %parallel_loop3A_975 = arith.mulf %get3A_511, %parallel_loop3A_959 : vector<16xf32>
        %parallel_loop3A_976 = arith.mulf %parallel_loop3A_974, %parallel_loop3A_975 : vector<16xf32>
        %parallel_loop3A_977 = arith.addf %parallel_loop3A_976, %get3A_543 : vector<16xf32>
        %parallel_loop3A_978 = arith.index_cast %parallel_loop3A_796 : i32 to index
        %parallel_loop3A_979 = arith.constant 32 : index
        %parallel_loop3A_980 = tpu.vector_load %arg16[%parallel_loop3A_978, %parallel_loop3A_979] {strides = array<i32>} : memref<128x128xf32, #tpu.memory_space<vmem>>, vector<16xf32>,
        tpu.vector_store %arg16[%parallel_loop3A_978, %parallel_loop3A_979], %parallel_loop3A_977 {strides = array<i32>} : memref<128x128xf32, #tpu.memory_space<vmem>>, vector<16xf32>,
        %parallel_loop3A_981 = arith.subf %parallel_loop3A_860, %parallel_loop3A_935 : vector<16xf32>
        %parallel_loop3A_982 = arith.mulf %get3A_515, %parallel_loop3A_959 : vector<16xf32>
        %parallel_loop3A_983 = arith.mulf %parallel_loop3A_981, %parallel_loop3A_982 : vector<16xf32>
        %parallel_loop3A_984 = arith.addf %parallel_loop3A_983, %get3A_547 : vector<16xf32>
        %parallel_loop3A_985 = arith.index_cast %parallel_loop3A_796 : i32 to index
        %parallel_loop3A_986 = arith.constant 48 : index
        %parallel_loop3A_987 = tpu.vector_load %arg16[%parallel_loop3A_985, %parallel_loop3A_986] {strides = array<i32>} : memref<128x128xf32, #tpu.memory_space<vmem>>, vector<16xf32>,
        tpu.vector_store %arg16[%parallel_loop3A_985, %parallel_loop3A_986], %parallel_loop3A_984 {strides = array<i32>} : memref<128x128xf32, #tpu.memory_space<vmem>>, vector<16xf32>,
        %parallel_loop3A_988 = arith.subf %parallel_loop3A_872, %parallel_loop3A_935 : vector<16xf32>
        %parallel_loop3A_989 = arith.mulf %get3A_519, %parallel_loop3A_959 : vector<16xf32>
        %parallel_loop3A_990 = arith.mulf %parallel_loop3A_988, %parallel_loop3A_989 : vector<16xf32>
        %parallel_loop3A_991 = arith.addf %parallel_loop3A_990, %get3A_551 : vector<16xf32>
        %parallel_loop3A_992 = arith.index_cast %parallel_loop3A_796 : i32 to index
        %parallel_loop3A_993 = arith.constant 64 : index
        %parallel_loop3A_994 = tpu.vector_load %arg16[%parallel_loop3A_992, %parallel_loop3A_993] {strides = array<i32>} : memref<128x128xf32, #tpu.memory_space<vmem>>, vector<16xf32>,
        tpu.vector_store %arg16[%parallel_loop3A_992, %parallel_loop3A_993], %parallel_loop3A_991 {strides = array<i32>} : memref<128x128xf32, #tpu.memory_space<vmem>>, vector<16xf32>,
        %parallel_loop3A_995 = arith.subf %parallel_loop3A_884, %parallel_loop3A_935 : vector<16xf32>
        %parallel_loop3A_996 = arith.mulf %get3A_523, %parallel_loop3A_959 : vector<16xf32>
        %parallel_loop3A_997 = arith.mulf %parallel_loop3A_995, %parallel_loop3A_996 : vector<16xf32>
        %parallel_loop3A_998 = arith.addf %parallel_loop3A_997, %get3A_555 : vector<16xf32>
        %parallel_loop3A_999 = arith.index_cast %parallel_loop3A_796 : i32 to index
        %parallel_loop3A_1000 = arith.constant 80 : index
        %parallel_loop3A_1001 = tpu.vector_load %arg16[%parallel_loop3A_999, %parallel_loop3A_1000] {strides = array<i32>} : memref<128x128xf32, #tpu.memory_space<vmem>>, vector<16xf32>,
        tpu.vector_store %arg16[%parallel_loop3A_999, %parallel_loop3A_1000], %parallel_loop3A_998 {strides = array<i32>} : memref<128x128xf32, #tpu.memory_space<vmem>>, vector<16xf32>,
        %parallel_loop3A_1002 = arith.subf %parallel_loop3A_896, %parallel_loop3A_935 : vector<16xf32>
        %parallel_loop3A_1003 = arith.mulf %get3A_527, %parallel_loop3A_959 : vector<16xf32>
        %parallel_loop3A_1004 = arith.mulf %parallel_loop3A_1002, %parallel_loop3A_1003 : vector<16xf32>
        %parallel_loop3A_1005 = arith.addf %parallel_loop3A_1004, %get3A_559 : vector<16xf32>
        %parallel_loop3A_1006 = arith.index_cast %parallel_loop3A_796 : i32 to index
        %parallel_loop3A_1007 = arith.constant 96 : index
        %parallel_loop3A_1008 = tpu.vector_load %arg16[%parallel_loop3A_1006, %parallel_loop3A_1007] {strides = array<i32>} : memref<128x128xf32, #tpu.memory_space<vmem>>, vector<16xf32>,
        tpu.vector_store %arg16[%parallel_loop3A_1006, %parallel_loop3A_1007], %parallel_loop3A_1005 {strides = array<i32>} : memref<128x128xf32, #tpu.memory_space<vmem>>, vector<16xf32>,
        %parallel_loop3A_1009 = arith.subf %parallel_loop3A_908, %parallel_loop3A_935 : vector<16xf32>
        %parallel_loop3A_1010 = arith.mulf %get3A_531, %parallel_loop3A_959 : vector<16xf32>
        %parallel_loop3A_1011 = arith.mulf %parallel_loop3A_1009, %parallel_loop3A_1010 : vector<16xf32>
        %parallel_loop3A_1012 = arith.addf %parallel_loop3A_1011, %get3A_563 : vector<16xf32>
        %parallel_loop3A_1013 = arith.index_cast %parallel_loop3A_796 : i32 to index
        %parallel_loop3A_1014 = arith.constant 112 : index
        %parallel_loop3A_1015 = tpu.vector_load %arg16[%parallel_loop3A_1013, %parallel_loop3A_1014] {strides = array<i32>} : memref<128x128xf32, #tpu.memory_space<vmem>>, vector<16xf32>,
        tpu.vector_store %arg16[%parallel_loop3A_1013, %parallel_loop3A_1014], %parallel_loop3A_1012 {strides = array<i32>} : memref<128x128xf32, #tpu.memory_space<vmem>>, vector<16xf32>,
      } {sc.loop_unroll_factor = 2 : i64, sc.parallel_access}
      %mul3A_741 = arith.constant 128 : i32
      %mul3A_742 = arith.muli %mul3A_723, %mul3A_741 : i32
      %add3A_743 = arith.addi %mul3A_34, %mul3A_742 : i32
      %dma_start3A_744 = arith.constant 0 : i32
      %dma_start3A_745 = tpu.memref_slice %arg9[%add3A_743, %dma_start3A_744] : memref<32768x128xf32, #tpu.memory_space<hbm>> -> memref<128x128xf32, #tpu.memory_space<hbm>>
      %dma_start3A_746 = arith.constant 0 : i32
      %dma_start3A_747 = tpu.memref_slice %arg9[%add3A_743, %dma_start3A_746] : memref<32768x128xf32, #tpu.memory_space<hbm>> -> memref<128x128xf32, #tpu.memory_space<hbm>>
      tpu.enqueue_dma source(%arg16 : memref<128x128xf32, #tpu.memory_space<vmem>>) target(%dma_start3A_747 : memref<128x128xf32, #tpu.memory_space<hbm>>) target_semaphore(%arg23 : memref<!tpu.dma_semaphore, #tpu.memory_space<semaphore_mem>>)
      %add3A_748 = arith.constant 2 : i32
      %add3A_749 = arith.addi %mul3A_723, %add3A_748 : i32
      %lt3A_750 = arith.constant 8 : i32
      %lt3A_751 = arith.cmpi slt, %add3A_749, %lt3A_750 : i32
      %convert_element_type3A_752 = arith.extui %lt3A_751 : i1 to i32
      %cond3A_753 = arith.constant 0 : i32
      %cond3A_754 = arith.cmpi ne, %convert_element_type3A_752, %cond3A_753 : i32
      scf.if %cond3A_754 {
        %add3A_796 = arith.constant 2 : i32
        %add3A_797 = arith.addi %mul3A_723, %add3A_796 : i32
        %dma_start3A_798 = arith.constant 0 : i32
        %dma_start3A_799 = tpu.memref_slice %arg10[%add3A_797, %dma_start3A_798] : memref<8x128xi32, #tpu.memory_space<vmem>> -> memref<1x128xi32, #tpu.memory_space<vmem>>
        %dma_start3A_800 = tpu.memref_squeeze %dma_start3A_799 : memref<1x128xi32, #tpu.memory_space<vmem>> -> memref<128xi32, #tpu.memory_space<vmem>>
        %dma_start3A_801 = arith.constant 0 : i32
        %dma_start3A_802 = arith.constant 0 : i32
        %dma_start3A_803 = tpu.memref_slice %arg4[%dma_start3A_801, %dma_start3A_802] : memref<100000x128xf32, #tpu.memory_space<hbm>> -> memref<100000x128xf32, #tpu.memory_space<hbm>>
        tpu.enqueue_indirect_dma source(%dma_start3A_803 : memref<100000x128xf32, #tpu.memory_space<hbm>>) target(%arg12 : memref<128x128xf32, #tpu.memory_space<vmem>>) offsets(%dma_start3A_800 : memref<128xi32, #tpu.memory_space<vmem>>) semaphore(%arg19 : memref<!tpu.dma_semaphore, #tpu.memory_space<semaphore_mem>>)
        %mul3A_804 = arith.constant 128 : i32
        %mul3A_805 = arith.muli %add3A_797, %mul3A_804 : i32
        %add3A_806 = arith.addi %mul3A_32, %mul3A_805 : i32
        %dma_start3A_807 = arith.constant 0 : i32
        %dma_start3A_808 = tpu.memref_slice %arg6[%add3A_806, %dma_start3A_807] : memref<8192x128xf32, #tpu.memory_space<hbm>> -> memref<128x128xf32, #tpu.memory_space<hbm>>
        %dma_start3A_809 = arith.constant 0 : i32
        %dma_start3A_810 = tpu.memref_slice %arg6[%add3A_806, %dma_start3A_809] : memref<8192x128xf32, #tpu.memory_space<hbm>> -> memref<128x128xf32, #tpu.memory_space<hbm>>
        tpu.enqueue_dma source(%dma_start3A_810 : memref<128x128xf32, #tpu.memory_space<hbm>>) target(%arg14 : memref<128x128xf32, #tpu.memory_space<vmem>>) target_semaphore(%arg21 : memref<!tpu.dma_semaphore, #tpu.memory_space<semaphore_mem>>)
      } else {
      }
      %add3A_755 = arith.constant 1 : i32
      %add3A_756 = arith.addi %mul3A_723, %add3A_755 : i32
      %dma_wait3A_757 = arith.constant 0 : i32
      %dma_wait3A_758 = tpu.memref_slice %arg10[%add3A_756, %dma_wait3A_757] : memref<8x128xi32, #tpu.memory_space<vmem>> -> memref<1x128xi32, #tpu.memory_space<vmem>>
      %dma_wait3A_759 = tpu.memref_squeeze %dma_wait3A_758 : memref<1x128xi32, #tpu.memory_space<vmem>> -> memref<128xi32, #tpu.memory_space<vmem>>
      %dma_wait3A_760 = arith.constant 0 : i32
      %dma_wait3A_761 = arith.constant 0 : i32
      %dma_wait3A_762 = tpu.memref_slice %arg4[%dma_wait3A_760, %dma_wait3A_761] : memref<100000x128xf32, #tpu.memory_space<hbm>> -> memref<100000x128xf32, #tpu.memory_space<hbm>>
      tpu.wait_indirect_dma semaphore(%arg20 : memref<!tpu.dma_semaphore, #tpu.memory_space<semaphore_mem>>) src(%dma_wait3A_762 : memref<100000x128xf32, #tpu.memory_space<hbm>>) dst(%arg13 : memref<128x128xf32, #tpu.memory_space<vmem>>)
      %mul3A_763 = arith.constant 128 : i32
      %mul3A_764 = arith.muli %add3A_756, %mul3A_763 : i32
      %add3A_765 = arith.addi %mul3A_32, %mul3A_764 : i32
      %dma_wait3A_766 = arith.constant 0 : i32
      %dma_wait3A_767 = tpu.memref_slice %arg6[%add3A_765, %dma_wait3A_766] : memref<8192x128xf32, #tpu.memory_space<hbm>> -> memref<128x128xf32, #tpu.memory_space<hbm>>
      %dma_wait3A_768 = arith.constant 0 : i32
      %dma_wait3A_769 = tpu.memref_slice %arg6[%add3A_765, %dma_wait3A_768] : memref<8192x128xf32, #tpu.memory_space<hbm>> -> memref<128x128xf32, #tpu.memory_space<hbm>>
      tpu.wait_dma2 semaphore(%arg22 : memref<!tpu.dma_semaphore, #tpu.memory_space<semaphore_mem>>) src(%dma_wait3A_769 : memref<128x128xf32, #tpu.memory_space<hbm>>) dst(%arg15 : memref<128x128xf32, #tpu.memory_space<vmem>>)
      %ge3A_770 = arith.constant 1 : i32
      %ge3A_771 = arith.cmpi sge, %mul3A_723, %ge3A_770 : i32
      %convert_element_type3A_772 = arith.extui %ge3A_771 : i1 to i32
      %cond3A_773 = arith.constant 0 : i32
      %cond3A_774 = arith.cmpi ne, %convert_element_type3A_772, %cond3A_773 : i32
      scf.if %cond3A_774 {
        %sub3A_796 = arith.constant 1 : i32
        %sub3A_797 = arith.subi %mul3A_723, %sub3A_796 : i32
        %mul3A_798 = arith.constant 128 : i32
        %mul3A_799 = arith.muli %sub3A_797, %mul3A_798 : i32
        %add3A_800 = arith.addi %mul3A_34, %mul3A_799 : i32
        %dma_wait3A_801 = arith.constant 0 : i32
        %dma_wait3A_802 = tpu.memref_slice %arg9[%add3A_800, %dma_wait3A_801] : memref<32768x128xf32, #tpu.memory_space<hbm>> -> memref<128x128xf32, #tpu.memory_space<hbm>>
        %dma_wait3A_803 = arith.constant 0 : i32
        %dma_wait3A_804 = tpu.memref_slice %arg9[%add3A_800, %dma_wait3A_803] : memref<32768x128xf32, #tpu.memory_space<hbm>> -> memref<128x128xf32, #tpu.memory_space<hbm>>
        tpu.wait_dma2 semaphore(%arg24 : memref<!tpu.dma_semaphore, #tpu.memory_space<semaphore_mem>>) src(%arg17 : memref<128x128xf32, #tpu.memory_space<vmem>>) dst(%dma_wait3A_804 : memref<128x128xf32, #tpu.memory_space<hbm>>)
      } else {
      }
      %add3A_775 = arith.constant 1 : i32
      %add3A_776 = arith.addi %mul3A_723, %add3A_775 : i32
      %parallel_loop3A_777 = arith.constant 0 : i32
      %parallel_loop3A_778 = arith.constant 128 : i32
      %parallel_loop3A_779 = arith.constant 1 : i32
      scf.for %parallel_loop3A_796 = %parallel_loop3A_777 to %parallel_loop3A_778 step %parallel_loop3A_779  : i32 {
        %parallel_loop3A_797 = arith.constant 4 : i32
        %parallel_loop3A_798 = arith.shrui %parallel_loop3A_796, %parallel_loop3A_797 : i32
        %parallel_loop3A_799 = arith.constant 15 : i32
        %parallel_loop3A_800 = arith.andi %parallel_loop3A_796, %parallel_loop3A_799 : i32
        %parallel_loop3A_801 = arith.constant 16 : i32
        %parallel_loop3A_802 = arith.muli %parallel_loop3A_798, %parallel_loop3A_801 : i32
        %parallel_loop3A_803 = arith.constant 0 : i32
        %parallel_loop3A_804 = tpu.memref_slice %arg11[%add3A_776, %parallel_loop3A_803] : memref<8x128xi32, #tpu.memory_space<vmem>> -> memref<1x128xi32, #tpu.memory_space<vmem>>
        %parallel_loop3A_805 = tpu.memref_squeeze %parallel_loop3A_804 : memref<1x128xi32, #tpu.memory_space<vmem>> -> memref<128xi32, #tpu.memory_space<vmem>>
        %parallel_loop3A_806 = arith.index_cast %parallel_loop3A_802 : i32 to index
        %parallel_loop3A_807 = tpu.vector_load %parallel_loop3A_805[%parallel_loop3A_806] {strides = array<i32>} : memref<128xi32, #tpu.memory_space<vmem>>, vector<16xi32>,
        %parallel_loop3A_808 = vector.broadcast %parallel_loop3A_800 : i32 to vector<16x1xi32>
        %parallel_loop3A_809 = vector.shape_cast %parallel_loop3A_808 : vector<16x1xi32> to vector<16xi32>
        %parallel_loop3A_810 = tpu.dynamic_gather %parallel_loop3A_807[%parallel_loop3A_809] in [0] : vector<16xi32>, vector<16xi32> -> vector<16xi32>
        %parallel_loop3A_811 = arith.constant 0 : i32
        %parallel_loop3A_812 = vector.broadcast %parallel_loop3A_811 : i32 to vector<16xi32>
        %parallel_loop3A_813 = arith.cmpi eq, %parallel_loop3A_810, %parallel_loop3A_812 : vector<16xi32>
        %parallel_loop3A_814 = arith.index_cast %parallel_loop3A_796 : i32 to index
        %parallel_loop3A_815 = arith.constant 0 : index
        %parallel_loop3A_816 = tpu.vector_load %arg13[%parallel_loop3A_814, %parallel_loop3A_815] {strides = array<i32>} : memref<128x128xf32, #tpu.memory_space<vmem>>, vector<16xf32>,
        %parallel_loop3A_817 = arith.index_cast %parallel_loop3A_796 : i32 to index
        %parallel_loop3A_818 = arith.constant 0 : index
        %parallel_loop3A_819 = tpu.vector_load %arg15[%parallel_loop3A_817, %parallel_loop3A_818] {strides = array<i32>} : memref<128x128xf32, #tpu.memory_space<vmem>>, vector<16xf32>,
        %parallel_loop3A_820 = arith.select %parallel_loop3A_813, %mul3A_570, %mul3A_626 : vector<16xi1>, vector<16xf32>
        %parallel_loop3A_821 = vector.broadcast %scan3A_702 : f32 to vector<16xf32>
        %parallel_loop3A_822 = arith.mulf %parallel_loop3A_821, %parallel_loop3A_816 : vector<16xf32>
        %parallel_loop3A_823 = arith.addf %parallel_loop3A_822, %parallel_loop3A_820 : vector<16xf32>
        %parallel_loop3A_824 = arith.addf %parallel_loop3A_823, %parallel_loop3A_819 : vector<16xf32>
        %parallel_loop3A_825 = arith.mulf %parallel_loop3A_824, %parallel_loop3A_824 : vector<16xf32>
        %parallel_loop3A_826 = arith.index_cast %parallel_loop3A_796 : i32 to index
        %parallel_loop3A_827 = arith.constant 16 : index
        %parallel_loop3A_828 = tpu.vector_load %arg13[%parallel_loop3A_826, %parallel_loop3A_827] {strides = array<i32>} : memref<128x128xf32, #tpu.memory_space<vmem>>, vector<16xf32>,
        %parallel_loop3A_829 = arith.index_cast %parallel_loop3A_796 : i32 to index
        %parallel_loop3A_830 = arith.constant 16 : index
        %parallel_loop3A_831 = tpu.vector_load %arg15[%parallel_loop3A_829, %parallel_loop3A_830] {strides = array<i32>} : memref<128x128xf32, #tpu.memory_space<vmem>>, vector<16xf32>,
        %parallel_loop3A_832 = arith.select %parallel_loop3A_813, %mul3A_577, %mul3A_633 : vector<16xi1>, vector<16xf32>
        %parallel_loop3A_833 = vector.broadcast %scan3A_702 : f32 to vector<16xf32>
        %parallel_loop3A_834 = arith.mulf %parallel_loop3A_833, %parallel_loop3A_828 : vector<16xf32>
        %parallel_loop3A_835 = arith.addf %parallel_loop3A_834, %parallel_loop3A_832 : vector<16xf32>
        %parallel_loop3A_836 = arith.addf %parallel_loop3A_835, %parallel_loop3A_831 : vector<16xf32>
        %parallel_loop3A_837 = arith.mulf %parallel_loop3A_836, %parallel_loop3A_836 : vector<16xf32>
        %parallel_loop3A_838 = arith.index_cast %parallel_loop3A_796 : i32 to index
        %parallel_loop3A_839 = arith.constant 32 : index
        %parallel_loop3A_840 = tpu.vector_load %arg13[%parallel_loop3A_838, %parallel_loop3A_839] {strides = array<i32>} : memref<128x128xf32, #tpu.memory_space<vmem>>, vector<16xf32>,
        %parallel_loop3A_841 = arith.index_cast %parallel_loop3A_796 : i32 to index
        %parallel_loop3A_842 = arith.constant 32 : index
        %parallel_loop3A_843 = tpu.vector_load %arg15[%parallel_loop3A_841, %parallel_loop3A_842] {strides = array<i32>} : memref<128x128xf32, #tpu.memory_space<vmem>>, vector<16xf32>,
        %parallel_loop3A_844 = arith.select %parallel_loop3A_813, %mul3A_584, %mul3A_640 : vector<16xi1>, vector<16xf32>
        %parallel_loop3A_845 = vector.broadcast %scan3A_702 : f32 to vector<16xf32>
        %parallel_loop3A_846 = arith.mulf %parallel_loop3A_845, %parallel_loop3A_840 : vector<16xf32>
        %parallel_loop3A_847 = arith.addf %parallel_loop3A_846, %parallel_loop3A_844 : vector<16xf32>
        %parallel_loop3A_848 = arith.addf %parallel_loop3A_847, %parallel_loop3A_843 : vector<16xf32>
        %parallel_loop3A_849 = arith.mulf %parallel_loop3A_848, %parallel_loop3A_848 : vector<16xf32>
        %parallel_loop3A_850 = arith.index_cast %parallel_loop3A_796 : i32 to index
        %parallel_loop3A_851 = arith.constant 48 : index
        %parallel_loop3A_852 = tpu.vector_load %arg13[%parallel_loop3A_850, %parallel_loop3A_851] {strides = array<i32>} : memref<128x128xf32, #tpu.memory_space<vmem>>, vector<16xf32>,
        %parallel_loop3A_853 = arith.index_cast %parallel_loop3A_796 : i32 to index
        %parallel_loop3A_854 = arith.constant 48 : index
        %parallel_loop3A_855 = tpu.vector_load %arg15[%parallel_loop3A_853, %parallel_loop3A_854] {strides = array<i32>} : memref<128x128xf32, #tpu.memory_space<vmem>>, vector<16xf32>,
        %parallel_loop3A_856 = arith.select %parallel_loop3A_813, %mul3A_591, %mul3A_647 : vector<16xi1>, vector<16xf32>
        %parallel_loop3A_857 = vector.broadcast %scan3A_702 : f32 to vector<16xf32>
        %parallel_loop3A_858 = arith.mulf %parallel_loop3A_857, %parallel_loop3A_852 : vector<16xf32>
        %parallel_loop3A_859 = arith.addf %parallel_loop3A_858, %parallel_loop3A_856 : vector<16xf32>
        %parallel_loop3A_860 = arith.addf %parallel_loop3A_859, %parallel_loop3A_855 : vector<16xf32>
        %parallel_loop3A_861 = arith.mulf %parallel_loop3A_860, %parallel_loop3A_860 : vector<16xf32>
        %parallel_loop3A_862 = arith.index_cast %parallel_loop3A_796 : i32 to index
        %parallel_loop3A_863 = arith.constant 64 : index
        %parallel_loop3A_864 = tpu.vector_load %arg13[%parallel_loop3A_862, %parallel_loop3A_863] {strides = array<i32>} : memref<128x128xf32, #tpu.memory_space<vmem>>, vector<16xf32>,
        %parallel_loop3A_865 = arith.index_cast %parallel_loop3A_796 : i32 to index
        %parallel_loop3A_866 = arith.constant 64 : index
        %parallel_loop3A_867 = tpu.vector_load %arg15[%parallel_loop3A_865, %parallel_loop3A_866] {strides = array<i32>} : memref<128x128xf32, #tpu.memory_space<vmem>>, vector<16xf32>,
        %parallel_loop3A_868 = arith.select %parallel_loop3A_813, %mul3A_598, %mul3A_654 : vector<16xi1>, vector<16xf32>
        %parallel_loop3A_869 = vector.broadcast %scan3A_702 : f32 to vector<16xf32>
        %parallel_loop3A_870 = arith.mulf %parallel_loop3A_869, %parallel_loop3A_864 : vector<16xf32>
        %parallel_loop3A_871 = arith.addf %parallel_loop3A_870, %parallel_loop3A_868 : vector<16xf32>
        %parallel_loop3A_872 = arith.addf %parallel_loop3A_871, %parallel_loop3A_867 : vector<16xf32>
        %parallel_loop3A_873 = arith.mulf %parallel_loop3A_872, %parallel_loop3A_872 : vector<16xf32>
        %parallel_loop3A_874 = arith.index_cast %parallel_loop3A_796 : i32 to index
        %parallel_loop3A_875 = arith.constant 80 : index
        %parallel_loop3A_876 = tpu.vector_load %arg13[%parallel_loop3A_874, %parallel_loop3A_875] {strides = array<i32>} : memref<128x128xf32, #tpu.memory_space<vmem>>, vector<16xf32>,
        %parallel_loop3A_877 = arith.index_cast %parallel_loop3A_796 : i32 to index
        %parallel_loop3A_878 = arith.constant 80 : index
        %parallel_loop3A_879 = tpu.vector_load %arg15[%parallel_loop3A_877, %parallel_loop3A_878] {strides = array<i32>} : memref<128x128xf32, #tpu.memory_space<vmem>>, vector<16xf32>,
        %parallel_loop3A_880 = arith.select %parallel_loop3A_813, %mul3A_605, %mul3A_661 : vector<16xi1>, vector<16xf32>
        %parallel_loop3A_881 = vector.broadcast %scan3A_702 : f32 to vector<16xf32>
        %parallel_loop3A_882 = arith.mulf %parallel_loop3A_881, %parallel_loop3A_876 : vector<16xf32>
        %parallel_loop3A_883 = arith.addf %parallel_loop3A_882, %parallel_loop3A_880 : vector<16xf32>
        %parallel_loop3A_884 = arith.addf %parallel_loop3A_883, %parallel_loop3A_879 : vector<16xf32>
        %parallel_loop3A_885 = arith.mulf %parallel_loop3A_884, %parallel_loop3A_884 : vector<16xf32>
        %parallel_loop3A_886 = arith.index_cast %parallel_loop3A_796 : i32 to index
        %parallel_loop3A_887 = arith.constant 96 : index
        %parallel_loop3A_888 = tpu.vector_load %arg13[%parallel_loop3A_886, %parallel_loop3A_887] {strides = array<i32>} : memref<128x128xf32, #tpu.memory_space<vmem>>, vector<16xf32>,
        %parallel_loop3A_889 = arith.index_cast %parallel_loop3A_796 : i32 to index
        %parallel_loop3A_890 = arith.constant 96 : index
        %parallel_loop3A_891 = tpu.vector_load %arg15[%parallel_loop3A_889, %parallel_loop3A_890] {strides = array<i32>} : memref<128x128xf32, #tpu.memory_space<vmem>>, vector<16xf32>,
        %parallel_loop3A_892 = arith.select %parallel_loop3A_813, %mul3A_612, %mul3A_668 : vector<16xi1>, vector<16xf32>
        %parallel_loop3A_893 = vector.broadcast %scan3A_702 : f32 to vector<16xf32>
        %parallel_loop3A_894 = arith.mulf %parallel_loop3A_893, %parallel_loop3A_888 : vector<16xf32>
        %parallel_loop3A_895 = arith.addf %parallel_loop3A_894, %parallel_loop3A_892 : vector<16xf32>
        %parallel_loop3A_896 = arith.addf %parallel_loop3A_895, %parallel_loop3A_891 : vector<16xf32>
        %parallel_loop3A_897 = arith.mulf %parallel_loop3A_896, %parallel_loop3A_896 : vector<16xf32>
        %parallel_loop3A_898 = arith.index_cast %parallel_loop3A_796 : i32 to index
        %parallel_loop3A_899 = arith.constant 112 : index
        %parallel_loop3A_900 = tpu.vector_load %arg13[%parallel_loop3A_898, %parallel_loop3A_899] {strides = array<i32>} : memref<128x128xf32, #tpu.memory_space<vmem>>, vector<16xf32>,
        %parallel_loop3A_901 = arith.index_cast %parallel_loop3A_796 : i32 to index
        %parallel_loop3A_902 = arith.constant 112 : index
        %parallel_loop3A_903 = tpu.vector_load %arg15[%parallel_loop3A_901, %parallel_loop3A_902] {strides = array<i32>} : memref<128x128xf32, #tpu.memory_space<vmem>>, vector<16xf32>,
        %parallel_loop3A_904 = arith.select %parallel_loop3A_813, %mul3A_619, %mul3A_675 : vector<16xi1>, vector<16xf32>
        %parallel_loop3A_905 = vector.broadcast %scan3A_702 : f32 to vector<16xf32>
        %parallel_loop3A_906 = arith.mulf %parallel_loop3A_905, %parallel_loop3A_900 : vector<16xf32>
        %parallel_loop3A_907 = arith.addf %parallel_loop3A_906, %parallel_loop3A_904 : vector<16xf32>
        %parallel_loop3A_908 = arith.addf %parallel_loop3A_907, %parallel_loop3A_903 : vector<16xf32>
        %parallel_loop3A_909 = arith.mulf %parallel_loop3A_908, %parallel_loop3A_908 : vector<16xf32>
        %parallel_loop3A_910 = arith.addf %parallel_loop3A_824, %parallel_loop3A_836 : vector<16xf32>
        %parallel_loop3A_911 = arith.addf %parallel_loop3A_848, %parallel_loop3A_860 : vector<16xf32>
        %parallel_loop3A_912 = arith.addf %parallel_loop3A_872, %parallel_loop3A_884 : vector<16xf32>
        %parallel_loop3A_913 = arith.addf %parallel_loop3A_896, %parallel_loop3A_908 : vector<16xf32>
        %parallel_loop3A_914 = arith.addf %parallel_loop3A_910, %parallel_loop3A_911 : vector<16xf32>
        %parallel_loop3A_915 = arith.addf %parallel_loop3A_912, %parallel_loop3A_913 : vector<16xf32>
        %parallel_loop3A_916 = arith.addf %parallel_loop3A_914, %parallel_loop3A_915 : vector<16xf32>
        %parallel_loop3A_917 = arith.addf %parallel_loop3A_825, %parallel_loop3A_837 : vector<16xf32>
        %parallel_loop3A_918 = arith.addf %parallel_loop3A_849, %parallel_loop3A_861 : vector<16xf32>
        %parallel_loop3A_919 = arith.addf %parallel_loop3A_873, %parallel_loop3A_885 : vector<16xf32>
        %parallel_loop3A_920 = arith.addf %parallel_loop3A_897, %parallel_loop3A_909 : vector<16xf32>
        %parallel_loop3A_921 = arith.addf %parallel_loop3A_917, %parallel_loop3A_918 : vector<16xf32>
        %parallel_loop3A_922 = arith.addf %parallel_loop3A_919, %parallel_loop3A_920 : vector<16xf32>
        %parallel_loop3A_923 = arith.addf %parallel_loop3A_921, %parallel_loop3A_922 : vector<16xf32>
        %parallel_loop3A_924 = arith.constant true
        %parallel_loop3A_925 = vector.broadcast %parallel_loop3A_924 : i1 to vector<16xi1>
        %parallel_loop3A_926 = tpu.scan <sum>, %parallel_loop3A_916 masked %parallel_loop3A_925 : vector<16xf32>, vector<16xi1> -> vector<16xf32>
        %parallel_loop3A_927 = vector.extract %parallel_loop3A_926[15] : f32 from vector<16xf32>
        %parallel_loop3A_928 = vector.broadcast %parallel_loop3A_927 : f32 to vector<16xf32>
        %parallel_loop3A_929 = arith.constant true
        %parallel_loop3A_930 = vector.broadcast %parallel_loop3A_929 : i1 to vector<16xi1>
        %parallel_loop3A_931 = tpu.scan <sum>, %parallel_loop3A_923 masked %parallel_loop3A_930 : vector<16xf32>, vector<16xi1> -> vector<16xf32>
        %parallel_loop3A_932 = vector.extract %parallel_loop3A_931[15] : f32 from vector<16xf32>
        %parallel_loop3A_933 = vector.broadcast %parallel_loop3A_932 : f32 to vector<16xf32>
        %parallel_loop3A_934 = vector.broadcast %scan3A_703 : f32 to vector<16xf32>
        %parallel_loop3A_935 = arith.mulf %parallel_loop3A_928, %parallel_loop3A_934 : vector<16xf32>
        %parallel_loop3A_936 = vector.broadcast %scan3A_703 : f32 to vector<16xf32>
        %parallel_loop3A_937 = arith.mulf %parallel_loop3A_933, %parallel_loop3A_936 : vector<16xf32>
        %parallel_loop3A_938 = arith.mulf %parallel_loop3A_935, %parallel_loop3A_935 : vector<16xf32>
        %parallel_loop3A_939 = arith.subf %parallel_loop3A_937, %parallel_loop3A_938 : vector<16xf32>
        %parallel_loop3A_940 = arith.constant 9.99999996E-13 : f32
        %parallel_loop3A_941 = vector.broadcast %parallel_loop3A_940 : f32 to vector<16xf32>
        %parallel_loop3A_942 = arith.addf %parallel_loop3A_939, %parallel_loop3A_941 : vector<16xf32>
        %parallel_loop3A_943 = vector.bitcast %parallel_loop3A_942 : vector<16xf32> to vector<16xi32>
        %parallel_loop3A_944 = arith.constant 1 : i32
        %parallel_loop3A_945 = vector.broadcast %parallel_loop3A_944 : i32 to vector<16xi32>
        %parallel_loop3A_946 = arith.shrsi %parallel_loop3A_943, %parallel_loop3A_945 : vector<16xi32>
        %parallel_loop3A_947 = arith.constant 1597463007 : i32
        %parallel_loop3A_948 = vector.broadcast %parallel_loop3A_947 : i32 to vector<16xi32>
        %parallel_loop3A_949 = arith.subi %parallel_loop3A_948, %parallel_loop3A_946 : vector<16xi32>
        %parallel_loop3A_950 = vector.bitcast %parallel_loop3A_949 : vector<16xi32> to vector<16xf32>
        %parallel_loop3A_951 = arith.constant 5.000000e-01 : f32
        %parallel_loop3A_952 = vector.broadcast %parallel_loop3A_951 : f32 to vector<16xf32>
        %parallel_loop3A_953 = arith.mulf %parallel_loop3A_952, %parallel_loop3A_942 : vector<16xf32>
        %parallel_loop3A_954 = arith.mulf %parallel_loop3A_953, %parallel_loop3A_950 : vector<16xf32>
        %parallel_loop3A_955 = arith.mulf %parallel_loop3A_954, %parallel_loop3A_950 : vector<16xf32>
        %parallel_loop3A_956 = arith.constant 1.500000e+00 : f32
        %parallel_loop3A_957 = vector.broadcast %parallel_loop3A_956 : f32 to vector<16xf32>
        %parallel_loop3A_958 = arith.subf %parallel_loop3A_957, %parallel_loop3A_955 : vector<16xf32>
        %parallel_loop3A_959 = arith.mulf %parallel_loop3A_950, %parallel_loop3A_958 : vector<16xf32>
        %parallel_loop3A_960 = arith.subf %parallel_loop3A_824, %parallel_loop3A_935 : vector<16xf32>
        %parallel_loop3A_961 = arith.mulf %get3A_503, %parallel_loop3A_959 : vector<16xf32>
        %parallel_loop3A_962 = arith.mulf %parallel_loop3A_960, %parallel_loop3A_961 : vector<16xf32>
        %parallel_loop3A_963 = arith.addf %parallel_loop3A_962, %get3A_535 : vector<16xf32>
        %parallel_loop3A_964 = arith.index_cast %parallel_loop3A_796 : i32 to index
        %parallel_loop3A_965 = arith.constant 0 : index
        %parallel_loop3A_966 = tpu.vector_load %arg17[%parallel_loop3A_964, %parallel_loop3A_965] {strides = array<i32>} : memref<128x128xf32, #tpu.memory_space<vmem>>, vector<16xf32>,
        tpu.vector_store %arg17[%parallel_loop3A_964, %parallel_loop3A_965], %parallel_loop3A_963 {strides = array<i32>} : memref<128x128xf32, #tpu.memory_space<vmem>>, vector<16xf32>,
        %parallel_loop3A_967 = arith.subf %parallel_loop3A_836, %parallel_loop3A_935 : vector<16xf32>
        %parallel_loop3A_968 = arith.mulf %get3A_507, %parallel_loop3A_959 : vector<16xf32>
        %parallel_loop3A_969 = arith.mulf %parallel_loop3A_967, %parallel_loop3A_968 : vector<16xf32>
        %parallel_loop3A_970 = arith.addf %parallel_loop3A_969, %get3A_539 : vector<16xf32>
        %parallel_loop3A_971 = arith.index_cast %parallel_loop3A_796 : i32 to index
        %parallel_loop3A_972 = arith.constant 16 : index
        %parallel_loop3A_973 = tpu.vector_load %arg17[%parallel_loop3A_971, %parallel_loop3A_972] {strides = array<i32>} : memref<128x128xf32, #tpu.memory_space<vmem>>, vector<16xf32>,
        tpu.vector_store %arg17[%parallel_loop3A_971, %parallel_loop3A_972], %parallel_loop3A_970 {strides = array<i32>} : memref<128x128xf32, #tpu.memory_space<vmem>>, vector<16xf32>,
        %parallel_loop3A_974 = arith.subf %parallel_loop3A_848, %parallel_loop3A_935 : vector<16xf32>
        %parallel_loop3A_975 = arith.mulf %get3A_511, %parallel_loop3A_959 : vector<16xf32>
        %parallel_loop3A_976 = arith.mulf %parallel_loop3A_974, %parallel_loop3A_975 : vector<16xf32>
        %parallel_loop3A_977 = arith.addf %parallel_loop3A_976, %get3A_543 : vector<16xf32>
        %parallel_loop3A_978 = arith.index_cast %parallel_loop3A_796 : i32 to index
        %parallel_loop3A_979 = arith.constant 32 : index
        %parallel_loop3A_980 = tpu.vector_load %arg17[%parallel_loop3A_978, %parallel_loop3A_979] {strides = array<i32>} : memref<128x128xf32, #tpu.memory_space<vmem>>, vector<16xf32>,
        tpu.vector_store %arg17[%parallel_loop3A_978, %parallel_loop3A_979], %parallel_loop3A_977 {strides = array<i32>} : memref<128x128xf32, #tpu.memory_space<vmem>>, vector<16xf32>,
        %parallel_loop3A_981 = arith.subf %parallel_loop3A_860, %parallel_loop3A_935 : vector<16xf32>
        %parallel_loop3A_982 = arith.mulf %get3A_515, %parallel_loop3A_959 : vector<16xf32>
        %parallel_loop3A_983 = arith.mulf %parallel_loop3A_981, %parallel_loop3A_982 : vector<16xf32>
        %parallel_loop3A_984 = arith.addf %parallel_loop3A_983, %get3A_547 : vector<16xf32>
        %parallel_loop3A_985 = arith.index_cast %parallel_loop3A_796 : i32 to index
        %parallel_loop3A_986 = arith.constant 48 : index
        %parallel_loop3A_987 = tpu.vector_load %arg17[%parallel_loop3A_985, %parallel_loop3A_986] {strides = array<i32>} : memref<128x128xf32, #tpu.memory_space<vmem>>, vector<16xf32>,
        tpu.vector_store %arg17[%parallel_loop3A_985, %parallel_loop3A_986], %parallel_loop3A_984 {strides = array<i32>} : memref<128x128xf32, #tpu.memory_space<vmem>>, vector<16xf32>,
        %parallel_loop3A_988 = arith.subf %parallel_loop3A_872, %parallel_loop3A_935 : vector<16xf32>
        %parallel_loop3A_989 = arith.mulf %get3A_519, %parallel_loop3A_959 : vector<16xf32>
        %parallel_loop3A_990 = arith.mulf %parallel_loop3A_988, %parallel_loop3A_989 : vector<16xf32>
        %parallel_loop3A_991 = arith.addf %parallel_loop3A_990, %get3A_551 : vector<16xf32>
        %parallel_loop3A_992 = arith.index_cast %parallel_loop3A_796 : i32 to index
        %parallel_loop3A_993 = arith.constant 64 : index
        %parallel_loop3A_994 = tpu.vector_load %arg17[%parallel_loop3A_992, %parallel_loop3A_993] {strides = array<i32>} : memref<128x128xf32, #tpu.memory_space<vmem>>, vector<16xf32>,
        tpu.vector_store %arg17[%parallel_loop3A_992, %parallel_loop3A_993], %parallel_loop3A_991 {strides = array<i32>} : memref<128x128xf32, #tpu.memory_space<vmem>>, vector<16xf32>,
        %parallel_loop3A_995 = arith.subf %parallel_loop3A_884, %parallel_loop3A_935 : vector<16xf32>
        %parallel_loop3A_996 = arith.mulf %get3A_523, %parallel_loop3A_959 : vector<16xf32>
        %parallel_loop3A_997 = arith.mulf %parallel_loop3A_995, %parallel_loop3A_996 : vector<16xf32>
        %parallel_loop3A_998 = arith.addf %parallel_loop3A_997, %get3A_555 : vector<16xf32>
        %parallel_loop3A_999 = arith.index_cast %parallel_loop3A_796 : i32 to index
        %parallel_loop3A_1000 = arith.constant 80 : index
        %parallel_loop3A_1001 = tpu.vector_load %arg17[%parallel_loop3A_999, %parallel_loop3A_1000] {strides = array<i32>} : memref<128x128xf32, #tpu.memory_space<vmem>>, vector<16xf32>,
        tpu.vector_store %arg17[%parallel_loop3A_999, %parallel_loop3A_1000], %parallel_loop3A_998 {strides = array<i32>} : memref<128x128xf32, #tpu.memory_space<vmem>>, vector<16xf32>,
        %parallel_loop3A_1002 = arith.subf %parallel_loop3A_896, %parallel_loop3A_935 : vector<16xf32>
        %parallel_loop3A_1003 = arith.mulf %get3A_527, %parallel_loop3A_959 : vector<16xf32>
        %parallel_loop3A_1004 = arith.mulf %parallel_loop3A_1002, %parallel_loop3A_1003 : vector<16xf32>
        %parallel_loop3A_1005 = arith.addf %parallel_loop3A_1004, %get3A_559 : vector<16xf32>
        %parallel_loop3A_1006 = arith.index_cast %parallel_loop3A_796 : i32 to index
        %parallel_loop3A_1007 = arith.constant 96 : index
        %parallel_loop3A_1008 = tpu.vector_load %arg17[%parallel_loop3A_1006, %parallel_loop3A_1007] {strides = array<i32>} : memref<128x128xf32, #tpu.memory_space<vmem>>, vector<16xf32>,
        tpu.vector_store %arg17[%parallel_loop3A_1006, %parallel_loop3A_1007], %parallel_loop3A_1005 {strides = array<i32>} : memref<128x128xf32, #tpu.memory_space<vmem>>, vector<16xf32>,
        %parallel_loop3A_1009 = arith.subf %parallel_loop3A_908, %parallel_loop3A_935 : vector<16xf32>
        %parallel_loop3A_1010 = arith.mulf %get3A_531, %parallel_loop3A_959 : vector<16xf32>
        %parallel_loop3A_1011 = arith.mulf %parallel_loop3A_1009, %parallel_loop3A_1010 : vector<16xf32>
        %parallel_loop3A_1012 = arith.addf %parallel_loop3A_1011, %get3A_563 : vector<16xf32>
        %parallel_loop3A_1013 = arith.index_cast %parallel_loop3A_796 : i32 to index
        %parallel_loop3A_1014 = arith.constant 112 : index
        %parallel_loop3A_1015 = tpu.vector_load %arg17[%parallel_loop3A_1013, %parallel_loop3A_1014] {strides = array<i32>} : memref<128x128xf32, #tpu.memory_space<vmem>>, vector<16xf32>,
        tpu.vector_store %arg17[%parallel_loop3A_1013, %parallel_loop3A_1014], %parallel_loop3A_1012 {strides = array<i32>} : memref<128x128xf32, #tpu.memory_space<vmem>>, vector<16xf32>,
      } {sc.loop_unroll_factor = 2 : i64, sc.parallel_access}
      %add3A_780 = arith.constant 1 : i32
      %add3A_781 = arith.addi %mul3A_723, %add3A_780 : i32
      %mul3A_782 = arith.constant 128 : i32
      %mul3A_783 = arith.muli %add3A_781, %mul3A_782 : i32
      %add3A_784 = arith.addi %mul3A_34, %mul3A_783 : i32
      %dma_start3A_785 = arith.constant 0 : i32
      %dma_start3A_786 = tpu.memref_slice %arg9[%add3A_784, %dma_start3A_785] : memref<32768x128xf32, #tpu.memory_space<hbm>> -> memref<128x128xf32, #tpu.memory_space<hbm>>
      %dma_start3A_787 = arith.constant 0 : i32
      %dma_start3A_788 = tpu.memref_slice %arg9[%add3A_784, %dma_start3A_787] : memref<32768x128xf32, #tpu.memory_space<hbm>> -> memref<128x128xf32, #tpu.memory_space<hbm>>
      tpu.enqueue_dma source(%arg17 : memref<128x128xf32, #tpu.memory_space<vmem>>) target(%dma_start3A_788 : memref<128x128xf32, #tpu.memory_space<hbm>>) target_semaphore(%arg24 : memref<!tpu.dma_semaphore, #tpu.memory_space<semaphore_mem>>)
      %add3A_789 = arith.constant 3 : i32
      %add3A_790 = arith.addi %mul3A_723, %add3A_789 : i32
      %lt3A_791 = arith.constant 8 : i32
      %lt3A_792 = arith.cmpi slt, %add3A_790, %lt3A_791 : i32
      %convert_element_type3A_793 = arith.extui %lt3A_792 : i1 to i32
      %cond3A_794 = arith.constant 0 : i32
      %cond3A_795 = arith.cmpi ne, %convert_element_type3A_793, %cond3A_794 : i32
      scf.if %cond3A_795 {
        %add3A_796 = arith.constant 3 : i32
        %add3A_797 = arith.addi %mul3A_723, %add3A_796 : i32
        %dma_start3A_798 = arith.constant 0 : i32
        %dma_start3A_799 = tpu.memref_slice %arg10[%add3A_797, %dma_start3A_798] : memref<8x128xi32, #tpu.memory_space<vmem>> -> memref<1x128xi32, #tpu.memory_space<vmem>>
        %dma_start3A_800 = tpu.memref_squeeze %dma_start3A_799 : memref<1x128xi32, #tpu.memory_space<vmem>> -> memref<128xi32, #tpu.memory_space<vmem>>
        %dma_start3A_801 = arith.constant 0 : i32
        %dma_start3A_802 = arith.constant 0 : i32
        %dma_start3A_803 = tpu.memref_slice %arg4[%dma_start3A_801, %dma_start3A_802] : memref<100000x128xf32, #tpu.memory_space<hbm>> -> memref<100000x128xf32, #tpu.memory_space<hbm>>
        tpu.enqueue_indirect_dma source(%dma_start3A_803 : memref<100000x128xf32, #tpu.memory_space<hbm>>) target(%arg13 : memref<128x128xf32, #tpu.memory_space<vmem>>) offsets(%dma_start3A_800 : memref<128xi32, #tpu.memory_space<vmem>>) semaphore(%arg20 : memref<!tpu.dma_semaphore, #tpu.memory_space<semaphore_mem>>)
        %mul3A_804 = arith.constant 128 : i32
        %mul3A_805 = arith.muli %add3A_797, %mul3A_804 : i32
        %add3A_806 = arith.addi %mul3A_32, %mul3A_805 : i32
        %dma_start3A_807 = arith.constant 0 : i32
        %dma_start3A_808 = tpu.memref_slice %arg6[%add3A_806, %dma_start3A_807] : memref<8192x128xf32, #tpu.memory_space<hbm>> -> memref<128x128xf32, #tpu.memory_space<hbm>>
        %dma_start3A_809 = arith.constant 0 : i32
        %dma_start3A_810 = tpu.memref_slice %arg6[%add3A_806, %dma_start3A_809] : memref<8192x128xf32, #tpu.memory_space<hbm>> -> memref<128x128xf32, #tpu.memory_space<hbm>>
        tpu.enqueue_dma source(%dma_start3A_810 : memref<128x128xf32, #tpu.memory_space<hbm>>) target(%arg15 : memref<128x128xf32, #tpu.memory_space<vmem>>) target_semaphore(%arg22 : memref<!tpu.dma_semaphore, #tpu.memory_space<semaphore_mem>>)
      } else {
      }
    }
    %scan3A_708 = arith.constant 4 : i32
    %add3A_709 = arith.constant 768 : i32
    %add3A_710 = arith.addi %mul3A_34, %add3A_709 : i32
    %dma_wait3A_711 = arith.constant 0 : i32
    %dma_wait3A_712 = tpu.memref_slice %arg9[%add3A_710, %dma_wait3A_711] : memref<32768x128xf32, #tpu.memory_space<hbm>> -> memref<128x128xf32, #tpu.memory_space<hbm>>
    %dma_wait3A_713 = arith.constant 0 : i32
    %dma_wait3A_714 = tpu.memref_slice %arg9[%add3A_710, %dma_wait3A_713] : memref<32768x128xf32, #tpu.memory_space<hbm>> -> memref<128x128xf32, #tpu.memory_space<hbm>>
    tpu.wait_dma2 semaphore(%arg23 : memref<!tpu.dma_semaphore, #tpu.memory_space<semaphore_mem>>) src(%arg16 : memref<128x128xf32, #tpu.memory_space<vmem>>) dst(%dma_wait3A_714 : memref<128x128xf32, #tpu.memory_space<hbm>>)
    %add3A_715 = arith.constant 896 : i32
    %add3A_716 = arith.addi %mul3A_34, %add3A_715 : i32
    %dma_wait3A_717 = arith.constant 0 : i32
    %dma_wait3A_718 = tpu.memref_slice %arg9[%add3A_716, %dma_wait3A_717] : memref<32768x128xf32, #tpu.memory_space<hbm>> -> memref<128x128xf32, #tpu.memory_space<hbm>>
    %dma_wait3A_719 = arith.constant 0 : i32
    %dma_wait3A_720 = tpu.memref_slice %arg9[%add3A_716, %dma_wait3A_719] : memref<32768x128xf32, #tpu.memory_space<hbm>> -> memref<128x128xf32, #tpu.memory_space<hbm>>
    tpu.wait_dma2 semaphore(%arg24 : memref<!tpu.dma_semaphore, #tpu.memory_space<semaphore_mem>>) src(%arg17 : memref<128x128xf32, #tpu.memory_space<vmem>>) dst(%dma_wait3A_720 : memref<128x128xf32, #tpu.memory_space<hbm>>)
    return
  }
}

</mosaic_0001>

<sc_bundles>
// kernel: kernel.3.cloned.1.call-start
scs
__scs_entry_jumppad:
0x0: {  	(pc) =	sbr.rel $0x88, $3  }
0x1: {  	(tag) =	ssettag $0x0;
	lr =	simm.s32 $0x1  }
0x2: {  	[smem:$0x3F9A] =	sst lr;
	_ =	strace $0xD0000000  }
0x3: {  	_ = 	snop  }
0x4: {  	_ = 	snop  }
0x5: {  	_ = 	snop  }
0x6: {  	_ = 	snop  }
0x7: {  	_ = 	snop  }
__scs_overlays_trampoline_lowered:
0x8: {  	[smem:$0x3FA9] =	sst s0  }
0x9: {  	[smem:$0x3FAA] =	sst s1  }
0xa: {  	[smem:$0x3FAB] =	sst s2  }
0xb: {  	[smem:$0x3FAC] =	sst s3  }
0xc: {  	[smem:$0x3FAD] =	sst s4  }
0xd: {  	[smem:$0x3FAE] =	sst s5  }
0xe: {  	[smem:$0x3FAF] =	sst s6  }
0xf: {  	[smem:$0x3FB0] =	sst s7  }
0x10: {  	[smem:$0x3FB1] =	sst s8  }
0x11: {  	[smem:$0x3FB2] =	sst s9;
	s0 =	simm.s32 @!p0 $0x0  }
0x12: {  	s1 =	sld [smem:$0x3F98];
	s0 =	simm.s32 @p0 $0x1  }
0x13: {  	[smem:$0x3FB3] =	sst s0;
	s0 =	simm.s32 @!p1 $0x0  }
0x14: {  	s2 =	sld [smem:$0x3F97];
	s0 =	simm.s32 @p1 $0x1  }
0x15: {  	[smem:$0x3FB4] =	sst s0;
	s0 =	simm.s32 @!p2 $0x0  }
0x16: {  	s3 =	sld [smem:$0x3FDB];
	s0 =	simm.s32 @p2 $0x1  }
0x17: {  	s4 =	simm.s32 $0x1BF5;
	[smem:$0x3FB6] =	sst s0  }
0x18: {  	s0 =	sld [smem:$0x3F99];
	_ =	swait.ge [sflag:s4], $0x0  }
0x19: {  	s7 =	sld [smem:$0x3F9A]  }
0x1a: {  	s8 =	sadd.s32 $0xFFFFE003, lr  }
0x1b: {  	s9 =	sadd.s32 $0xFFFFFEF7, lr;
	s5 =	simm.s32 $0xFFFFFFFF;
	p2 =	slt.u32 s8, $0xFFFFF086  }
0x1c: {  	p1 =	slt.u32 s9, $0xF7A;
	s5 =	simm.s32 @!p2 $0x0  }
0x1d: {  	s5 =	simm.s32 @p1 $0x1;
	p0 =	seq.s32 s7, s2  }
0x1e: {  	s7 =	smul.u32 @!p0 $0xF7A, s2;
	p2 =	seq.s32 @!p0 s5, $0x0  }
0x1f: {  	s9 =	smul.u32 $0xF7A, s1;
	s8 =	simm.s32 @!p0 $0x1BF5;
	p2 =	por !p2, p0  }
0x20: {  	[sflag:s8] =	ssyncset.s32 @!p0 $0xFFFFF086;
	s6 =	sadd.s32 @!p0 s3, s7;
	s7 =	simm.s32 @!p0 $0x108  }
0x21: {  	s3 =	sadd.s32 s3, s9;
	s6 =	sadd.s32 @!p0 $0x88, s6;
	s7 =	simm.s32 @p2 $0x1082  }
0x22: {  	[simem:s7], [sflag:s8] =	dma.local @!p0 [hbm:s6], $0xF7A  }
0x23: {  	s9 =	sor.u32 $0xD0000000, s2;
	s6 =	simm.s32 $0x108;
	_ =	swait.ge @!p0 [sflag:s8], $0x0  }
0x24: {  	s3 =	sadd.s32 $0x88, s3;
	s6 =	simm.s32 @!p1 $0x1082;
	[sflag:s4] =	ssyncset.s32 $0xFFFFF086  }
0x25: {  	[simem:s6], [sflag:s4] =	dma.local [hbm:s3], $0xF7A  }
0x26: {  	[smem:$0x3F9A] =	sst s1;
	(tag) =	ssettag s2;
	_ =	strace s9  }
0x27: {  	s1 =	sld [smem:$0x3FAA]  }
0x28: {  	s2 =	sld [smem:$0x3FAB]  }
0x29: {  	s4 =	sld [smem:$0x3FAD]  }
0x2a: {  	p0 =	seq.s32 s5, $0x0;
	s5 =	sld [smem:$0x3FAE]  }
0x2b: {  	s6 =	sld [smem:$0x3FAF]  }
0x2c: {  	s7 =	sld [smem:$0x3FB0]  }
0x2d: {  	s3 =	simm.s32 $0x108;
	s8 =	sld [smem:$0x3FB1]  }
0x2e: {  	s3 =	simm.s32 @!p0 $0x1082;
	s9 =	sld [smem:$0x3FB2]  }
0x2f: {  	lr =	sadd.s32 s0, s3;
	s0 =	sld [smem:$0x3FA9]  }
0x30: {  	s3 =	sld [smem:$0x3FAC]  }
0x31: {  	[smem:$0x3FB5] =	sst s10  }
0x32: {  	s10 =	sld [smem:$0x3FB3];
	_ =	sdelay $0x3  }
0x33: {  	p0 =	seq.s32 s10, $0x1;
	s10 =	sld [smem:$0x3FB5];
	_ =	sdelay $0x3  }
0x34: {  	[smem:$0x3FB5] =	sst s10  }
0x35: {  	s10 =	sld [smem:$0x3FB4];
	_ =	sdelay $0x3  }
0x36: {  	p1 =	seq.s32 s10, $0x1;
	s10 =	sld [smem:$0x3FB5];
	_ =	sdelay $0x3  }
0x37: {  	[smem:$0x3FB5] =	sst s10  }
0x38: {  	s10 =	sld [smem:$0x3FB6]  }
0x39: {  	_ = 	snop;
	(pc) =	sbr.ind lr, $3  }
0x3a: {  	_ = 	snop  }
0x3b: {  	_ = 	snop  }
0x3c: {  	p2 =	seq.s32 s10, $0x1;
	s10 =	sld [smem:$0x3FB5]  }
0x3d: {  	_ =	shalt  }
0x3e: {  	_ =	shalt  }
0x3f: {  	_ =	shalt  }
0x40: {  	_ =	shalt  }
0x41: {  	_ =	shalt  }
0x42: {  	_ =	shalt  }
0x43: {  	_ =	shalt  }
0x44: {  	_ =	shalt  }
0x45: {  	_ =	shalt  }
0x46: {  	_ =	shalt  }
0x47: {  	_ =	shalt  }
0x48: {  	_ =	shalt  }
0x49: {  	_ =	shalt  }
0x4a: {  	_ =	shalt  }
0x4b: {  	_ =	shalt  }
0x4c: {  	_ =	shalt  }
0x4d: {  	_ =	shalt  }
0x4e: {  	_ =	shalt  }
0x4f: {  	_ =	shalt  }
0x50: {  	_ =	shalt  }
0x51: {  	_ =	shalt  }
0x52: {  	_ =	shalt  }
0x53: {  	_ =	shalt  }
0x54: {  	_ =	shalt  }
0x55: {  	_ =	shalt  }
0x56: {  	_ =	shalt  }
0x57: {  	_ =	shalt  }
0x58: {  	_ =	shalt  }
0x59: {  	_ =	shalt  }
0x5a: {  	_ =	shalt  }
0x5b: {  	_ =	shalt  }
0x5c: {  	_ =	shalt  }
0x5d: {  	_ =	shalt  }
0x5e: {  	_ =	shalt  }
0x5f: {  	_ =	shalt  }
0x60: {  	_ =	shalt  }
0x61: {  	_ =	shalt  }
0x62: {  	_ =	shalt  }
0x63: {  	_ =	shalt  }
0x64: {  	_ =	shalt  }
0x65: {  	_ =	shalt  }
0x66: {  	_ =	shalt  }
0x67: {  	_ =	shalt  }
0x68: {  	_ =	shalt  }
0x69: {  	_ =	shalt  }
0x6a: {  	_ =	shalt  }
0x6b: {  	_ =	shalt  }
0x6c: {  	_ =	shalt  }
0x6d: {  	_ =	shalt  }
0x6e: {  	_ =	shalt  }
0x6f: {  	_ =	shalt  }
0x70: {  	_ =	shalt  }
0x71: {  	_ =	shalt  }
0x72: {  	_ =	shalt  }
0x73: {  	_ =	shalt  }
0x74: {  	_ =	shalt  }
0x75: {  	_ =	shalt  }
0x76: {  	_ =	shalt  }
0x77: {  	_ =	shalt  }
0x78: {  	_ =	shalt  }
0x79: {  	_ =	shalt  }
0x7a: {  	_ =	shalt  }
0x7b: {  	_ =	shalt  }
0x7c: {  	_ =	shalt  }
0x7d: {  	_ =	shalt  }
0x7e: {  	_ =	shalt  }
0x7f: {  	_ =	shalt  }
0x80: {  	_ =	shalt  }
0x81: {  	_ =	shalt  }
0x82: {  	_ =	shalt  }
0x83: {  	_ =	shalt  }
0x84: {  	_ =	shalt  }
0x85: {  	_ =	shalt  }
0x86: {  	_ =	shalt  }
0x87: {  	_ =	shalt  }
.Lfunc_end0:
.L_simem_size_0:
called_computation_lowered:
.L_overlay_start_0:
0x88: {  	s2 =	sld [smem:$0x3FD9]  }
0x89: {  	s3 =	sld [smem:$0x3FFE];
	_ =	sdelay $0x1  }
0x8a: {  	s1 =	srdreg.scid  }
0x8b: {  	s0 =	sand.u32 $0x1, s1  }
0x8c: {  	s18 =	sshll.u32 s0, $0xA;
	s2 =	sadd.s32 s3, s2  }
0x8d: {  	s2 =	sadd.s32 s2, s18  }
0x8e: {  	[smem:$0x3FC1] =	sst s2  }
0x8f: {  	_ = 	snop  }
0x90: {  	s2 =	sld [smem:$0x3FC9]  }
0x91: {  	s19 =	sld [smem:$0x3FC8]  }
0x92: {  	s4 =	sld [smem:$0x3FC7]  }
0x93: {  	s5 =	sld [smem:$0x3FC6]  }
0x94: {  	s6 =	sld [smem:$0x3FC5]  }
0x95: {  	s7 =	sld [smem:$0x3FC4]  }
0x96: {  	s8 =	sld [smem:$0x3FC3]  }
0x97: {  	s9 =	sld [smem:$0x3FD0];
	(tm) =	ssettm $0x1  }
0x98: {  	s10 =	sld [smem:$0x3FFB];
	_ =	sdelay $0x3  }
0x99: {  	_ =	strace s10  }
0x9a: {  	s10 =	sld [smem:$0x3FFC];
	_ =	sdelay $0x3  }
0x9b: {  	_ =	strace s10  }
0x9c: {  	s10 =	sld [smem:$0x3FFD];
	_ =	sdelay $0x3  }
0x9d: {  	_ =	strace s10  }
0x9e: {  	_ =	strace $0x8FFFFFFF  }
0x9f: {  	s20 =	sld [smem:$0x3FDB];
	_ =	sdelay $0x1  }
0xa0: {  	s11 =	simm.s32 $_scs_section_size  }
0xa1: {  	s12 =	simm.s32 $_size__tile_overlayer_lowered;
	s13 =	simm.s32 $_tile_overlayer_lowered  }
0xa2: {  	s23 =	simm.s32 $0x1BFF;
	s22 =	sshll.u32 s13, $0x1;
	s10 =	sadd.s32 s11, s20  }
0xa3: {  	s14 =	simm.s32 $0x0;
	s21 =	sshll.u32 s12, $0x1;
	s12 =	sadd.s32 s22, s10  }
0xa4: {  	[timem:s14], [sflag:s23] =	dma.local [hbm:s12], s21  }
0xa5: {  	_ =	swait.ge [sflag:s23], s21  }
0xa6: {  	s11 =	ssub.s32 $0x0, s21;
	[sflag:s23] =	ssyncset.done $0x0  }
0xa7: {  	[sflag:s23] =	ssyncadd.s32 s11;
	_ =	sdelay $0x1  }
0xa8: {  	s24 =	simm.s32 $0x1B8B  }
0xa9: {  	_ =	swait.ge [sflag:s24], $0x1  }
0xaa: {  	[sflag:s24] =	ssyncset.done $0x0  }
0xab: {  	s25 =	simm.s32 $0x1B8E;
	[sflag:s24] =	ssyncadd.s32 $0xFFFFFFFF  }
0xac: {  	s26 =	simm.s32 $execute0_lowered;
	[smem:$0x3FD2] =	sst s25  }
0xad: {  	s11 =	sshll.u32 s26, $0x1;
	_ =	strace $0x80000046;
	[dreg:$0x1] =	wrdreg $0xFFFFFFFF  }
0xae: {  	s28 =	simm.s32 $_size_execute0_lowered;
	s10 =	sadd.s32 s10, s11;
	[dreg:$0x0] =	wrdreg $0x0  }
0xaf: {  	s11 =	sshll.u32 s28, $0x1;
	[dreg:$0x2] =	wrdreg s10  }
0xb0: {  	[dreg:$0x3] =	wrdreg s11  }
0xb1: {  	[dreg:$0x4] =	wrdreg $0xC0  }
0xb2: {  	_ =	task [dreg:s14], $0x5FFFF  }
0xb3: {  	[dreg:$0x1] =	wrdreg $0xFFFFFFFF  }
0xb4: {  	[dreg:$0x0] =	wrdreg $0x60  }
0xb5: {  	[dreg:$0x2] =	wrdreg s2  }
0xb6: {  	[dreg:$0x3] =	wrdreg s19  }
0xb7: {  	[dreg:$0x4] =	wrdreg s4  }
0xb8: {  	[dreg:$0x5] =	wrdreg s5  }
0xb9: {  	[dreg:$0x6] =	wrdreg s6  }
0xba: {  	[dreg:$0x7] =	wrdreg s7  }
0xbb: {  	[dreg:$0x8] =	wrdreg s8  }
0xbc: {  	[dreg:$0x9] =	wrdreg s9  }
0xbd: {  	[dreg:$0xa] =	wrdreg $0x9  }
0xbe: {  	_ =	task.clear_ibuf [dreg:s14], $0xBFFFF;
	_ =	strace $0x90000046  }
0xbf: {  	s29 =	simm.s32 $0x9;
	_ =	strace $0x80000048  }
0xc0: {  	_ =	swait.ge [sflag:s29], $0x1  }
0xc1: {  	[sflag:s29] =	ssyncadd.s32 $0xFFFFFFFF  }
0xc2: {  	_ =	strace $0x90000048  }
0xc3: {  	_ =	sfence  }
0xc4: {  	s30 =	sld [smem:$0x0];
	_ =	sdelay $0x2  }
0xc5: {  	s31 =	sshll.u32 s1, $0xD;
	s1 =	sshrl.u32 s1, $0x2  }
0xc6: {  	s3 =	sand.u32 $0x4000, s31;
	s1 =	sadd.s32 s1, s30  }
0xc7: {  	s0 =	sor.u32 s3, s0;
	s1 =	sshll.u32 s1, $0x11  }
0xc8: {  	s0 =	sor.u32 s1, s0  }
0xc9: {  	s0 =	sadd.s32 $0x8F2B, s0  }
0xca: {  	[sflag:s0] =	ssyncadd.remote.s32 $0x1  }
0xcb: {  	_ =	sfence.sel $0xFFFF  }
0xcc: {  	[dreg:$0x0] =	wrdreg $0xFFFFFFFF;
	(pc) =	sbr.abs _section_cstart, $3  }
0xcd: {  	[dreg:$0x1] =	wrdreg $0xFFFFFFFF  }
0xce: {  	_ =	task.clear_ibuf [dreg:s14], $0x2FFFF;
	_ =	strace $0x9FFFFFFF  }
0xcf: {  	(tm) =	ssettm $0x7FFFFFFF  }
tec
execute0_lowered:
.L_overlay_start_1:
0x0: {  	(tag) =	ssettag $0x1  }
0x1: {  	s0 =	rddreg [dreg:$0x0]  }
0x2: {  	s2 =	rddreg [dreg:$0x1]  }
0x3: {  	s1 =	rddreg [dreg:$0x2];
	s3 =	srdreg.scid  }
0x4: {  	s9 =	stileid.u32;
	s14 =	rddreg [dreg:$0x3]  }
0x5: {  	s4 =	simm.s32 $0x0;
	s5 =	sand.u32 $0x1, s3;
	s3 =	rddreg [dreg:$0x4]  }
0x6: {  	s31 =	simm.s32 $0x7;
	s6 =	sshll.u32 s9, $0x1;
	[smem:$0x7FF] =	sst s4  }
0x7: {  	s9 =	sshll.u32 s9, $0x5;
	s30 =	sadd.s32 $0x10, s14;
	s6 =	sor.u32 s5, s6  }
0x8: {  	s8 =	ssub.s32 $0x2, s5;
	s9 =	sand.u32 $0x180, s9;
	s7 =	sand.u32 $0x7, s6  }
0x9: {  	s12 =	sshrl.u32 s8, $0x1;
	s5 =	sshll.u32 s7, $0xA;
	s10 =	sshll.u32 s7, $0xC  }
0xa: {  	s8 =	ssub.s32 s8, s12;
	s12 =	simm.s32 $0x0;
	s11 =	sor.u32 $0x80, s5  }
0xb: {  	s10 =	sor.u32 s9, s10;
	s29 =	smax.u32 s8, $0x1;
	s13 =	sshll.u32 s11, $0x2  }
0xc: {  	s8 =	simm.s32 $0x4;
	s10 =	sshrl.u32 s10, $0x3;
	s9 =	sor.u32 s9, s13  }
0xd: {  	s24 =	sadd.s32 s0, s10;
	s25 =	sadd.s32 s2, s10;
	s28 =	sor.u32 $0x80, s10  }
0xe: {  	s15 =	sor.u32 $0xC0, s10;
	s17 =	sor.u32 $0x100, s10;
	[dreg:$0x9] =	wrdreg s24  }
0xf: {  	s19 =	sor.u32 $0x140, s10;
	s21 =	sor.u32 $0x180, s10;
	[dreg:$0xa] =	wrdreg s25  }
0x10: {  	s10 =	sor.u32 $0x1C0, s10;
	s13 =	sadd.s32 s0, s28;
	s25 =	rddreg [dreg:$0x7]  }
0x11: {  	s9 =	sshrl.u32 s9, $0x3;
	s16 =	sadd.s32 s0, s15;
	[dreg:$0xd] =	wrdreg s13  }
0x12: {  	s18 =	sadd.s32 s0, s17;
	s20 =	sadd.s32 s0, s19;
	[dreg:$0xf] =	wrdreg s16  }
0x13: {  	s22 =	sadd.s32 s0, s21;
	s23 =	sadd.s32 s2, s10;
	[dreg:$0x11] =	wrdreg s18  }
0x14: {  	s24 =	sshll.u32 s6, $0xE;
	s6 =	simm.s32 $0x10800;
	[dreg:$0x13] =	wrdreg s20  }
0x15: {  	s26 =	sadd.s32 s0, s9;
	s9 =	sadd.s32 s2, s9;
	[dreg:$0x15] =	wrdreg s22  }
0x16: {  	s0 =	sadd.s32 s0, s10;
	[dreg:$0x18] =	wrdreg s23;
	s25 =	sadd.s32 s25, s24  }
0x17: {  	s22 =	simm.s32 $0x80;
	s18 =	simm.s32 $0x4800;
	[dreg:$0xb] =	wrdreg s26  }
0x18: {  	s23 =	simm.s32 $0xC800;
	s10 =	simm.s32 $0x5;
	[dreg:$0xc] =	wrdreg s9  }
0x19: {  	s9 =	sadd.s32 s2, s28;
	[dreg:$0x17] =	wrdreg s0;
	s26 =	sshll.u32 s7, $0xE  }
0x1a: {  	s28 =	sshll.u32 s11, $0x4;
	[dreg:$0xe] =	wrdreg s9;
	s9 =	sadd.s32 s2, s15  }
0x1b: {  	s7 =	simm.s32 $0x2;
	[dreg:$0x10] =	wrdreg s9;
	s9 =	sadd.s32 s2, s17  }
.Ltmp0:
0x1c: {  	[dreg:$0x12] =	wrdreg s9;
	s9 =	sadd.s32 s2, s19;
	(pc) =	sbr.rel .LBB2_1-.Ltmp0, $4  }
0x1d: {  	s11 =	simm.s32 $0x6;
	[dreg:$0x14] =	wrdreg s9;
	s9 =	sadd.s32 s2, s21  }
0x1e: {  	s0 =	sadd.s32 s3, s26;
	s2 =	simm.s32 $0x1;
	[dreg:$0x16] =	wrdreg s9  }
0x1f: {  	_ =	strace $0x80000047;
	[dreg:$0x19] =	wrdreg s0;
	s0 =	sadd.s32 s3, s28  }
0x20: {  	s9 =	simm.s32 $0x14800;
	[dreg:$0x1a] =	wrdreg s0;
	s0 =	simm.s32 $0x3  }
.LBB2_8:
0x21: {  	s12 =	sadd.s32 $0x1, s12  }
0x22: {  	_ =	swait.ge [sflag:s10], $0x4000;
	p0 =	sne.s32 s12, s29  }
.Ltmp1:
0x23: {  	[sflag:s10] =	ssyncset.done $0x0;
	(pc) =	sbr.rel @!p0 .LBB2_9-.Ltmp1, $4  }
0x24: {  	[sflag:s10] =	ssyncadd.s32 $0xFFFFC000  }
0x25: {  	_ =	swait.ge [sflag:s11], $0x4000  }
0x26: {  	[sflag:s11] =	ssyncset.done $0x0  }
0x27: {  	[sflag:s11] =	ssyncadd.s32 $0xFFFFC000  }
.LBB2_1:
0x28: {  	s13 =	rddreg [dreg:$0x9]  }
0x29: {  	[tilespmem:s4], [sflag:$0x7] =	stream.linear.gather [hbm4b:s13+s4], $0x80, $0x38;
	[tilespmem:$0x18A00] =	vst v63  }
0x2a: {  	s28 =	rddreg [dreg:$0xa];
	s14 =	simm.s32 $0x400  }
0x2b: {  	[tilespmem:s14], [sflag:$0x7] =	stream.linear.gather [hbm4b:s28+s4], $0x80, $0x38;
	[tilespmem:$0x18A00] =	vst v63  }
0x2c: {  	s15 =	rddreg [dreg:$0xb]  }
0x2d: {  	[tilespmem:s22], [sflag:$0x7] =	stream.linear.gather [hbm4b:s15+s4], $0x80, $0x38;
	[tilespmem:$0x18A00] =	vst v63  }
0x2e: {  	s16 =	rddreg [dreg:$0xc];
	s17 =	simm.s32 $0x480  }
0x2f: {  	[tilespmem:s17], [sflag:$0x7] =	stream.linear.gather [hbm4b:s16+s4], $0x80, $0x38;
	[tilespmem:$0x18A00] =	vst v63  }
0x30: {  	s19 =	rddreg [dreg:$0xd];
	s20 =	simm.s32 $0x100  }
0x31: {  	[tilespmem:s20], [sflag:$0x7] =	stream.linear.gather [hbm4b:s19+s4], $0x80, $0x38;
	[tilespmem:$0x18A00] =	vst v63  }
0x32: {  	s21 =	rddreg [dreg:$0xe];
	s24 =	simm.s32 $0x500  }
0x33: {  	[tilespmem:s24], [sflag:$0x7] =	stream.linear.gather [hbm4b:s21+s4], $0x80, $0x38;
	[tilespmem:$0x18A00] =	vst v63  }
0x34: {  	s26 =	rddreg [dreg:$0xf];
	s28 =	simm.s32 $0x180  }
0x35: {  	[tilespmem:s28], [sflag:$0x7] =	stream.linear.gather [hbm4b:s26+s4], $0x80, $0x38;
	[tilespmem:$0x18A00] =	vst v63  }
0x36: {  	s14 =	rddreg [dreg:$0x10];
	s15 =	simm.s32 $0x580  }
0x37: {  	[tilespmem:s15], [sflag:$0x7] =	stream.linear.gather [hbm4b:s14+s4], $0x80, $0x38;
	[tilespmem:$0x18A00] =	vst v63  }
0x38: {  	s16 =	rddreg [dreg:$0x11];
	s17 =	simm.s32 $0x200  }
0x39: {  	[tilespmem:s17], [sflag:$0x7] =	stream.linear.gather [hbm4b:s16+s4], $0x80, $0x38;
	[tilespmem:$0x18A00] =	vst v63  }
0x3a: {  	s19 =	rddreg [dreg:$0x12];
	s20 =	simm.s32 $0x600  }
0x3b: {  	[tilespmem:s20], [sflag:$0x7] =	stream.linear.gather [hbm4b:s19+s4], $0x80, $0x38;
	[tilespmem:$0x18A00] =	vst v63  }
0x3c: {  	s21 =	rddreg [dreg:$0x13];
	s24 =	simm.s32 $0x280  }
0x3d: {  	[tilespmem:s24], [sflag:$0x7] =	stream.linear.gather [hbm4b:s21+s4], $0x80, $0x38;
	[tilespmem:$0x18A00] =	vst v63  }
0x3e: {  	s26 =	rddreg [dreg:$0x14];
	s28 =	simm.s32 $0x680  }
0x3f: {  	[tilespmem:s28], [sflag:$0x7] =	stream.linear.gather [hbm4b:s26+s4], $0x80, $0x38;
	[tilespmem:$0x18A00] =	vst v63  }
0x40: {  	s14 =	rddreg [dreg:$0x15];
	s15 =	simm.s32 $0x300  }
0x41: {  	[tilespmem:s15], [sflag:$0x7] =	stream.linear.gather [hbm4b:s14+s4], $0x80, $0x38;
	[tilespmem:$0x18A00] =	vst v63  }
0x42: {  	s16 =	rddreg [dreg:$0x16];
	s17 =	simm.s32 $0x700  }
0x43: {  	[tilespmem:s17], [sflag:$0x7] =	stream.linear.gather [hbm4b:s16+s4], $0x80, $0x38;
	[tilespmem:$0x18A00] =	vst v63  }
0x44: {  	s19 =	rddreg [dreg:$0x17];
	s20 =	simm.s32 $0x380  }
0x45: {  	[tilespmem:s20], [sflag:$0x7] =	stream.linear.gather [hbm4b:s19+s4], $0x80, $0x38;
	[tilespmem:$0x18A00] =	vst v63  }
0x46: {  	s21 =	rddreg [dreg:$0x18];
	s24 =	simm.s32 $0x780  }
0x47: {  	[tilespmem:s24], [sflag:$0x7] =	stream.linear.gather [hbm4b:s21+s4], $0x80, $0x38;
	[tilespmem:$0x18A00] =	vst v63  }
0x48: {  	s26 =	rddreg [dreg:$0x5];
	s28 =	simm.s32 $0x18800  }
0x49: {  	[tilespmem:s28], [sflag:$0x7] =	stream.linear.gather [hbm4b:s26+s4], $0x80, $0x38;
	[tilespmem:$0x18A00] =	vst v63  }
0x4a: {  	s15 =	rddreg [dreg:$0x6];
	s16 =	simm.s32 $0x18880  }
0x4b: {  	[tilespmem:s16], [sflag:$0x7] =	stream.linear.gather [hbm4b:s15+s4], $0x80, $0x38;
	[tilespmem:$0x18A00] =	vst v63  }
0x4c: {  	s17 =	rddreg [dreg:$0x3];
	s19 =	simm.s32 $0x18900  }
0x4d: {  	[tilespmem:s19], [sflag:$0x7] =	stream.linear.gather [hbm4b:s17+s4], $0x80, $0x38;
	[tilespmem:$0x18A00] =	vst v63  }
0x4e: {  	s20 =	simm.s32 $0x18980  }
0x4f: {  	[tilespmem:s20], [sflag:$0x7] =	stream.linear.gather [hbm4b:s30+s4], $0x80, $0x38;
	[tilespmem:$0x18A00] =	vst v63  }
0x50: {  	_ =	swait.ge [sflag:s31], $0x80  }
0x51: {  	[sflag:s31] =	ssyncset.done $0x0  }
0x52: {  	[sflag:s31] =	ssyncadd.s32 $0xFFFFFF80  }
0x53: {  	_ =	swait.ge [sflag:s31], $0x80  }
0x54: {  	[sflag:s31] =	ssyncset.done $0x0  }
0x55: {  	[sflag:s31] =	ssyncadd.s32 $0xFFFFFF80  }
0x56: {  	_ =	swait.ge [sflag:s31], $0x80  }
0x57: {  	[sflag:s31] =	ssyncset.done $0x0  }
0x58: {  	[sflag:s31] =	ssyncadd.s32 $0xFFFFFF80  }
0x59: {  	_ =	swait.ge [sflag:s31], $0x80  }
0x5a: {  	[sflag:s31] =	ssyncset.done $0x0  }
0x5b: {  	[sflag:s31] =	ssyncadd.s32 $0xFFFFFF80  }
0x5c: {  	_ =	swait.ge [sflag:s31], $0x80  }
0x5d: {  	[sflag:s31] =	ssyncset.done $0x0  }
0x5e: {  	[sflag:s31] =	ssyncadd.s32 $0xFFFFFF80  }
0x5f: {  	_ =	swait.ge [sflag:s31], $0x80  }
0x60: {  	[sflag:s31] =	ssyncset.done $0x0  }
0x61: {  	[sflag:s31] =	ssyncadd.s32 $0xFFFFFF80  }
0x62: {  	_ =	swait.ge [sflag:s31], $0x80  }
0x63: {  	[sflag:s31] =	ssyncset.done $0x0  }
0x64: {  	[sflag:s31] =	ssyncadd.s32 $0xFFFFFF80  }
0x65: {  	_ =	swait.ge [sflag:s31], $0x80  }
0x66: {  	[sflag:s31] =	ssyncset.done $0x0  }
0x67: {  	[sflag:s31] =	ssyncadd.s32 $0xFFFFFF80  }
0x68: {  	_ =	swait.ge [sflag:s31], $0x80  }
0x69: {  	[sflag:s31] =	ssyncset.done $0x0  }
0x6a: {  	[sflag:s31] =	ssyncadd.s32 $0xFFFFFF80  }
0x6b: {  	_ =	swait.ge [sflag:s31], $0x80  }
0x6c: {  	[sflag:s31] =	ssyncset.done $0x0  }
0x6d: {  	[sflag:s31] =	ssyncadd.s32 $0xFFFFFF80  }
0x6e: {  	_ =	swait.ge [sflag:s31], $0x80  }
0x6f: {  	[sflag:s31] =	ssyncset.done $0x0  }
0x70: {  	[sflag:s31] =	ssyncadd.s32 $0xFFFFFF80  }
0x71: {  	_ =	swait.ge [sflag:s31], $0x80  }
0x72: {  	[sflag:s31] =	ssyncset.done $0x0  }
0x73: {  	[sflag:s31] =	ssyncadd.s32 $0xFFFFFF80  }
0x74: {  	_ =	swait.ge [sflag:s31], $0x80  }
0x75: {  	[sflag:s31] =	ssyncset.done $0x0  }
0x76: {  	[sflag:s31] =	ssyncadd.s32 $0xFFFFFF80  }
0x77: {  	_ =	swait.ge [sflag:s31], $0x80  }
0x78: {  	[sflag:s31] =	ssyncset.done $0x0  }
0x79: {  	[sflag:s31] =	ssyncadd.s32 $0xFFFFFF80  }
0x7a: {  	_ =	swait.ge [sflag:s31], $0x80  }
0x7b: {  	[sflag:s31] =	ssyncset.done $0x0  }
0x7c: {  	[sflag:s31] =	ssyncadd.s32 $0xFFFFFF80  }
0x7d: {  	_ =	swait.ge [sflag:s31], $0x80  }
0x7e: {  	[sflag:s31] =	ssyncset.done $0x0  }
0x7f: {  	[sflag:s31] =	ssyncadd.s32 $0xFFFFFF80  }
0x80: {  	_ =	swait.ge [sflag:s31], $0x80  }
0x81: {  	[sflag:s31] =	ssyncset.done $0x0  }
0x82: {  	[sflag:s31] =	ssyncadd.s32 $0xFFFFFF80  }
0x83: {  	_ =	swait.ge [sflag:s31], $0x80  }
0x84: {  	[sflag:s31] =	ssyncset.done $0x0  }
0x85: {  	[sflag:s31] =	ssyncadd.s32 $0xFFFFFF80  }
0x86: {  	_ =	swait.ge [sflag:s31], $0x80  }
0x87: {  	[sflag:s31] =	ssyncset.done $0x0  }
0x88: {  	[sflag:s31] =	ssyncadd.s32 $0xFFFFFF80  }
0x89: {  	_ =	swait.ge [sflag:s31], $0x80  }
0x8a: {  	[sflag:s31] =	ssyncset.done $0x0  }
0x8b: {  	[sflag:s31] =	ssyncadd.s32 $0xFFFFFF80  }
0x8c: {  	v0 =	vld [tilespmem:$0x18800];
	_ =	sdelay $0x4  }
0x8d: {  	[tilespmem:$0x1FE00] =	vst v0;
	v0 =	vld [tilespmem:$0x18810]  }
0x8e: {  	v22 =	vld [tilespmem:$0x18840]  }
0x8f: {  	v21 =	vld [tilespmem:$0x18850]  }
0x90: {  	v24 =	vld [tilespmem:$0x18860]  }
0x91: {  	v25 =	vld [tilespmem:$0x18870]  }
0x92: {  	[tilespmem:$0x1FE10] =	vst v0;
	v0 =	vld [tilespmem:$0x18820]  }
0x93: {  	v26 =	vld [tilespmem:$0x18880]  }
0x94: {  	v27 =	vld [tilespmem:$0x18890]  }
0x95: {  	v16 =	vld [tilespmem:$0x188A0]  }
0x96: {  	v17 =	vld [tilespmem:$0x188B0]  }
0x97: {  	[tilespmem:$0x1FE20] =	vst v0;
	v0 =	vld [tilespmem:$0x18830]  }
0x98: {  	v2 =	vld [tilespmem:$0x18920];
	[tilespmem:$0x1FE80] =	vst v22  }
0x99: {  	v3 =	vld [tilespmem:$0x18930];
	[tilespmem:$0x1FE90] =	vst v21  }
0x9a: {  	v9 =	vld [tilespmem:$0x18990];
	[tilespmem:$0x1FEA0] =	vst v24  }
0x9b: {  	v10 =	vld [tilespmem:$0x189A0];
	[tilespmem:$0x1FEB0] =	vst v25  }
0x9c: {  	[tilespmem:$0x1FE30] =	vst v0;
	v0 =	vld [tilespmem:$0x188C0]  }
0x9d: {  	v11 =	vld [tilespmem:$0x189B0];
	[tilespmem:$0x1FEC0] =	vst v26  }
0x9e: {  	v12 =	vld [tilespmem:$0x189C0];
	[tilespmem:$0x1FED0] =	vst v27  }
0x9f: {  	v29 =	vld [tilespmem:$0x189D0];
	[tilespmem:$0x1FFE0] =	vst v16  }
0xa0: {  	v30 =	vld [tilespmem:$0x189E0];
	v33 =	vmul.f32 $1.131370830e+01, v9;
	[tilespmem:$0x1FFF0] =	vst v17  }
0xa1: {  	v34 =	vmul.f32 $1.131370830e+01, v10;
	[tilespmem:$0x1FE40] =	vst v0;
	v0 =	vld [tilespmem:$0x188D0]  }
0xa2: {  	v31 =	vld [tilespmem:$0x189F0];
	v35 =	vmul.f32 $1.131370830e+01, v11;
	[tilespmem:$0x1FEF0] =	vst v33  }
0xa3: {  	v1 =	vld [tilespmem:$0x18910];
	v61 =	vmul.f32 $1.131370830e+01, v12;
	[tilespmem:$0x1FF00] =	vst v34  }
0xa4: {  	[tilespmem:$0x1FF10] =	vst v35  }
0xa5: {  	v8 =	vld [tilespmem:$0x18980];
	v39 =	vmul.f32 $1.131370830e+01, v29;
	[tilespmem:$0x1FF20] =	vst v61  }
0xa6: {  	v46 =	vmul.f32 $1.131370830e+01, v2;
	v2 =	vmul.f32 $1.131370830e+01, v30;
	[tilespmem:$0x1FE50] =	vst v0;
	v0 =	vld [tilespmem:$0x188E0]  }
0xa7: {  	v18 =	vmul.f32 $1.131370830e+01, v3;
	v3 =	vmul.f32 $1.131370830e+01, v31;
	[tilespmem:$0x1FF30] =	vst v39  }
0xa8: {  	v4 =	vld [tilespmem:$0x18940];
	v45 =	vmul.f32 $1.131370830e+01, v1;
	[tilespmem:$0x1FF40] =	vst v2  }
0xa9: {  	[tilespmem:$0x1FF50] =	vst v3  }
0xaa: {  	v5 =	vld [tilespmem:$0x18950];
	v32 =	vmul.f32 $1.131370830e+01, v8;
	[tilespmem:$0x1FF60] =	vst v45  }
0xab: {  	[tilespmem:$0x1FE60] =	vst v0;
	v0 =	vld [tilespmem:$0x188F0]  }
0xac: {  	v6 =	vld [tilespmem:$0x18960];
	[tilespmem:$0x1FF70] =	vst v32  }
0xad: {  	v19 =	vmul.f32 $1.131370830e+01, v4;
	[tilespmem:$0x1FF80] =	vst v46  }
0xae: {  	v7 =	vld [tilespmem:$0x18970];
	[tilespmem:$0x1FF90] =	vst v18  }
0xaf: {  	s21 =	simm.s32 $0x800;
	v20 =	vmul.f32 $1.131370830e+01, v5;
	[tilespmem:$0x1FFA0] =	vst v19  }
0xb0: {  	[tilespmem:$0x1FE70] =	vst v0;
	v0 =	vld [tilespmem:$0x18900];
	[tilespmem:s21], [sflag:$0x1] =	stream.indirect.gather [hbm4b:s1+s22], $0x80, s4, s22, $0xb8  }
0xb1: {  	s26 =	simm.s32 $0x8800;
	s24 =	rddreg [dreg:$0x19];
	v37 =	vmul.f32 $1.131370830e+01, v6;
	[tilespmem:$0x1FFB0] =	vst v20  }
0xb2: {  	[tilespmem:s26], [sflag:$0x3] =	stream.linear.gather [hbm4b:s24+s4], $0x4000, $0x38;
	[tilespmem:$0x18A00] =	vst v63  }
0xb3: {  	v38 =	vmul.f32 $1.131370830e+01, v7;
	[tilespmem:$0x1FFC0] =	vst v37  }
0xb4: {  	[tilespmem:s18], [sflag:$0x2] =	stream.indirect.gather [hbm4b:s1+s22], $0x80, s22, s22, $0xb8;
	[tilespmem:$0x18A00] =	vst v63  }
0xb5: {  	s28 =	rddreg [dreg:$0x1a];
	[tilespmem:$0x1FFD0] =	vst v38;
	v23 =	vmul.f32 $1.131370830e+01, v0  }
0xb6: {  	[tilespmem:s23], [sflag:$0x4] =	stream.linear.gather [hbm4b:s28+s4], $0x4000, $0x38;
	[tilespmem:$0x18A00] =	vst v63  }
0xb7: {  	s13 =	simm.s32 $0x0;
	[tilespmem:$0x1FEE0] =	vst v23  }
.LBB2_2:
0xb8: {  	_ =	swait.ge [sflag:s2], $0x4000  }
0xb9: {  	[sflag:s2] =	ssyncset.done $0x0  }
0xba: {  	[sflag:s2] =	ssyncadd.s32 $0xFFFFC000  }
0xbb: {  	_ =	swait.ge [sflag:s0], $0x4000  }
0xbc: {  	p0 =	seq.s32 s13, $0x0;
	[sflag:s0] =	ssyncset.done $0x0  }
0xbd: {  	s15 =	simm.s32 @!p0 $0x5;
	[sflag:s0] =	ssyncadd.s32 $0xFFFFC000  }
0xbe: {  	s14 =	sshll.u32 s13, $0x8;
	_ =	swait.ge @!p0 [sflag:s15], $0x4000  }
0xbf: {  	s16 =	sand.u32 $0x3FFFFF00, s14;
	[sflag:s15] =	ssyncset.done @!p0 $0x0  }
0xc0: {  	s28 =	simm.s32 $0x880;
	s26 =	sadd.s32 $0x400, s16;
	[sflag:s15] =	ssyncadd.s32 @!p0 $0xFFFFC000  }
0xc1: {  	v52 =	vmov s26;
	v0 =	vld [tilespmem:s28+$0x0]  }
0xc2: {  	v1 =	vld [tilespmem:s28+$0x10]  }
0xc3: {  	v14 =	vmov v2;
	v2 =	vld [tilespmem:s28+$0x20]  }
0xc4: {  	s17 =	simm.s32 $0x0;
	v13 =	vmov v3;
	v3 =	vld [tilespmem:s28+$0x30]  }
0xc5: {  	s19 =	sand.u32 $0x70, s17;
	v4 =	vld [tilespmem:s28+$0x40]  }
0xc6: {  	v8 =	vld.idx.msk [tilespmem:v52+s19+$0x0 ss:$0x1], $0xffff  }
0xc7: {  	v5 =	vld [tilespmem:s28+$0x50]  }
0xc8: {  	v6 =	vld [tilespmem:s28+$0x60]  }
0xc9: {  	s20 =	simm.s32 $0x8880;
	v7 =	vld [tilespmem:s28+$0x70];
	s19 =	simm.s32 $0x1  }
0xca: {  	v10 =	vld [tilespmem:s20+$0x0];
	v9 =	vmov s19;
	v0 =	vmul.f32 $1.131370830e+01, v0;
	v1 =	vmul.f32 $1.131370830e+01, v1  }
0xcb: {  	v11 =	vld [tilespmem:s20+$0x10];
	v2 =	vmul.f32 $1.131370830e+01, v2;
	v9 =	vperm.xlane v8, v9  }
0xcc: {  	v42 =	vld [tilespmem:s20+$0x30];
	v3 =	vmul.f32 $1.131370830e+01, v3;
	v4 =	vmul.f32 $1.131370830e+01, v4  }
0xcd: {  	v43 =	vld [tilespmem:s20+$0x40];
	v5 =	vmul.f32 $1.131370830e+01, v5;
	v6 =	vmul.f32 $1.131370830e+01, v6;
	vm0 =	veq.s32 v9, $0x0  }
0xce: {  	v44 =	vld [tilespmem:s20+$0x50];
	v7 =	vmul.f32 $1.131370830e+01, v7;
	v12 =	vsel vm0, v23, v32;
	v40 =	vsel vm0, v45, v33  }
0xcf: {  	v56 =	vld [tilespmem:s28+$0xFFFFFFB0];
	v41 =	vsel vm0, v46, v34;
	v36 =	vsel vm0, v19, v61;
	v0 =	vadd.f32 v12, v0  }
0xd0: {  	v15 =	vmovc v45;
	v9 =	vld [tilespmem:s20+$0x20];
	v45 =	vsel vm0, v20, v39;
	v1 =	vadd.f32 v1, v40;
	v2 =	vadd.f32 v2, v41  }
0xd1: {  	s17 =	sand.u32 $0xE, s17;
	v59 =	vld [tilespmem:s28+$0xFFFFFFD0];
	v12 =	vsel vm0, v18, v35;
	v4 =	vadd.f32 v4, v36;
	v5 =	vadd.f32 v5, v45  }
0xd2: {  	v28 =	vmovc v46;
	v46 =	vld [tilespmem:s20+$0x60];
	v41 =	vmov s17;
	v12 =	vadd.f32 v3, v12;
	v3 =	vsel vm0, v37, v14  }
0xd3: {  	v50 =	vld [tilespmem:s20+$0x70];
	v8 =	vperm.xlane v8, v41;
	v47 =	vadd.f32 v6, v3;
	v3 =	vadd.f32 v0, v10  }
0xd4: {  	v29 =	vmovc v33;
	v33 =	vld [tilespmem:s28+$0xFFFFFFA0];
	v6 =	vsel vm0, v38, v13;
	v1 =	vadd.f32 v1, v11;
	v5 =	vadd.f32 v5, v44  }
0xd5: {  	v30 =	vmovc v37;
	v37 =	vmul.f32 $1.131370830e+01, v56;
	v10 =	vadd.f32 v7, v6;
	v0 =	vadd.f32 v2, v9  }
0xd6: {  	v41 =	vmul.f32 $1.131370830e+01, v59;
	v6 =	vadd.f32 v12, v42;
	v7 =	vadd.f32 v4, v43  }
0xd7: {  	vm13 =	veq.s32 v8, $0x0;
	v9 =	vmul.f32 v3, v3;
	v55 =	vadd.f32 v47, v46  }
0xd8: {  	v11 =	vld [tilespmem:s28+$0xFFFFFF90];
	v12 =	vmul.f32 v1, v1;
	v53 =	vadd.f32 v1, v3;
	v43 =	vmul.f32 v5, v5  }
0xd9: {  	v2 =	vld [tilespmem:s28+$0xFFFFFF80];
	v33 =	vmul.f32 $1.131370830e+01, v33;
	v51 =	vmul.f32 v0, v0;
	v10 =	vadd.f32 v10, v50  }
0xda: {  	v48 =	vmovc v34;
	v42 =	vld [tilespmem:s28+$0xFFFFFFC0];
	v34 =	vmul.f32 v6, v6;
	v54 =	vadd.f32 v6, v0;
	v57 =	vmul.f32 v7, v7  }
0xdb: {  	v47 =	vld [tilespmem:s28+$0xFFFFFFF0];
	v58 =	vadd.f32 v5, v7;
	v44 =	vmul.f32 v55, v55;
	v9 =	vadd.f32 v12, v9  }
0xdc: {  	v31 =	vmovc v35;
	v40 =	vadd.f32 v10, v55;
	v60 =	vmul.f32 v10, v10;
	v35 =	vadd.f32 v54, v53  }
0xdd: {  	v17 =	vmovc v32;
	v63 =	vld [tilespmem:s28+$0xFFFFFFE0];
	v12 =	vadd.f32 v34, v51;
	v50 =	vadd.f32 v43, v57;
	v8 =	vmul.f32 $1.131370830e+01, v11  }
0xde: {  	v16 =	vmovc v20;
	v36 =	vld [tilespmem:s20+$0xFFFFFF90];
	v53 =	vsel vm13, v23, v17;
	v2 =	vmul.f32 $1.131370830e+01, v2;
	v62 =	vadd.f32 v40, v58  }
0xdf: {  	v20 =	vmovc v13;
	v59 =	vld [tilespmem:s20+$0xFFFFFFF0];
	v13 =	vmovc v39;
	v51 =	vadd.f32 v60, v44;
	v9 =	vadd.f32 v12, v9;
	v60 =	vmul.f32 $1.131370830e+01, v42  }
0xe0: {  	v54 =	vld [tilespmem:s20+$0xFFFFFFE0];
	v32 =	vmul.f32 $1.131370830e+01, v47;
	v2 =	vadd.f32 v53, v2;
	v53 =	vsel vm13, v16, v13  }
0xe1: {  	v49 =	vmovc v18;
	v40 =	vld [tilespmem:s20+$0xFFFFFFA0];
	v11 =	vadd.f32 v62, v35;
	v12 =	vadd.f32 v51, v50;
	v62 =	vsel vm13, v15, v29  }
0xe2: {  	v18 =	vmovc v38;
	v35 =	vld [tilespmem:s20+$0xFFFFFF80];
	v51 =	vsel vm13, v19, v61;
	v34 =	vadd.f32 v41, v53;
	v8 =	vadd.f32 v8, v62  }
0xe3: {  	v50 =	vsel vm13, v49, v31;
	v38 =	vadd.f32 v60, v51;
	(xrf2) =	vadd.scan.msk.f32 $0xffff, v11;
	v9 =	vadd.f32 v12, v9;
	v11 =	vld [tilespmem:s20+$0xFFFFFFB0]  }
0xe4: {  	v57 =	vmovc v48;
	v60 =	vsel vm13, v18, v20;
	v12 =	vmul.f32 $1.131370830e+01, v63;
	v63 =	vsel vm13, v28, v48;
	v48 =	vld [tilespmem:s20+$0xFFFFFFC0]  }
0xe5: {  	v58 =	vsel vm13, v30, v14;
	v37 =	vadd.f32 v37, v50;
	v32 =	vadd.f32 v32, v60;
	(xrf2) =	vadd.scan.msk.f32 $0xffff, v9;
	v9 =	vld [tilespmem:s20+$0xFFFFFFD0]  }
0xe6: {  	v33 =	vadd.f32 v33, v63;
	v12 =	vadd.f32 v12, v58  }
0xe7: {  	v8 =	vadd.f32 v8, v36;
	v35 =	vadd.f32 v2, v35  }
0xe8: {  	v33 =	vadd.f32 v33, v40;
	v12 =	vadd.f32 v12, v54  }
0xe9: {  	v11 =	vadd.f32 v37, v11;
	v36 =	vadd.f32 v38, v48  }
0xea: {  	v38 =	vadd.f32 v32, v59;
	v9 =	vadd.f32 v34, v9  }
0xeb: {  	v63 =	vadd.f32 v8, v35;
	v53 =	vadd.f32 v11, v33  }
0xec: {  	v47 =	vadd.f32 v38, v12;
	v60 =	vadd.f32 v9, v36;
	_ =	sdelay $0x1  }
0xed: {  	v2 =	vmul.f32 v35, v35;
	v40 =	vadd.f32 v53, v63;
	v46 =	vadd.f32 v47, v60  }
0xee: {  	v37 =	vmul.f32 v33, v33;
	v58 =	vmul.f32 v12, v12  }
0xef: {  	v34 =	vmul.f32 v8, v8;
	v39 =	vmul.f32 v11, v11;
	v62, _, _ =	vpop (xrf2);
	v40 =	vadd.f32 v46, v40  }
0xf0: {  	v41 =	vmul.f32 v36, v36;
	v32 =	vmul.f32 $7.812500000e-03, v62  }
0xf1: {  	v54 =	vmul.f32 v9, v9;
	v62 =	vmul.f32 v38, v38;
	v59, _, _ =	vpop (xrf2);
	(xrf2) =	vadd.scan.msk.f32 $0xffff, v40  }
0xf2: {  	v2 =	vadd.f32 v34, v2;
	v45 =	vmul.f32 $7.812500000e-03, v59;
	v63 =	vmul.f32 v32, v32  }
0xf3: {  	v37 =	vadd.f32 v39, v37;
	v47 =	vadd.f32 v54, v41  }
0xf4: {  	v56 =	vmov v49;
	v49 =	vadd.f32 v62, v58;
	v34 =	vsub.f32 v45, v63  }
0xf5: {  	v2 =	vadd.f32 v37, v2  }
0xf6: {  	v50 =	vadd.f32 v49, v47;
	v34 =	vadd.f32 $9.999999960e-13, v34;
	_ =	sdelay $0x1  }
0xf7: {  	v2 =	vadd.f32 v50, v2;
	v34 =	vbroadcast v34, $0xF;
	_ =	sdelay $0x1  }
0xf8: {  	(xrf2) =	vadd.scan.msk.f32 $0xffff, v2;
	v2 =	vshra.s32 v34, $0x1;
	v34 =	vmul.f32 $5.000000000e-01, v34  }
0xf9: {  	v39 =	vbroadcast v32, $0xF;
	v2 =	vsub.s32 $0x5F3759DF, v2;
	v51, _, _ =	vpop (xrf2)  }
0xfa: {  	s21 =	simm.s32 $0x980;
	v34 =	vmul.f32 v2, v34;
	v37 =	vmul.f32 $7.812500000e-03, v51  }
0xfb: {  	v60 =	vld [tilespmem:s21+$0x20];
	v1 =	vsub.f32 v1, v39  }
0xfc: {  	v58 =	vld [tilespmem:s21+$0x10];
	v0 =	vsub.f32 v0, v39;
	v34 =	vmul.f32 v2, v34;
	v59 =	vbroadcast v37, $0xF  }
0xfd: {  	v40 =	vld [tilespmem:s21+$0x0];
	[tilespmem:$0x1FD90] =	vst v1  }
0xfe: {  	v62 =	vld [tilespmem:s21+$0x30];
	[tilespmem:$0x1FDA0] =	vst v0;
	v34 =	vsub.f32 $1.500000000e+00, v34;
	v0 =	vsub.f32 v35, v59;
	_ =	sdelay $0x1  }
0xff: {  	s15 =	simm.s32 $0x2;
	v4 =	vmul.f32 v2, v34;
	[tilespmem:$0x1FDE0] =	vst v0;
	v0 =	vsub.f32 v33, v59  }
0x100: {  	s24 =	sand.u32 $0x70, s15;
	v10 =	vsub.f32 v10, v39;
	v50 =	vld [tilespmem:s21+$0x40];
	[tilespmem:$0x1FD40] =	vst v52  }
0x101: {  	v63 =	vmul.f32 v4, v25;
	v52 =	vld.idx.msk [tilespmem:v52+s24+$0x0 ss:$0x1], $0xffff;
	[tilespmem:$0x1FDF0] =	vst v0;
	v0 =	vsub.f32 v11, v59;
	_ =	sdelay $0x1  }
0x102: {  	[tilespmem:$0x1FD50] =	vst v0;
	v0 =	vmul.f32 v63, v10  }
0x103: {  	v53, _, _ =	vpop (xrf2)  }
0x104: {  	v32 =	vmul.f32 $7.812500000e-03, v53;
	v53 =	vld [tilespmem:s21+$0x50];
	[tilespmem:$0x1FDC0] =	vst v0;
	v0 =	vsub.f32 v36, v59;
	_ =	sdelay $0x1  }
0x105: {  	v54 =	vmul.f32 v37, v37;
	[tilespmem:$0x1FD60] =	vst v0;
	v0 =	vsub.f32 v12, v59  }
0x106: {  	v44 =	vsub.f32 v3, v39  }
0x107: {  	v3 =	vsub.f32 v32, v54;
	v54 =	vld [tilespmem:s21+$0x60];
	[tilespmem:$0x1FD70] =	vst v0;
	v0 =	vsub.f32 v7, v39;
	_ =	sdelay $0x1  }
0x108: {  	s26 =	simm.s32 $0x3;
	v1 =	vmul.f32 $1.131370830e+01, v62;
	v37 =	vsub.f32 v8, v59;
	v12 =	vld [tilespmem:s21+$0x70];
	[tilespmem:$0x1FDB0] =	vst v0;
	v0 =	vsub.f32 v5, v39  }
0x109: {  	s16 =	simm.s32 $0x8980;
	v34 =	vsub.f32 v38, v59;
	v8 =	vmov s26;
	v38 =	vmul.f32 $1.131370830e+01, v58  }
0x10a: {  	v33 =	vmul.f32 $1.131370830e+01, v60;
	v51 =	vadd.f32 $9.999999960e-13, v3;
	v5 =	vperm.xlane v52, v8;
	[tilespmem:$0x1FDD0] =	vst v0  }
0x10b: {  	v10 =	vsub.f32 v6, v39;
	v6 =	vmul.f32 $1.131370830e+01, v40;
	v36 =	vsub.f32 v9, v59;
	v41 =	vld [tilespmem:s16+$0x0]  }
0x10c: {  	v48 =	vmul.f32 $1.131370830e+01, v53;
	v8 =	vsub.f32 v55, v39;
	vm14 =	veq.s32 v5, $0x0;
	v0 =	vld [tilespmem:s16+$0x10]  }
0x10d: {  	v39 =	vmul.f32 $1.131370830e+01, v50;
	v5 =	vmul.f32 $1.131370830e+01, v54;
	v49 =	vld [tilespmem:s16+$0x20];
	v59 =	vsel vm14, v23, v17  }
0x10e: {  	v60 =	vsel vm14, v15, v29;
	v62 =	vsel vm14, v28, v57;
	v55 =	vld [tilespmem:s16+$0x30];
	v63 =	vsel vm14, v56, v31  }
0x10f: {  	v3 =	vmovc v56;
	v56 =	vld [tilespmem:s16+$0x40];
	v32 =	vsel vm14, v19, v61;
	v43 =	vsel vm14, v30, v14;
	v6 =	vadd.f32 v59, v6  }
0x110: {  	v53 =	vld [tilespmem:s16+$0x50];
	v12 =	vmul.f32 $1.131370830e+01, v12;
	v38 =	vadd.f32 v38, v60;
	v40 =	vadd.f32 v33, v62  }
0x111: {  	v50 =	vld [tilespmem:s16+$0x60];
	v33 =	vsel vm14, v16, v13;
	v1 =	vadd.f32 v1, v63;
	v39 =	vadd.f32 v39, v32  }
0x112: {  	v60 =	vadd.f32 v5, v43;
	v62 =	vld [tilespmem:s16+$0x70];
	v5 =	vsel vm14, v18, v20;
	v48 =	vadd.f32 v48, v33  }
0x113: {  	s28 =	sand.u32 $0xE, s15;
	v12 =	vadd.f32 v12, v5;
	v6 =	vadd.f32 v6, v41  }
0x114: {  	v46 =	vld [tilespmem:$0x1FE20];
	v63 =	vmov s28;
	v9 =	vadd.f32 v38, v0;
	v32 =	vadd.f32 v40, v49  }
0x115: {  	v35 =	vld [tilespmem:$0x1FE10];
	v49 =	vperm.xlane v52, v63;
	v41 =	vadd.f32 v1, v55;
	v38 =	vadd.f32 v39, v56  }
0x116: {  	v58 =	vld [tilespmem:s21+$0xFFFFFFB0];
	v39 =	vadd.f32 v48, v53;
	v1 =	vadd.f32 v60, v50;
	v55 =	vmul.f32 v6, v6  }
0x117: {  	v52 =	vld [tilespmem:s21+$0xFFFFFF80];
	v33 =	vadd.f32 v12, v62;
	v50 =	vmul.f32 v9, v9;
	v53 =	vmul.f32 v32, v32  }
0x118: {  	v48 =	vld [tilespmem:s21+$0xFFFFFF90];
	v54 =	vmul.f32 v41, v41;
	v56 =	vadd.f32 v9, v6;
	v40 =	vadd.f32 v41, v32  }
0x119: {  	v63 =	vld [tilespmem:s21+$0xFFFFFFC0];
	v59 =	vmul.f32 v38, v38;
	v60 =	vadd.f32 v39, v38;
	v62 =	vadd.f32 v33, v1  }
0x11a: {  	v12 =	vld [tilespmem:s21+$0xFFFFFFA0];
	v0 =	vmul.f32 v39, v39;
	[tilespmem:$0x1FD80] =	vst v1;
	v1 =	vmul.f32 v1, v1  }
0x11b: {  	v56 =	vadd.f32 v40, v56;
	v60 =	vadd.f32 v62, v60;
	v62 =	vmul.f32 v33, v33  }
0x11c: {  	v11 =	vmul.f32 v4, v46;
	v7 =	vmovc v57;
	v57 =	vld [tilespmem:s21+$0xFFFFFFD0];
	v50 =	vadd.f32 v50, v55;
	v53 =	vadd.f32 v54, v53  }
0x11d: {  	vm15 =	veq.s32 v49, $0x0;
	v5 =	vld [tilespmem:s16+$0xFFFFFF80];
	v0 =	vadd.f32 v0, v59;
	v1 =	vadd.f32 v62, v1  }
0x11e: {  	v42 =	vmul.f32 v4, v35;
	v31 =	vsel vm15, v3, v31;
	v3 =	vld [tilespmem:s16+$0xFFFFFFC0];
	v50 =	vadd.f32 v53, v50  }
0x11f: {  	v51 =	vbroadcast v51, $0xF;
	v54 =	vld [tilespmem:s21+$0xFFFFFFE0];
	v49 =	vadd.f32 v60, v56;
	v0 =	vadd.f32 v1, v0  }
0x120: {  	v40 =	vmul.f32 v4, v22;
	v55 =	vld [tilespmem:s21+$0xFFFFFFF0];
	v52 =	vmul.f32 $1.131370830e+01, v52  }
0x121: {  	v53 =	vsel vm15, v23, v17;
	v17 =	vsel vm15, v28, v7;
	v7 =	vld [tilespmem:$0x1FDA0];
	(xrf2) =	vadd.scan.msk.f32 $0xffff, v49;
	v0 =	vadd.f32 v0, v50  }
0x122: {  	v16 =	vsel vm15, v16, v13;
	v48 =	vmul.f32 $1.131370830e+01, v48;
	v12 =	vmul.f32 $1.131370830e+01, v12;
	v60 =	vld [tilespmem:s16+$0xFFFFFF90]  }
0x123: {  	v2 =	vmovc v14;
	v59 =	vsel vm15, v15, v29;
	v56 =	vmul.f32 $1.131370830e+01, v58;
	v58 =	vmul.f32 $1.131370830e+01, v63;
	v62 =	vld [tilespmem:s16+$0xFFFFFFB0];
	(xrf2) =	vadd.scan.msk.f32 $0xffff, v0  }
0x124: {  	v52 =	vadd.f32 v53, v52;
	v12 =	vadd.f32 v12, v17;
	v17 =	vsel vm15, v30, v2;
	v2 =	vld [tilespmem:s16+$0xFFFFFFE0]  }
0x125: {  	v48 =	vadd.f32 v48, v59;
	v63 =	vsel vm15, v19, v61;
	v57 =	vmul.f32 $1.131370830e+01, v57;
	v49 =	vld [tilespmem:s16+$0xFFFFFFA0]  }
0x126: {  	v19 =	vsel vm15, v18, v20;
	v63 =	vadd.f32 v58, v63;
	v59 =	vadd.f32 v52, v5;
	v5 =	vld [tilespmem:$0x1FD90]  }
0x127: {  	v30 =	vshra.s32 v51, $0x1;
	v53 =	vadd.f32 v56, v31;
	v56 =	vld [tilespmem:s16+$0xFFFFFFD0];
	v1 =	vadd.f32 v57, v16  }
0x128: {  	v31 =	vld [tilespmem:s16+$0xFFFFFFF0];
	v50 =	vmul.f32 $1.131370830e+01, v54;
	v54 =	vmul.f32 $1.131370830e+01, v55;
	v57 =	vadd.f32 v63, v3  }
0x129: {  	v11 =	vmul.f32 v11, v7;
	v60 =	vadd.f32 v48, v60;
	v55 =	vadd.f32 v53, v62  }
0x12a: {  	v50 =	vadd.f32 v50, v17;
	v54 =	vadd.f32 v54, v19;
	v0 =	vsub.s32 $0x5F3759DF, v30  }
0x12b: {  	v5 =	vmul.f32 v42, v5;
	v58 =	vadd.f32 v12, v49;
	v12 =	vmul.f32 v59, v59;
	v3, _, _ =	vpop (xrf2)  }
0x12c: {  	v52 =	vadd.f32 v1, v56;
	v53 =	vadd.f32 v50, v2;
	v2 =	vmul.f32 $7.812500000e-03, v3  }
0x12d: {  	v1 =	vmul.f32 v60, v60;
	v63 =	vmul.f32 v55, v55;
	v49 =	vadd.f32 v54, v31;
	v15, _, _ =	vpop (xrf2)  }
0x12e: {  	v7 =	vld [tilespmem:$0x1FDB0];
	v54 =	vadd.f32 v60, v59;
	v62 =	vmul.f32 v2, v2;
	v15 =	vmul.f32 $7.812500000e-03, v15  }
0x12f: {  	v56 =	vadd.f32 v55, v58;
	v1 =	vadd.f32 v1, v12;
	v12 =	vmul.f32 v57, v57  }
0x130: {  	v19 =	vmul.f32 v52, v52;
	v30 =	vmul.f32 v53, v53;
	v15 =	vsub.f32 v15, v62  }
0x131: {  	v42 =	vadd.f32 v56, v54;
	v54 =	vmul.f32 v49, v49;
	v3 =	vmul.f32 v58, v58  }
0x132: {  	v51 =	vmul.f32 $5.000000000e-01, v51;
	v12 =	vadd.f32 v19, v12;
	v15 =	vadd.f32 $9.999999960e-13, v15  }
0x133: {  	v50 =	vmul.f32 v40, v7;
	v7 =	vadd.f32 v54, v30;
	v3 =	vadd.f32 v63, v3  }
0x134: {  	v31 =	vmul.f32 v0, v51;
	v15 =	vbroadcast v15, $0xF  }
0x135: {  	v7 =	vadd.f32 v7, v12;
	v1 =	vadd.f32 v3, v1  }
0x136: {  	v45 =	vld [tilespmem:$0x1FE00];
	v3 =	vmul.f32 v0, v31;
	v12 =	vshra.s32 v15, $0x1;
	v54 =	vmul.f32 $5.000000000e-01, v15  }
0x137: {  	v12 =	vsub.s32 $0x5F3759DF, v12  }
0x138: {  	v3 =	vsub.f32 $1.500000000e+00, v3;
	v1 =	vadd.f32 v7, v1;
	v7 =	vmul.f32 v12, v54;
	_ =	sdelay $0x1  }
0x139: {  	v0 =	vmul.f32 v0, v3;
	v3 =	vmul.f32 v12, v7  }
0x13a: {  	v47 =	vmul.f32 v4, v45;
	v14 =	vld [tilespmem:$0x1FE30];
	v61 =	vadd.f32 v52, v57;
	v18 =	vadd.f32 v49, v53  }
0x13b: {  	v31 =	vsub.f32 $1.500000000e+00, v3;
	v3 =	vld [tilespmem:$0x1FFE0]  }
0x13c: {  	v13 =	vmul.f32 v47, v44;
	v44 =	vadd.f32 v18, v61;
	v61 =	vld [tilespmem:$0x1FDC0]  }
0x13d: {  	v15 =	vld [tilespmem:$0x1FE70];
	_ =	sdelay $0x2  }
0x13e: {  	v43 =	vmul.f32 v4, v14;
	v42 =	vadd.f32 v44, v42;
	v11 =	vadd.f32 v11, v3;
	v3 =	vld [tilespmem:$0x1FDE0]  }
0x13f: {  	v56 =	vmul.f32 v4, v21;
	v4 =	vmul.f32 v4, v24  }
0x140: {  	v63 =	vld [tilespmem:$0x1FDD0];
	(xrf2) =	vadd.scan.msk.f32 $0xffff, v42;
	v62 =	vadd.f32 v61, v15  }
0x141: {  	s17 =	simm.s32 $0x10880;
	v4 =	vmul.f32 v4, v8;
	(xrf2) =	vadd.scan.msk.f32 $0xffff, v1;
	v1 =	vadd.f32 v13, v26;
	v8 =	vmul.f32 v0, v45  }
0x142: {  	[tilespmem:s17+$0x70] =	vst v62  }
0x143: {  	v54 =	vmul.f32 v8, v3;
	v8 =	vld [tilespmem:$0x1FFF0];
	[tilespmem:s17+$0x0] =	vst v1  }
0x144: {  	v10 =	vmul.f32 v43, v10;
	v1 =	vld [tilespmem:$0x1FE40]  }
0x145: {  	v5 =	vadd.f32 v5, v27;
	v17 =	vmul.f32 v56, v63;
	v13 =	vmul.f32 v0, v35  }
0x146: {  	v30 =	vmul.f32 v0, v46;
	v42 =	vmul.f32 v0, v25  }
0x147: {  	v7 =	vmul.f32 v0, v14;
	v3 =	vmul.f32 v0, v22;
	[tilespmem:s17+$0x10] =	vst v5  }
0x148: {  	v56 =	vadd.f32 v10, v8;
	v10 =	vmul.f32 v0, v21;
	v8 =	vmul.f32 v0, v24;
	v0 =	vld [tilespmem:$0x1FE50]  }
0x149: {  	v50 =	vadd.f32 v50, v1;
	v1 =	vbroadcast v2, $0xF;
	v2 =	vld [tilespmem:$0x1FE60]  }
0x14a: {  	v63 =	vmul.f32 v12, v31;
	[tilespmem:s17+$0x20] =	vst v11  }
0x14b: {  	v11 =	vld [tilespmem:$0x1FDF0]  }
0x14c: {  	v12 =	vmul.f32 v13, v37;
	v47 =	vmul.f32 v63, v35  }
0x14d: {  	v62 =	vmul.f32 v63, v25;
	v5 =	vadd.f32 v54, v26;
	v61 =	vsub.f32 v33, v1  }
0x14e: {  	[tilespmem:s17+$0x30] =	vst v56;
	v56 =	vmul.f32 v63, v46;
	v0 =	vadd.f32 v17, v0;
	v4 =	vadd.f32 v4, v2;
	v2, _, _ =	vpop (xrf2)  }
0x14f: {  	[tilespmem:s17+$0x40] =	vst v50;
	v48 =	vsub.f32 v6, v1;
	v50 =	vmul.f32 v63, v45;
	v2 =	vmul.f32 $7.812500000e-03, v2  }
0x150: {  	v51 =	vsub.f32 v9, v1;
	v11 =	vmul.f32 v30, v11;
	[tilespmem:s17+$0x50] =	vst v0;
	v0 =	vmul.f32 v62, v61;
	v9, _, _ =	vpop (xrf2)  }
0x151: {  	[tilespmem:s17+$0xFFFFFF80] =	vst v5;
	v54 =	vsub.f32 v32, v1;
	v5 =	vmul.f32 $7.812500000e-03, v9;
	v6 =	vmul.f32 v2, v2  }
0x152: {  	s19 =	simm.s32 $0x10880;
	s20 =	simm.s32 $0xA80;
	v62 =	vmul.f32 v63, v14;
	[tilespmem:s17+$0x60] =	vst v4;
	v2 =	vbroadcast v2, $0xF;
	v0 =	vadd.f32 v0, v15  }
.LBB2_3:
0x153: {  	v5 =	vsub.f32 v5, v6;
	v6 =	vmul.f32 v63, v22;
	_ =	sdelay $0x1  }
0x154: {  	[tilespmem:$0x1FCC0] =	vst v6;
	v6 =	vmul.f32 v63, v21;
	_ =	sdelay $0x1  }
0x155: {  	[tilespmem:$0x1FCD0] =	vst v6;
	v6 =	vsub.f32 v59, v2;
	_ =	sdelay $0x1  }
0x156: {  	[tilespmem:$0x1FD10] =	vst v6;
	v6 =	vsub.f32 v60, v2;
	_ =	sdelay $0x1  }
0x157: {  	[tilespmem:$0x1FD20] =	vst v6;
	v6 =	vmul.f32 v63, v24;
	_ =	sdelay $0x1  }
0x158: {  	[tilespmem:$0x1FCE0] =	vst v6;
	v6 =	vsub.f32 v58, v2;
	_ =	sdelay $0x1  }
0x159: {  	[tilespmem:$0x1FD30] =	vst v6;
	v6 =	vld [tilespmem:$0x1FD50];
	_ =	sdelay $0x1  }
0x15a: {  	v4 =	vld [tilespmem:s20+$0x0]  }
0x15b: {  	v9 =	vld [tilespmem:s20+$0x10]  }
0x15c: {  	v44 =	vld [tilespmem:$0x1FFF0]  }
0x15d: {  	v61 =	vld [tilespmem:$0x1FE40];
	v58 =	vmul.f32 v7, v6;
	v6 =	vsub.f32 v55, v2  }
0x15e: {  	v28 =	vld [tilespmem:$0x1FF60]  }
0x15f: {  	[tilespmem:$0x1FD50] =	vst v6;
	v6 =	vld [tilespmem:$0x1FD60]  }
0x160: {  	v30 =	vld [tilespmem:$0x1FEF0]  }
0x161: {  	v29 =	vld [tilespmem:$0x1FF80]  }
0x162: {  	v31 =	vld [tilespmem:$0x1FF00]  }
0x163: {  	v43 =	vld [tilespmem:$0x1FF10]  }
0x164: {  	s17 =	sadd.s32 $0x100, s17;
	v45 =	vld [tilespmem:$0x1FFA0];
	v5 =	vadd.f32 $9.999999960e-13, v5;
	v16 =	vmul.f32 v3, v6;
	v3 =	vsub.f32 v57, v2  }
0x165: {  	[tilespmem:s17+$0x70] =	vst v0;
	v22 =	vld [tilespmem:$0x1FF70]  }
0x166: {  	v0 =	vld [tilespmem:s20+$0x20];
	[tilespmem:$0x1FD60] =	vst v3;
	v3 =	vbroadcast v5, $0xF  }
0x167: {  	v46 =	vld [tilespmem:s20+$0x30]  }
0x168: {  	v7 =	vshra.s32 v3, $0x1;
	v19 =	vmul.f32 $5.000000000e-01, v3;
	v3 =	vld [tilespmem:$0x1FD80]  }
0x169: {  	v17 =	vld [tilespmem:s20+$0x40]  }
0x16a: {  	v18 =	vsub.f32 v52, v2;
	v5 =	vld [tilespmem:$0x1FD40]  }
0x16b: {  	v53 =	vsub.f32 v53, v2;
	v49 =	vsub.f32 v49, v2;
	v33 =	vld [tilespmem:s20+$0x70]  }
0x16c: {  	s16 =	sadd.s32 $0x100, s16;
	v40 =	vld [tilespmem:s20+$0x60];
	v2 =	vsub.f32 v41, v1;
	v6 =	vsub.f32 v38, v1  }
0x16d: {  	v15 =	vld [tilespmem:s16+$0x30];
	v32 =	vsub.s32 $0x5F3759DF, v7;
	v7 =	vsub.f32 v39, v1;
	v1 =	vsub.f32 v3, v1  }
0x16e: {  	v59 =	vld [tilespmem:s16+$0x50]  }
0x16f: {  	v63 =	vld [tilespmem:$0x1FFE0];
	[tilespmem:$0x1FCF0] =	vst v1;
	v1 =	vmul.f32 v10, v36  }
0x170: {  	s21 =	smov.u32 s15;
	s15 =	sadd.s32 $0x2, s15;
	v38 =	vmul.f32 $1.131370830e+01, v33;
	v33 =	vld [tilespmem:$0x1FF90]  }
0x171: {  	s26 =	sand.u32 $0x70, s15;
	[tilespmem:$0x1FD00] =	vst v1;
	v1 =	vld [tilespmem:$0x1FD70]  }
0x172: {  	v13 =	vld.idx.msk [tilespmem:v5+s26+$0x0 ss:$0x1], $0xffff  }
0x173: {  	v41 =	vmul.f32 $1.131370830e+01, v46;
	v46 =	vld [tilespmem:$0x1FF20]  }
0x174: {  	[tilespmem:$0x1FCB0] =	vst v2;
	v2 =	vld [tilespmem:s20+$0x50]  }
0x175: {  	v12 =	vadd.f32 v12, v27;
	s21 =	sadd.s32 $0x3, s21;
	v10 =	vld [tilespmem:s20+$0xFFFFFF80]  }
0x176: {  	v35 =	vmov s21;
	v8 =	vmul.f32 v8, v1;
	v1 =	vmov v53;
	v53 =	vld [tilespmem:s20+$0xFFFFFF90]  }
0x177: {  	s24 =	sand.u32 $0xE, s15;
	[tilespmem:s19+$0xFFFFFF90] =	vst v12;
	v12 =	vperm.xlane v13, v35;
	v35 =	vld [tilespmem:$0x1FFC0]  }
0x178: {  	v14 =	vmov s24;
	v4 =	vmul.f32 $1.131370830e+01, v4;
	v9 =	vmul.f32 $1.131370830e+01, v9;
	[tilespmem:$0x1FD70] =	vst v1;
	v1 =	vld [tilespmem:$0x1FF40]  }
0x179: {  	v0 =	vmul.f32 $1.131370830e+01, v0;
	v40 =	vmul.f32 $1.131370830e+01, v40;
	v11 =	vadd.f32 v11, v63;
	v39 =	vld [tilespmem:s16+$0x0]  }
0x17a: {  	v57 =	vmul.f32 $1.131370830e+01, v17;
	v55 =	vadd.f32 v16, v61;
	v3 =	vmovc v34;
	v34 =	vld [tilespmem:$0x1FFB0];
	vm0 =	veq.s32 v12, $0x0  }
0x17b: {  	[tilespmem:s19+$0xFFFFFFA0] =	vst v11;
	v11 =	vadd.f32 v58, v44;
	v13 =	vperm.xlane v13, v14;
	v12 =	vld [tilespmem:s16+$0x20];
	v37 =	vsel vm0, v29, v31  }
0x17c: {  	v36 =	vsel vm0, v28, v30;
	v16 =	vsel vm0, v45, v46;
	v0 =	vadd.f32 v0, v37;
	v37 =	vld [tilespmem:$0x1FF30]  }
0x17d: {  	v9 =	vadd.f32 v9, v36;
	v16 =	vadd.f32 v57, v16;
	v57 =	vld [tilespmem:s16+$0x60];
	v36 =	vsel vm0, v35, v1  }
0x17e: {  	v52 =	vmul.f32 v32, v19;
	v2 =	vmul.f32 $1.131370830e+01, v2;
	v17 =	vadd.f32 v40, v36;
	v36 =	vld [tilespmem:$0x1FFD0]  }
0x17f: {  	v10 =	vmul.f32 $1.131370830e+01, v10;
	[tilespmem:s19+$0xFFFFFFB0] =	vst v11;
	vm15 =	veq.s32 v13, $0x0;
	v11 =	vsel vm0, v23, v22;
	v40 =	vld [tilespmem:$0x1FF50]  }
0x180: {  	v58 =	vld [tilespmem:s16+$0x10];
	v22 =	vsel vm15, v23, v22;
	v4 =	vadd.f32 v11, v4;
	v11 =	vsel vm0, v33, v43  }
0x181: {  	[tilespmem:s19+$0xFFFFFFC0] =	vst v55;
	v55 =	vld [tilespmem:s16+$0x40];
	v10 =	vadd.f32 v22, v10;
	v11 =	vadd.f32 v41, v11;
	v60 =	vsel vm0, v34, v37  }
0x182: {  	v5 =	vmovc v18;
	v18 =	vld [tilespmem:s16+$0x70];
	v45 =	vsel vm15, v45, v46;
	v4 =	vadd.f32 v4, v39;
	v60 =	vadd.f32 v2, v60  }
0x183: {  	v43 =	vsel vm15, v33, v43;
	v0 =	vadd.f32 v0, v12;
	v41 =	vadd.f32 v11, v15  }
0x184: {  	v25 =	vadd.f32 v17, v57;
	v2 =	vsel vm0, v36, v40;
	v39 =	vadd.f32 v60, v59  }
0x185: {  	v14 =	vld [tilespmem:s20+$0xFFFFFFA0];
	v13 =	vmul.f32 v4, v4;
	v19 =	vadd.f32 v38, v2;
	v2 =	vadd.f32 v9, v58  }
0x186: {  	v20 =	vld [tilespmem:s20+$0xFFFFFFB0];
	v17 =	vmul.f32 v0, v0;
	v57 =	vadd.f32 v41, v0;
	v38 =	vadd.f32 v16, v55  }
0x187: {  	v23 =	vld [tilespmem:s16+$0xFFFFFF90];
	v24 =	vmul.f32 v39, v39;
	v16 =	vmul.f32 v2, v2;
	v9 =	vadd.f32 v19, v18  }
0x188: {  	v26 =	vld [tilespmem:s16+$0xFFFFFFA0];
	v19 =	vmul.f32 v41, v41;
	v55 =	vadd.f32 v2, v4;
	v59 =	vmul.f32 v38, v38  }
0x189: {  	v12 =	vld [tilespmem:s20+$0xFFFFFFC0];
	[tilespmem:$0x1FD80] =	vst v25;
	v60 =	vadd.f32 v39, v38;
	v21 =	vadd.f32 v9, v25;
	v25 =	vmul.f32 v25, v25  }
0x18a: {  	v11 =	vld [tilespmem:s20+$0xFFFFFFD0];
	v27 =	vmul.f32 v9, v9;
	v55 =	vadd.f32 v57, v55;
	v13 =	vadd.f32 v16, v13  }
0x18b: {  	v53 =	vmul.f32 $1.131370830e+01, v53;
	v15 =	vld [tilespmem:s20+$0xFFFFFFE0];
	v59 =	vadd.f32 v24, v59;
	v21 =	vadd.f32 v21, v60  }
0x18c: {  	v14 =	vmul.f32 $1.131370830e+01, v14;
	v18 =	vld [tilespmem:s20+$0xFFFFFFF0];
	v60 =	vadd.f32 v19, v17;
	v24 =	vadd.f32 v27, v25  }
0x18d: {  	v20 =	vmul.f32 $1.131370830e+01, v20;
	v46 =	vsel vm15, v34, v37;
	v58 =	vld [tilespmem:s16+$0xFFFFFF80];
	v21 =	vadd.f32 v21, v55  }
0x18e: {  	v12 =	vmul.f32 $1.131370830e+01, v12;
	v27 =	vld [tilespmem:s16+$0xFFFFFFE0];
	v13 =	vadd.f32 v60, v13;
	v60 =	vadd.f32 v24, v59  }
0x18f: {  	v11 =	vmul.f32 $1.131370830e+01, v11;
	v19 =	vsel vm15, v28, v30;
	v30 =	vsel vm15, v35, v1;
	v1 =	vld [tilespmem:$0x1FCB0]  }
0x190: {  	v15 =	vmul.f32 $1.131370830e+01, v15;
	v22 =	vsel vm15, v36, v40;
	v57 =	vld [tilespmem:s16+$0xFFFFFFB0];
	(xrf2) =	vadd.scan.msk.f32 $0xffff, v21;
	v13 =	vadd.f32 v60, v13  }
0x191: {  	v12 =	vadd.f32 v12, v45;
	v11 =	vadd.f32 v11, v46;
	v25 =	vld [tilespmem:s16+$0xFFFFFFD0];
	v18 =	vmul.f32 $1.131370830e+01, v18  }
0x192: {  	v16 =	vmul.f32 v42, v3;
	v19 =	vadd.f32 v53, v19;
	v15 =	vadd.f32 v15, v30;
	v24 =	vld [tilespmem:s16+$0xFFFFFFF0];
	(xrf2) =	vadd.scan.msk.f32 $0xffff, v13  }
0x193: {  	v17 =	vld [tilespmem:s16+$0xFFFFFFC0];
	v59 =	vadd.f32 v10, v58;
	v18 =	vadd.f32 v18, v22;
	v21 =	vsel vm15, v29, v31  }
0x194: {  	v36 =	vmovc v5;
	v60 =	vadd.f32 v19, v23;
	v53 =	vadd.f32 v15, v27;
	v5 =	vmul.f32 v62, v1;
	v1 =	vld [tilespmem:$0x1FCC0]  }
0x195: {  	v13 =	vadd.f32 v14, v21;
	v14 =	vadd.f32 v20, v43;
	v20 =	vmul.f32 v32, v52  }
0x196: {  	v21 =	vmul.f32 v50, v48;
	v52 =	vadd.f32 v11, v25;
	v11 =	vmul.f32 v60, v60  }
0x197: {  	v34 =	vmovc v49;
	v33 =	vadd.f32 v60, v59;
	v49 =	vadd.f32 v18, v24;
	v24 =	vmul.f32 v53, v53  }
0x198: {  	v58 =	vadd.f32 v13, v26;
	v55 =	vadd.f32 v14, v57;
	v14 =	vmul.f32 v59, v59  }
0x199: {  	v57 =	vadd.f32 v12, v17;
	v23 =	vmul.f32 v52, v52;
	v6 =	vmul.f32 v1, v6;
	v1 =	vld [tilespmem:$0x1FCD0]  }
0x19a: {  	v48 =	vsub.f32 $1.500000000e+00, v20;
	v40 =	vmul.f32 v49, v49;
	v15 =	vmul.f32 v58, v58;
	v12, _, _ =	vpop (xrf2)  }
0x19b: {  	v27 =	vadd.f32 v49, v53;
	v31 =	vmul.f32 v55, v55;
	v12 =	vmul.f32 $7.812500000e-03, v12  }
0x19c: {  	v45 =	vld [tilespmem:$0x1FE60];
	v35 =	vmul.f32 v57, v57;
	v22 =	vadd.f32 v55, v58;
	v25 =	vadd.f32 v52, v57;
	v26, _, _ =	vpop (xrf2)  }
0x19d: {  	v3 =	vld [tilespmem:$0x1FCF0];
	v11 =	vadd.f32 v11, v14;
	v26 =	vmul.f32 $7.812500000e-03, v26;
	v37 =	vmul.f32 v12, v12  }
0x19e: {  	v18 =	vadd.f32 v22, v33;
	v43 =	vadd.f32 v23, v35;
	v23 =	vmul.f32 v1, v7;
	v1 =	vld [tilespmem:$0x1FCE0]  }
0x19f: {  	v28 =	vld [tilespmem:$0x1FE00];
	v14 =	vadd.f32 v27, v25;
	v22 =	vsub.f32 v26, v37  }
0x1a0: {  	v10 =	vmul.f32 v47, v51;
	v29 =	vld [tilespmem:$0x1FE10];
	v47 =	vadd.f32 v40, v24;
	v15 =	vadd.f32 v31, v15  }
0x1a1: {  	v17 =	vmul.f32 v32, v48;
	v32 =	vld [tilespmem:$0x1FE70];
	v7 =	vadd.f32 v14, v18;
	v22 =	vadd.f32 $9.999999960e-13, v22  }
0x1a2: {  	v11 =	vadd.f32 v15, v11;
	v37 =	vld [tilespmem:$0x1FE50]  }
0x1a3: {  	(xrf2) =	vadd.scan.msk.f32 $0xffff, v7;
	v14 =	vmul.f32 v1, v3;
	v3 =	vadd.f32 v47, v43;
	v1 =	vld [tilespmem:$0x1FD00];
	v15 =	vbroadcast v22, $0xF  }
0x1a4: {  	v7 =	vadd.f32 v8, v45;
	v26 =	vld [tilespmem:$0x1FEC0]  }
0x1a5: {  	v24 =	vld [tilespmem:$0x1FEA0];
	v3 =	vadd.f32 v3, v11;
	v8 =	vshra.s32 v15, $0x1;
	v11 =	vmul.f32 $5.000000000e-01, v15  }
0x1a6: {  	v27 =	vld [tilespmem:$0x1FED0];
	v15 =	vsub.s32 $0x5F3759DF, v8  }
0x1a7: {  	v25 =	vld [tilespmem:$0x1FEB0];
	v8 =	vmul.f32 v15, v11  }
0x1a8: {  	v33 =	vld [tilespmem:$0x1FE20];
	v1 =	vadd.f32 v1, v37  }
0x1a9: {  	v35 =	vld [tilespmem:$0x1FE30];
	v11 =	vadd.f32 v21, v26;
	v8 =	vmul.f32 v15, v8  }
0x1aa: {  	v13 =	vmul.f32 v56, v54;
	v22 =	vld [tilespmem:$0x1FE80];
	[tilespmem:s19+$0xFFFFFFD0] =	vst v1;
	v1 =	vadd.f32 v16, v32  }
0x1ab: {  	v5 =	vadd.f32 v5, v44;
	(xrf2) =	vadd.scan.msk.f32 $0xffff, v3;
	v21 =	vld [tilespmem:$0x1FE90];
	[tilespmem:s17+$0x0] =	vst v11;
	v11 =	vsub.f32 $1.500000000e+00, v8  }
0x1ac: {  	v13 =	vadd.f32 v13, v63;
	v51 =	vmul.f32 v17, v28;
	v54 =	vmul.f32 v17, v29;
	[tilespmem:s19+$0xFFFFFFF0] =	vst v1;
	v1 =	vld [tilespmem:$0x1FD10]  }
0x1ad: {  	[tilespmem:s17+$0x30] =	vst v5;
	v20 =	vmul.f32 v17, v33;
	v5 =	vadd.f32 v14, v45;
	v14, _, _ =	vpop (xrf2);
	v63 =	vmul.f32 v15, v11;
	v11 =	vld [tilespmem:$0x1FD20]  }
0x1ae: {  	v6 =	vadd.f32 v6, v61;
	v42 =	vmul.f32 v17, v25;
	v14 =	vmul.f32 $7.812500000e-03, v14  }
0x1af: {  	[tilespmem:s19+$0xFFFFFFE0] =	vst v7;
	v7 =	vmul.f32 v17, v35;
	v3 =	vmul.f32 v17, v22  }
0x1b0: {  	[tilespmem:s17+$0x40] =	vst v6;
	v6 =	vmul.f32 v14, v14;
	v8 =	vmul.f32 v17, v24  }
0x1b1: {  	v50 =	vadd.f32 v10, v27;
	v56 =	vmul.f32 v51, v1;
	v1 =	vbroadcast v12, $0xF  }
0x1b2: {  	p1 =	slt.u32 s15, $0x7E;
	[tilespmem:s17+$0x20] =	vst v13;
	v13 =	vadd.f32 v23, v37;
	v10 =	vmul.f32 v17, v21;
	v12 =	vmul.f32 v54, v11;
	v11 =	vld [tilespmem:$0x1FD30]  }
.Ltmp2:
0x1b3: {  	[tilespmem:s17+$0x10] =	vst v50;
	v62 =	vmul.f32 v63, v25;
	v50 =	vmul.f32 v63, v28;
	v61 =	vsub.f32 v9, v1;
	(pc) =	sbr.rel @p1 .LBB2_3-.Ltmp2, $4  }
0x1b4: {  	v47 =	vmul.f32 v63, v29;
	v15 =	vadd.f32 v56, v26;
	v48 =	vsub.f32 v4, v1  }
0x1b5: {  	[tilespmem:s17+$0x60] =	vst v5;
	v51 =	vsub.f32 v2, v1;
	v9, _, _ =	vpop (xrf2);
	v2 =	vbroadcast v14, $0xF;
	v4 =	vmul.f32 v62, v61  }
0x1b6: {  	[tilespmem:s17+$0x50] =	vst v13;
	v56 =	vmul.f32 v63, v33;
	v5 =	vmul.f32 $7.812500000e-03, v9;
	v54 =	vsub.f32 v0, v1  }
0x1b7: {  	s20 =	sadd.s32 $0x100, s20;
	v23 =	vld [tilespmem:$0x1FEE0];
	s19 =	smov.u32 s17;
	[tilespmem:s17+$0xFFFFFF80] =	vst v15;
	v62 =	vmul.f32 v63, v35;
	v0 =	vadd.f32 v4, v32;
	v11 =	vmul.f32 v20, v11  }
0x1b8: {  	v16 =	vld [tilespmem:$0x1FD50];
	s15 =	sadd.s32 $0x100, s17  }
0x1b9: {  	v18 =	vld [tilespmem:$0x1FD60];
	[tilespmem:s15+$0x70] =	vst v0  }
0x1ba: {  	v61 =	vld [tilespmem:$0x1FFE0]  }
0x1bb: {  	v4 =	vsub.f32 v5, v6;
	_ =	sdelay $0x1  }
0x1bc: {  	v12 =	vadd.f32 v12, v27;
	v4 =	vadd.f32 $9.999999960e-13, v4;
	_ =	sdelay $0x1  }
0x1bd: {  	v5 =	vmul.f32 v63, v22;
	[tilespmem:s19+$0xFFFFFF90] =	vst v12;
	v4 =	vbroadcast v4, $0xF;
	v11 =	vadd.f32 v11, v61  }
0x1be: {  	v6 =	vmul.f32 v63, v21;
	v14 =	vmul.f32 v63, v24;
	v63 =	vld [tilespmem:$0x1FFF0]  }
0x1bf: {  	v12 =	vld [tilespmem:$0x1FD70];
	v40 =	vshra.s32 v4, $0x1;
	[tilespmem:s19+$0xFFFFFFA0] =	vst v11  }
0x1c0: {  	v3 =	vmul.f32 v3, v18;
	v18 =	vsub.s32 $0x5F3759DF, v40;
	v40 =	vld [tilespmem:$0x1FE40];
	_ =	sdelay $0x1  }
0x1c1: {  	v7 =	vmul.f32 v7, v16;
	_ =	sdelay $0x1  }
0x1c2: {  	v10 =	vmul.f32 v10, v36;
	v7 =	vadd.f32 v7, v63  }
0x1c3: {  	v8 =	vmul.f32 v8, v12;
	v3 =	vadd.f32 v3, v40  }
0x1c4: {  	v10 =	vadd.f32 v10, v37;
	v4 =	vmul.f32 $5.000000000e-01, v4;
	[tilespmem:s19+$0xFFFFFFB0] =	vst v7;
	v7 =	vmul.f32 v42, v34  }
0x1c5: {  	v8 =	vadd.f32 v8, v45;
	[tilespmem:s19+$0xFFFFFFC0] =	vst v3;
	v3 =	vmul.f32 v50, v48  }
0x1c6: {  	v4 =	vmul.f32 v18, v4;
	[tilespmem:s19+$0xFFFFFFD0] =	vst v10;
	v7 =	vadd.f32 v7, v32  }
0x1c7: {  	[tilespmem:s19+$0xFFFFFFE0] =	vst v8;
	v3 =	vadd.f32 v3, v26  }
0x1c8: {  	v20 =	vmul.f32 v47, v51;
	v4 =	vmul.f32 v18, v4;
	[tilespmem:s19+$0xFFFFFFF0] =	vst v7  }
0x1c9: {  	v10 =	vmul.f32 v56, v54;
	v28 =	vld [tilespmem:$0x1FE00];
	[tilespmem:s15+$0x0] =	vst v3  }
0x1ca: {  	v42 =	vadd.f32 v20, v27;
	v4 =	vsub.f32 $1.500000000e+00, v4;
	v3 =	vld [tilespmem:$0x1FD80]  }
0x1cb: {  	v11 =	vsub.f32 v41, v1;
	v10 =	vadd.f32 v10, v61  }
0x1cc: {  	v9 =	vsub.f32 v59, v2;
	v12 =	vsub.f32 v38, v1;
	v4 =	vmul.f32 v18, v4;
	[tilespmem:s15+$0x10] =	vst v42  }
0x1cd: {  	v13 =	vsub.f32 v60, v2;
	v11 =	vmul.f32 v62, v11;
	v8 =	vsub.f32 v39, v1;
	v29 =	vld [tilespmem:$0x1FE10];
	[tilespmem:s15+$0x20] =	vst v10  }
0x1ce: {  	v15 =	vsub.f32 v58, v2;
	v5 =	vmul.f32 v5, v12;
	v7 =	vmul.f32 v4, v28;
	v30 =	vld [tilespmem:$0x1FE20]  }
0x1cf: {  	v1 =	vsub.f32 v3, v1;
	v3 =	vmul.f32 v6, v8;
	v6 =	vadd.f32 v11, v63  }
0x1d0: {  	v35 =	vsub.f32 v55, v2;
	v17 =	vsub.f32 v57, v2;
	v7 =	vmul.f32 v7, v9  }
0x1d1: {  	v19 =	vsub.f32 v52, v2;
	v5 =	vadd.f32 v5, v40;
	[tilespmem:s15+$0x30] =	vst v6  }
0x1d2: {  	v7 =	vadd.f32 v7, v26;
	v8 =	vmul.f32 v4, v29;
	v1 =	vmul.f32 v14, v1;
	v31 =	vld [tilespmem:$0x1FE30]  }
0x1d3: {  	v0 =	vsub.f32 v53, v2;
	v9 =	vmul.f32 v4, v30;
	v3 =	vadd.f32 v3, v37;
	[tilespmem:s15+$0x40] =	vst v5  }
0x1d4: {  	v8 =	vmul.f32 v8, v13;
	v5 =	vmul.f32 v4, v22;
	[tilespmem:s15+$0xFFFFFF80] =	vst v7;
	v1 =	vadd.f32 v1, v45  }
0x1d5: {  	v2 =	vsub.f32 v49, v2;
	v9 =	vmul.f32 v9, v15;
	[tilespmem:s15+$0x50] =	vst v3;
	v3 =	vmul.f32 v4, v21  }
0x1d6: {  	v7 =	vadd.f32 v8, v27;
	v8 =	vmul.f32 v4, v24;
	[tilespmem:s15+$0x60] =	vst v1;
	v1 =	vmul.f32 v5, v17  }
0x1d7: {  	v5 =	vadd.f32 v9, v61;
	v3 =	vmul.f32 v3, v19;
	v6 =	vmul.f32 v4, v31  }
0x1d8: {  	[tilespmem:s15+$0xFFFFFF90] =	vst v7;
	v0 =	vmul.f32 v8, v0;
	v4 =	vmul.f32 v4, v25;
	v1 =	vadd.f32 v1, v40  }
0x1d9: {  	[tilespmem:s15+$0xFFFFFFA0] =	vst v5;
	v3 =	vadd.f32 v3, v37;
	v6 =	vmul.f32 v6, v35  }
0x1da: {  	v0 =	vadd.f32 v0, v45;
	v2 =	vmul.f32 v4, v2;
	[tilespmem:s15+$0xFFFFFFC0] =	vst v1  }
0x1db: {  	[tilespmem:s15+$0xFFFFFFD0] =	vst v3;
	v6 =	vadd.f32 v6, v63  }
0x1dc: {  	[tilespmem:s15+$0xFFFFFFE0] =	vst v0;
	v1 =	vadd.f32 v2, v32  }
0x1dd: {  	s16 =	sshll.u32 s13, $0xC;
	[tilespmem:s15+$0xFFFFFFB0] =	vst v6  }
0x1de: {  	p1 =	seq.s32 s13, $0x3;
	s19 =	sadd.s32 s16, s25;
	[tilespmem:s15+$0xFFFFFFF0] =	vst v1  }
0x1df: {  	[hbm4b:s19+s4] =	stream.linear.scatter [tilespmem:s6], [sflag:$0x5], $0x4000, $0x38;
	[tilespmem:$0x18A00] =	vst v63  }
0x1e0: {  	s17 =	simm.s32 @!p1 $0x800;
	s16 =	simm.s32 @!p1 $0x80;
	s15 =	sadd.s32 @!p1 $0x100, s14  }
0x1e1: {  	[tilespmem:s17], [sflag:$0x1] =	stream.indirect.gather @!p1 [hbm4b:s1+s16], $0x80, s15, s16, $0xb8;
	[tilespmem:$0x18A00] =	vst v63  }
0x1e2: {  	s15 =	sadd.s32 @!p1 s5, s15  }
0x1e3: {  	s15 =	sshll.u32 @!p1 s15, $0x4  }
0x1e4: {  	s16 =	simm.s32 @!p1 $0x0;
	s17 =	simm.s32 @!p1 $0x8800;
	s15 =	sadd.s32 @!p1 s3, s15  }
0x1e5: {  	[tilespmem:s17], [sflag:$0x3] =	stream.linear.gather @!p1 [hbm4b:s15+s16], $0x4000, $0x38;
	[tilespmem:$0x18A00] =	vst v63  }
0x1e6: {  	_ =	swait.ge [sflag:s7], $0x4000  }
0x1e7: {  	[sflag:s7] =	ssyncset.done $0x0  }
0x1e8: {  	[sflag:s7] =	ssyncadd.s32 $0xFFFFC000  }
0x1e9: {  	_ =	swait.ge [sflag:s8], $0x4000  }
0x1ea: {  	[sflag:s8] =	ssyncset.done $0x0  }
0x1eb: {  	s16 =	simm.s32 @!p0 $0x6;
	[sflag:s8] =	ssyncadd.s32 $0xFFFFC000  }
0x1ec: {  	_ =	swait.ge @!p0 [sflag:s16], $0x4000  }
0x1ed: {  	v52 =	vld [tilespmem:$0x1FF70]  }
0x1ee: {  	v51 =	vld [tilespmem:$0x1FF60]  }
0x1ef: {  	v54 =	vld [tilespmem:$0x1FEF0]  }
0x1f0: {  	v53 =	vld [tilespmem:$0x1FF80]  }
0x1f1: {  	v55 =	vld [tilespmem:$0x1FF00]  }
0x1f2: {  	v56 =	vld [tilespmem:$0x1FF90]  }
0x1f3: {  	v57 =	vld [tilespmem:$0x1FF10]  }
0x1f4: {  	v58 =	vld [tilespmem:$0x1FFA0]  }
0x1f5: {  	v59 =	vld [tilespmem:$0x1FF20]  }
0x1f6: {  	v46 =	vld [tilespmem:$0x1FFB0]  }
0x1f7: {  	v36 =	vld [tilespmem:$0x1FF30]  }
0x1f8: {  	v34 =	vld [tilespmem:$0x1FFC0]  }
0x1f9: {  	v39 =	vld [tilespmem:$0x1FF40]  }
0x1fa: {  	s15 =	sor.u32 $0x80, s14;
	[sflag:s16] =	ssyncset.done @!p0 $0x0;
	v35 =	vld [tilespmem:$0x1FFD0]  }
0x1fb: {  	s21 =	simm.s32 $0x4880;
	s20 =	sadd.s32 $0x400, s15;
	v60 =	vld [tilespmem:$0x1FF50];
	[sflag:s16] =	ssyncadd.s32 @!p0 $0xFFFFC000  }
0x1fc: {  	v38 =	vmov s20;
	v0 =	vld [tilespmem:s21+$0x0]  }
0x1fd: {  	v1 =	vld [tilespmem:s21+$0x10]  }
0x1fe: {  	v2 =	vld [tilespmem:s21+$0x20]  }
0x1ff: {  	s24 =	simm.s32 $0x0;
	v3 =	vld [tilespmem:s21+$0x30]  }
0x200: {  	s26 =	sand.u32 $0x70, s24;
	v4 =	vld [tilespmem:s21+$0x40]  }
0x201: {  	v8 =	vld.idx.msk [tilespmem:v38+s26+$0x0 ss:$0x1], $0xffff  }
0x202: {  	v5 =	vld [tilespmem:s21+$0x50]  }
0x203: {  	v6 =	vld [tilespmem:s21+$0x60]  }
0x204: {  	s28 =	simm.s32 $0xC880;
	s20 =	simm.s32 $0x1;
	v7 =	vld [tilespmem:s21+$0x70]  }
0x205: {  	v9 =	vmov s20;
	v10 =	vld [tilespmem:s28+$0x0];
	v0 =	vmul.f32 $1.131370830e+01, v0;
	v1 =	vmul.f32 $1.131370830e+01, v1  }
0x206: {  	s19 =	sand.u32 $0xE, s24;
	v11 =	vld [tilespmem:s28+$0x10];
	v2 =	vmul.f32 $1.131370830e+01, v2;
	v9 =	vperm.xlane v8, v9  }
0x207: {  	v22 =	vmov s19;
	v15 =	vld [tilespmem:s28+$0x30];
	v3 =	vmul.f32 $1.131370830e+01, v3;
	v4 =	vmul.f32 $1.131370830e+01, v4  }
0x208: {  	v43 =	vld [tilespmem:s28+$0x40];
	v5 =	vmul.f32 $1.131370830e+01, v5;
	v6 =	vmul.f32 $1.131370830e+01, v6;
	vm0 =	veq.s32 v9, $0x0  }
0x209: {  	v41 =	vld [tilespmem:s21+$0xFFFFFFB0];
	v7 =	vmul.f32 $1.131370830e+01, v7;
	v8 =	vperm.xlane v8, v22;
	v12 =	vsel vm0, v23, v52  }
0x20a: {  	v26 =	vld [tilespmem:s21+$0xFFFFFFD0];
	v13 =	vsel vm0, v51, v54;
	v14 =	vsel vm0, v53, v55;
	v48 =	vsel vm0, v58, v59  }
0x20b: {  	v9 =	vld [tilespmem:s28+$0x20];
	v0 =	vadd.f32 v12, v0;
	v12 =	vsel vm0, v56, v57;
	v1 =	vadd.f32 v1, v13  }
0x20c: {  	v49 =	vld [tilespmem:s28+$0x60];
	v2 =	vadd.f32 v2, v14;
	v14 =	vsel vm0, v46, v36;
	v4 =	vadd.f32 v4, v48  }
0x20d: {  	v13 =	vld [tilespmem:s28+$0x50];
	v12 =	vadd.f32 v3, v12;
	v3 =	vsel vm0, v34, v39;
	v5 =	vadd.f32 v5, v14  }
0x20e: {  	v50 =	vld [tilespmem:s28+$0x70];
	v14 =	vadd.f32 v6, v3;
	v6 =	vsel vm0, v35, v60;
	v3 =	vadd.f32 v0, v10  }
0x20f: {  	v18 =	vmul.f32 $1.131370830e+01, v41;
	v1 =	vadd.f32 v1, v11;
	v10 =	vadd.f32 v7, v6  }
0x210: {  	v22 =	vmul.f32 $1.131370830e+01, v26;
	v0 =	vadd.f32 v2, v9;
	v6 =	vadd.f32 v12, v15  }
0x211: {  	v7 =	vadd.f32 v4, v43;
	v9 =	vmul.f32 v3, v3;
	v4 =	vadd.f32 v14, v49  }
0x212: {  	v12 =	vmul.f32 v1, v1;
	v32 =	vadd.f32 v1, v3;
	v5 =	vadd.f32 v5, v13  }
0x213: {  	v47 =	vld [tilespmem:s28+$0xFFFFFF80];
	v13 =	vmul.f32 v0, v0;
	v10 =	vadd.f32 v10, v50;
	v15 =	vmul.f32 v6, v6  }
0x214: {  	v62 =	vmovc v23;
	v23 =	vld [tilespmem:s21+$0xFFFFFFC0];
	v33 =	vadd.f32 v6, v0;
	v42 =	vmul.f32 v7, v7;
	v9 =	vadd.f32 v12, v9  }
0x215: {  	v11 =	vld [tilespmem:s21+$0xFFFFFF90];
	v25 =	vmul.f32 v4, v4;
	v20 =	vadd.f32 v5, v7;
	v21 =	vadd.f32 v10, v4  }
0x216: {  	v2 =	vld [tilespmem:s21+$0xFFFFFF80];
	v24 =	vmul.f32 v5, v5;
	v27 =	vmul.f32 v10, v10;
	v16 =	vadd.f32 v33, v32  }
0x217: {  	vm13 =	veq.s32 v8, $0x0;
	v48 =	vld [tilespmem:s28+$0xFFFFFF90];
	v12 =	vadd.f32 v15, v13;
	v43 =	vadd.f32 v21, v20  }
0x218: {  	v26 =	vsel vm13, v58, v59;
	v13 =	vld [tilespmem:s21+$0xFFFFFFF0];
	v15 =	vadd.f32 v24, v42;
	v44 =	vadd.f32 v27, v25  }
0x219: {  	v14 =	vld [tilespmem:s21+$0xFFFFFFA0];
	v49 =	vmul.f32 $1.131370830e+01, v23;
	v23 =	vsel vm13, v51, v54;
	v9 =	vadd.f32 v12, v9  }
0x21a: {  	v8 =	vmul.f32 $1.131370830e+01, v11;
	v20 =	vld [tilespmem:s21+$0xFFFFFFE0];
	v11 =	vadd.f32 v43, v16;
	v12 =	vadd.f32 v44, v15  }
0x21b: {  	v19 =	vadd.f32 v49, v26;
	v26 =	vsel vm13, v35, v60;
	v2 =	vmul.f32 $1.131370830e+01, v2;
	v21 =	vld [tilespmem:s28+$0xFFFFFFA0]  }
0x21c: {  	v24 =	vld [tilespmem:s28+$0xFFFFFFC0];
	v25 =	vsel vm13, v56, v57;
	v8 =	vadd.f32 v8, v23;
	(xrf2) =	vadd.scan.msk.f32 $0xffff, v11;
	v9 =	vadd.f32 v12, v9  }
0x21d: {  	v18 =	vadd.f32 v18, v25;
	v25 =	vld [tilespmem:s28+$0xFFFFFFF0];
	v15 =	vsel vm13, v62, v52;
	v13 =	vmul.f32 $1.131370830e+01, v13  }
0x21e: {  	v14 =	vmul.f32 $1.131370830e+01, v14;
	v8 =	vadd.f32 v8, v48;
	v2 =	vadd.f32 v15, v2;
	v11 =	vld [tilespmem:s28+$0xFFFFFFB0];
	(xrf2) =	vadd.scan.msk.f32 $0xffff, v9  }
0x21f: {  	v12 =	vmul.f32 $1.131370830e+01, v20;
	v20 =	vsel vm13, v53, v55;
	v13 =	vadd.f32 v13, v26;
	v9 =	vld [tilespmem:s28+$0xFFFFFFD0]  }
0x220: {  	v15 =	vsel vm13, v46, v36;
	v16 =	vadd.f32 v2, v47;
	v14 =	vadd.f32 v14, v20;
	v20 =	vld [tilespmem:s28+$0xFFFFFFE0]  }
0x221: {  	v23 =	vsel vm13, v34, v39;
	v15 =	vadd.f32 v22, v15;
	v50 =	vadd.f32 v19, v24  }
0x222: {  	v12 =	vadd.f32 v12, v23;
	v2 =	vmul.f32 v16, v16;
	v13 =	vadd.f32 v13, v25  }
0x223: {  	v22 =	vmul.f32 v50, v50;
	v14 =	vadd.f32 v14, v21;
	v21 =	vadd.f32 v8, v16  }
0x224: {  	v11 =	vadd.f32 v18, v11;
	v33 =	vmul.f32 v13, v13;
	v9 =	vadd.f32 v15, v9  }
0x225: {  	v43 =	vmul.f32 v14, v14;
	v15 =	vmul.f32 v8, v8;
	v12 =	vadd.f32 v12, v20  }
0x226: {  	v20 =	vmul.f32 v11, v11;
	v23 =	vadd.f32 v11, v14;
	v24 =	vmul.f32 v9, v9;
	v42, _, _ =	vpop (xrf2)  }
0x227: {  	v27 =	vadd.f32 v9, v50;
	v44 =	vadd.f32 v13, v12;
	v18 =	vmul.f32 $7.812500000e-03, v42  }
0x228: {  	v25 =	vmul.f32 v12, v12;
	v21 =	vadd.f32 v23, v21;
	v2 =	vadd.f32 v15, v2;
	v26, _, _ =	vpop (xrf2)  }
0x229: {  	v19 =	vadd.f32 v20, v43;
	v26 =	vmul.f32 $7.812500000e-03, v26;
	v15 =	vmul.f32 v18, v18  }
0x22a: {  	v23 =	vadd.f32 v44, v27;
	v20 =	vadd.f32 v24, v22  }
0x22b: {  	v22 =	vadd.f32 v33, v25;
	v15 =	vsub.f32 v26, v15  }
0x22c: {  	v2 =	vadd.f32 v19, v2;
	v21 =	vadd.f32 v23, v21  }
0x22d: {  	v47 =	vadd.f32 v22, v20;
	v15 =	vadd.f32 $9.999999960e-13, v15;
	_ =	sdelay $0x1  }
0x22e: {  	(xrf2) =	vadd.scan.msk.f32 $0xffff, v21;
	v2 =	vadd.f32 v47, v2;
	v15 =	vbroadcast v15, $0xF;
	_ =	sdelay $0x1  }
0x22f: {  	(xrf2) =	vadd.scan.msk.f32 $0xffff, v2;
	v2 =	vshra.s32 v15, $0x1;
	v15 =	vmul.f32 $5.000000000e-01, v15  }
0x230: {  	v2 =	vsub.s32 $0x5F3759DF, v2  }
0x231: {  	v15 =	vmul.f32 v2, v15;
	_ =	sdelay $0x1  }
0x232: {  	v15 =	vmul.f32 v2, v15;
	_ =	sdelay $0x1  }
0x233: {  	v15 =	vsub.f32 $1.500000000e+00, v15;
	_ =	sdelay $0x1  }
0x234: {  	v48, _, _ =	vpop (xrf2)  }
0x235: {  	v19 =	vmul.f32 $7.812500000e-03, v48  }
0x236: {  	s21 =	simm.s32 $0x4980;
	v18 =	vbroadcast v18, $0xF;
	v2 =	vmul.f32 v2, v15;
	v15, _, _ =	vpop (xrf2)  }
0x237: {  	v49 =	vld [tilespmem:s21+$0x40];
	v21 =	vmul.f32 v19, v19;
	v15 =	vmul.f32 $7.812500000e-03, v15  }
0x238: {  	v20 =	vld [tilespmem:s21+$0x0]  }
0x239: {  	v22 =	vld [tilespmem:s21+$0x10];
	v43 =	vsub.f32 v3, v18;
	v19 =	vbroadcast v19, $0xF;
	v3 =	vsub.f32 v15, v21  }
0x23a: {  	v23 =	vld [tilespmem:s21+$0x20];
	v42 =	vsub.f32 v1, v18  }
0x23b: {  	s16 =	simm.s32 $0x2;
	v1 =	vld [tilespmem:$0x1FEB0];
	v24 =	vadd.f32 $9.999999960e-13, v3;
	v3 =	vsub.f32 v11, v19  }
0x23c: {  	s24 =	sand.u32 $0x70, s16;
	v32 =	vsub.f32 v8, v19;
	v8 =	vsub.f32 v50, v19;
	v15 =	vld [tilespmem:s21+$0x30];
	[tilespmem:$0x1FC20] =	vst v38  }
0x23d: {  	v44 =	vsub.f32 v0, v18;
	v25 =	vld.idx.msk [tilespmem:v38+s24+$0x0 ss:$0x1], $0xffff;
	[tilespmem:$0x1FC30] =	vst v3  }
0x23e: {  	v0 =	vsub.f32 v14, v19;
	v14 =	vld [tilespmem:s21+$0x50];
	[tilespmem:$0x1FC40] =	vst v8;
	v8 =	vsub.f32 v9, v19;
	_ =	sdelay $0x1  }
0x23f: {  	[tilespmem:$0x1FC50] =	vst v8;
	v8 =	vsub.f32 v12, v19  }
0x240: {  	v10 =	vsub.f32 v10, v18;
	v33 =	vmul.f32 $1.131370830e+01, v23;
	v47 =	vmul.f32 v2, v28  }
0x241: {  	v48 =	vmul.f32 v2, v31;
	v21 =	vmul.f32 v2, v1;
	v50 =	vld [tilespmem:s21+$0x60];
	[tilespmem:$0x1FC60] =	vst v8;
	v8 =	vsub.f32 v13, v19  }
0x242: {  	v43 =	vmul.f32 v47, v43;
	v1 =	vsub.f32 v16, v19;
	v16 =	vmul.f32 $1.131370830e+01, v49  }
0x243: {  	s26 =	simm.s32 $0x3;
	v38 =	vmul.f32 v2, v29;
	v3 =	vmul.f32 v21, v10;
	[tilespmem:$0x1FC70] =	vst v8  }
0x244: {  	s17 =	simm.s32 $0xC980;
	v10 =	vsub.f32 v6, v18;
	v6 =	vmul.f32 $1.131370830e+01, v20;
	v8 =	vmov s26;
	v12 =	vld [tilespmem:s21+$0x70]  }
0x245: {  	v9 =	vsub.f32 v7, v18;
	v7 =	vsub.f32 v5, v18;
	v5 =	vperm.xlane v25, v8;
	v20 =	vld [tilespmem:s17+$0x0]  }
0x246: {  	v11 =	vmul.f32 v2, v30;
	v15 =	vmul.f32 $1.131370830e+01, v15;
	v8 =	vsub.f32 v4, v18;
	v4 =	vld [tilespmem:s17+$0x10]  }
0x247: {  	v13 =	vmul.f32 $1.131370830e+01, v22;
	v14 =	vmul.f32 $1.131370830e+01, v14;
	v41 =	vld [tilespmem:s17+$0x20];
	vm14 =	veq.s32 v5, $0x0  }
0x248: {  	v23 =	vld [tilespmem:s17+$0x30];
	v5 =	vmul.f32 $1.131370830e+01, v50;
	v49 =	vsel vm14, v62, v52;
	v21 =	vsel vm14, v51, v54  }
0x249: {  	v26 =	vld [tilespmem:s17+$0x40];
	v22 =	vsel vm14, v53, v55;
	v50 =	vsel vm14, v56, v57;
	v6 =	vadd.f32 v49, v6  }
0x24a: {  	v27 =	vsel vm14, v58, v59;
	v13 =	vadd.f32 v13, v21;
	v19 =	vadd.f32 v33, v22;
	v21 =	vld [tilespmem:s17+$0x50]  }
0x24b: {  	v22 =	vsel vm14, v46, v36;
	v16 =	vadd.f32 v16, v27;
	v33 =	vld [tilespmem:s17+$0x60];
	v27 =	vsel vm14, v34, v39  }
0x24c: {  	v12 =	vmul.f32 $1.131370830e+01, v12;
	v14 =	vadd.f32 v14, v22;
	v22 =	vadd.f32 v5, v27;
	v27 =	vld [tilespmem:s17+$0x70]  }
0x24d: {  	s28 =	sand.u32 $0xE, s16;
	v15 =	vadd.f32 v15, v50;
	v5 =	vsel vm14, v35, v60;
	v6 =	vadd.f32 v6, v20  }
0x24e: {  	v20 =	vmov s28;
	v12 =	vadd.f32 v12, v5;
	v5 =	vadd.f32 v13, v4  }
0x24f: {  	v4 =	vadd.f32 v19, v41;
	v13 =	vperm.xlane v25, v20;
	v41 =	vadd.f32 v15, v23  }
0x250: {  	v25 =	vadd.f32 v16, v26;
	v15 =	vld [tilespmem:s21+$0xFFFFFF80];
	v16 =	vmul.f32 v6, v6;
	v49 =	vadd.f32 v14, v21  }
0x251: {  	v50 =	vadd.f32 v22, v33;
	v14 =	vld [tilespmem:s21+$0xFFFFFF90];
	v17 =	vmul.f32 v5, v5;
	v33 =	vadd.f32 v12, v27  }
0x252: {  	v18 =	vmul.f32 v4, v4;
	v20 =	vadd.f32 v5, v6;
	v21 =	vadd.f32 v41, v4;
	v22 =	vld [tilespmem:s21+$0xFFFFFFB0]  }
0x253: {  	v23 =	vmul.f32 v25, v25;
	v12 =	vld [tilespmem:s21+$0xFFFFFFA0];
	[tilespmem:$0x1FC80] =	vst v25;
	v25 =	vadd.f32 v49, v25;
	v26 =	vadd.f32 v33, v50  }
0x254: {  	v19 =	vmul.f32 v41, v41;
	v27 =	vld [tilespmem:s21+$0xFFFFFFC0];
	[tilespmem:$0x1FC90] =	vst v49;
	v49 =	vmul.f32 v49, v49;
	v20 =	vadd.f32 v21, v20  }
0x255: {  	[tilespmem:$0x1FCA0] =	vst v50;
	v50 =	vmul.f32 v50, v50;
	v25 =	vadd.f32 v26, v25;
	v26 =	vmul.f32 v33, v33  }
0x256: {  	v24 =	vbroadcast v24, $0xF;
	v16 =	vadd.f32 v17, v16;
	v18 =	vadd.f32 v19, v18  }
0x257: {  	v11 =	vmul.f32 v11, v44;
	v21 =	vld [tilespmem:s21+$0xFFFFFFD0];
	v23 =	vadd.f32 v49, v23;
	v26 =	vadd.f32 v26, v50  }
0x258: {  	v10 =	vmul.f32 v48, v10;
	vm15 =	veq.s32 v13, $0x0;
	v19 =	vld [tilespmem:s21+$0xFFFFFFE0];
	v16 =	vadd.f32 v18, v16  }
0x259: {  	v13 =	vmul.f32 $1.131370830e+01, v14;
	v14 =	vadd.f32 v25, v20;
	v50 =	vadd.f32 v26, v23  }
0x25a: {  	v15 =	vmul.f32 $1.131370830e+01, v15;
	v49 =	vld [tilespmem:s21+$0xFFFFFFF0];
	v22 =	vmul.f32 $1.131370830e+01, v22  }
0x25b: {  	v12 =	vmul.f32 $1.131370830e+01, v12;
	v20 =	vld [tilespmem:s17+$0xFFFFFF80];
	v25 =	vmul.f32 $1.131370830e+01, v27;
	(xrf2) =	vadd.scan.msk.f32 $0xffff, v14;
	v14 =	vadd.f32 v50, v16  }
0x25c: {  	v27 =	vsel vm15, v51, v54;
	v54 =	vsel vm15, v53, v55;
	v55 =	vld [tilespmem:s17+$0xFFFFFFB0];
	v21 =	vmul.f32 $1.131370830e+01, v21  }
0x25d: {  	v18 =	vmul.f32 $1.131370830e+01, v19;
	v13 =	vadd.f32 v13, v27;
	v27 =	vsel vm15, v58, v59;
	v26 =	vld [tilespmem:s17+$0xFFFFFF90];
	(xrf2) =	vadd.scan.msk.f32 $0xffff, v14  }
0x25e: {  	v12 =	vadd.f32 v12, v54;
	v25 =	vadd.f32 v25, v27;
	v27 =	vsel vm15, v34, v39;
	v34 =	vld [tilespmem:s17+$0xFFFFFFE0]  }
0x25f: {  	v23 =	vsel vm15, v62, v52;
	v52 =	vmul.f32 $1.131370830e+01, v49;
	v62 =	vsel vm15, v46, v36;
	v36 =	vld [tilespmem:s17+$0xFFFFFFF0]  }
0x260: {  	v15 =	vadd.f32 v23, v15;
	v23 =	vsel vm15, v56, v57;
	v21 =	vadd.f32 v21, v62;
	v16 =	vld [tilespmem:s17+$0xFFFFFFA0]  }
0x261: {  	v18 =	vadd.f32 v18, v27;
	v27 =	vsel vm15, v35, v60;
	v22 =	vadd.f32 v22, v23;
	v23 =	vld [tilespmem:s17+$0xFFFFFFD0]  }
0x262: {  	v19 =	vadd.f32 v52, v27;
	v27 =	vshra.s32 v24, $0x1;
	v24 =	vmul.f32 $5.000000000e-01, v24;
	v14 =	vld [tilespmem:s17+$0xFFFFFFC0]  }
0x263: {  	v27 =	vsub.s32 $0x5F3759DF, v27;
	v59 =	vadd.f32 v15, v20;
	v55 =	vadd.f32 v22, v55  }
0x264: {  	v60 =	vadd.f32 v13, v26;
	v13 =	vmul.f32 v38, v42;
	v53 =	vadd.f32 v18, v34  }
0x265: {  	v49 =	vadd.f32 v19, v36;
	v58 =	vadd.f32 v12, v16;
	v12 =	vmul.f32 v59, v59;
	v15, _, _ =	vpop (xrf2)  }
0x266: {  	v52 =	vadd.f32 v21, v23;
	v39 =	vadd.f32 v60, v59;
	v15 =	vmul.f32 $7.812500000e-03, v15  }
0x267: {  	v23 =	vmul.f32 v55, v55;
	v44 =	vadd.f32 v49, v53;
	v57 =	vadd.f32 v25, v14;
	v20, _, _ =	vpop (xrf2)  }
0x268: {  	v42 =	vadd.f32 v55, v58;
	v22 =	vmul.f32 v15, v15;
	v20 =	vmul.f32 $7.812500000e-03, v20  }
0x269: {  	v17 =	vld [tilespmem:$0x1FE80];
	v14 =	vmul.f32 v60, v60;
	v16 =	vmul.f32 v58, v58;
	v21 =	vadd.f32 v52, v57  }
0x26a: {  	v25 =	vmul.f32 v49, v49;
	v18 =	vadd.f32 v42, v39;
	v20 =	vsub.f32 v20, v22  }
0x26b: {  	v12 =	vadd.f32 v14, v12;
	v14 =	vmul.f32 v57, v57;
	v22 =	vmul.f32 v52, v52  }
0x26c: {  	v19 =	vadd.f32 v44, v21;
	v21 =	vmul.f32 v53, v53;
	v20 =	vadd.f32 $9.999999960e-13, v20  }
0x26d: {  	v51 =	vld [tilespmem:$0x1FE90];
	v16 =	vadd.f32 v23, v16;
	v14 =	vadd.f32 v22, v14;
	v22 =	vmul.f32 v27, v24  }
0x26e: {  	v17 =	vmul.f32 v2, v17;
	v46 =	vadd.f32 v25, v21;
	v24 =	vld [tilespmem:$0x1FEA0];
	v20 =	vbroadcast v20, $0xF  }
0x26f: {  	v54 =	vld [tilespmem:$0x1FE70];
	v12 =	vadd.f32 v16, v12;
	v18 =	vadd.f32 v19, v18;
	v47 =	vmul.f32 v27, v22  }
0x270: {  	v14 =	vadd.f32 v46, v14;
	v48 =	vshra.s32 v20, $0x1;
	v50 =	vmul.f32 $5.000000000e-01, v20  }
0x271: {  	v9 =	vmul.f32 v17, v9;
	v26 =	vld [tilespmem:$0x1FEC0];
	v17 =	vsub.s32 $0x5F3759DF, v48  }
0x272: {  	(xrf2) =	vadd.scan.msk.f32 $0xffff, v18;
	v16 =	vsub.f32 $1.500000000e+00, v47;
	v12 =	vadd.f32 v14, v12;
	v14 =	vmul.f32 v17, v50  }
0x273: {  	v18 =	vmul.f32 v2, v51;
	v2 =	vmul.f32 v2, v24  }
0x274: {  	v19 =	vadd.f32 v3, v54;
	v16 =	vmul.f32 v27, v16;
	v27 =	vld [tilespmem:$0x1FED0];
	v3 =	vmul.f32 v17, v14;
	_ =	sdelay $0x1  }
0x275: {  	s19 =	simm.s32 $0x14880;
	v23 =	vld [tilespmem:$0x1FEB0];
	v2 =	vmul.f32 v2, v8;
	v8 =	vadd.f32 v43, v26;
	v21 =	vsub.f32 $1.500000000e+00, v3  }
0x276: {  	v11 =	vadd.f32 v11, v61;
	v56 =	vadd.f32 v10, v63;
	v22 =	vld [tilespmem:$0x1FE80];
	[tilespmem:s19+$0x70] =	vst v19  }
0x277: {  	v9 =	vadd.f32 v9, v40;
	v18 =	vmul.f32 v18, v7;
	v63 =	vmul.f32 v17, v21;
	v21 =	vld [tilespmem:$0x1FE90];
	[tilespmem:s19+$0x0] =	vst v8  }
0x278: {  	(xrf2) =	vadd.scan.msk.f32 $0xffff, v12;
	v12 =	vadd.f32 v13, v27;
	v13 =	vmul.f32 v16, v28;
	[tilespmem:s19+$0x20] =	vst v11  }
0x279: {  	v62 =	vadd.f32 v18, v37;
	[tilespmem:s19+$0x30] =	vst v56  }
0x27a: {  	v20 =	vmul.f32 v16, v30;
	[tilespmem:s19+$0x40] =	vst v9;
	v13 =	vmul.f32 v13, v1  }
0x27b: {  	v14 =	vmul.f32 v16, v29;
	[tilespmem:s19+$0x50] =	vst v62;
	v1 =	vbroadcast v15, $0xF;
	v15 =	vadd.f32 v2, v45;
	v2, _, _ =	vpop (xrf2)  }
0x27c: {  	v11 =	vmul.f32 v20, v0;
	[tilespmem:s19+$0x10] =	vst v12;
	v0 =	vmul.f32 $7.812500000e-03, v2;
	v13 =	vadd.f32 v13, v26  }
0x27d: {  	v12 =	vmul.f32 v14, v32;
	v14 =	vmul.f32 v63, v23;
	v2 =	vsub.f32 v33, v1;
	[tilespmem:s19+$0x60] =	vst v15  }
0x27e: {  	v7 =	vmul.f32 v16, v31;
	v48 =	vsub.f32 v6, v1;
	v6 =	vmul.f32 v0, v0;
	[tilespmem:s19+$0xFFFFFF80] =	vst v13  }
0x27f: {  	v9 =	vmul.f32 v14, v2;
	v2 =	vbroadcast v0, $0xF;
	v0 =	vld [tilespmem:$0x1FE70]  }
0x280: {  	v42 =	vmul.f32 v16, v23;
	v3 =	vmul.f32 v16, v22  }
0x281: {  	v8 =	vmul.f32 v16, v24;
	v50 =	vmul.f32 v63, v28  }
0x282: {  	v47 =	vmul.f32 v63, v29;
	v56 =	vmul.f32 v63, v30;
	v51 =	vsub.f32 v5, v1;
	v5, _, _ =	vpop (xrf2)  }
0x283: {  	v44 =	vmul.f32 v63, v31;
	v5 =	vmul.f32 $7.812500000e-03, v5  }
0x284: {  	s20 =	simm.s32 $0x14880;
	s21 =	simm.s32 $0x4A80;
	v54 =	vsub.f32 v4, v1;
	v33 =	vmovc v40;
	v10 =	vmul.f32 v16, v21;
	v0 =	vadd.f32 v9, v0  }
.LBB2_5:
0x285: {  	v5 =	vsub.f32 v5, v6;
	v6 =	vsub.f32 v59, v2;
	_ =	sdelay $0x1  }
0x286: {  	[tilespmem:$0x1FBF0] =	vst v6;
	v6 =	vsub.f32 v60, v2;
	_ =	sdelay $0x1  }
0x287: {  	[tilespmem:$0x1FC00] =	vst v6;
	v6 =	vmul.f32 v63, v24;
	_ =	sdelay $0x1  }
0x288: {  	[tilespmem:$0x1FBE0] =	vst v6;
	v6 =	vsub.f32 v58, v2;
	_ =	sdelay $0x1  }
0x289: {  	[tilespmem:$0x1FC10] =	vst v6;
	v6 =	vld [tilespmem:$0x1FC30];
	_ =	sdelay $0x4  }
0x28a: {  	v13 =	vmul.f32 v7, v6;
	v6 =	vsub.f32 v55, v2  }
0x28b: {  	v4 =	vld [tilespmem:s21+$0x0]  }
0x28c: {  	[tilespmem:$0x1FC30] =	vst v6;
	v6 =	vld [tilespmem:$0x1FC40]  }
0x28d: {  	v9 =	vld [tilespmem:s21+$0x10]  }
0x28e: {  	v38 =	vld [tilespmem:$0x1FFE0]  }
0x28f: {  	v39 =	vld [tilespmem:$0x1FFF0]  }
0x290: {  	v28 =	vld [tilespmem:$0x1FF70]  }
0x291: {  	v30 =	vld [tilespmem:$0x1FEF0];
	v5 =	vadd.f32 $9.999999960e-13, v5;
	v15 =	vmul.f32 v3, v6;
	v3 =	vsub.f32 v57, v2  }
0x292: {  	v29 =	vld [tilespmem:$0x1FF80]  }
0x293: {  	v31 =	vld [tilespmem:$0x1FF00];
	[tilespmem:$0x1FC40] =	vst v3;
	v3 =	vbroadcast v5, $0xF  }
0x294: {  	v43 =	vld [tilespmem:$0x1FF10]  }
0x295: {  	v61 =	vmul.f32 v63, v21;
	v7 =	vshra.s32 v3, $0x1;
	v21 =	vmul.f32 $5.000000000e-01, v3;
	v3 =	vld [tilespmem:$0x1FC80]  }
0x296: {  	v45 =	vld [tilespmem:$0x1FFA0]  }
0x297: {  	v46 =	vld [tilespmem:$0x1FF20]  }
0x298: {  	v34 =	vld [tilespmem:$0x1FFB0]  }
0x299: {  	v37 =	vld [tilespmem:$0x1FF30]  }
0x29a: {  	v6 =	vsub.f32 v3, v1;
	v3 =	vld [tilespmem:$0x1FC90]  }
0x29b: {  	v5 =	vld [tilespmem:$0x1FC20]  }
0x29c: {  	v35 =	vld [tilespmem:$0x1FFC0]  }
0x29d: {  	v36 =	vld [tilespmem:$0x1FFD0]  }
0x29e: {  	v40 =	vld [tilespmem:$0x1FF50]  }
0x29f: {  	s19 =	sadd.s32 $0x100, s19;
	v32 =	vsub.s32 $0x5F3759DF, v7;
	v7 =	vsub.f32 v3, v1;
	v3 =	vld [tilespmem:$0x1FCA0]  }
0x2a0: {  	[tilespmem:s19+$0x70] =	vst v0;
	v18 =	vsub.f32 v53, v2;
	v53 =	vld [tilespmem:$0x1FEE0]  }
0x2a1: {  	s24 =	smov.u32 s16;
	s16 =	sadd.s32 $0x2, s16;
	v0 =	vld [tilespmem:s21+$0x20]  }
0x2a2: {  	s28 =	sand.u32 $0x70, s16;
	v14 =	vld [tilespmem:s21+$0x30]  }
0x2a3: {  	v19 =	vld.idx.msk [tilespmem:v5+s28+$0x0 ss:$0x1], $0xffff  }
0x2a4: {  	v5 =	vsub.f32 v41, v1;
	v3 =	vsub.f32 v3, v1;
	v1 =	vld [tilespmem:$0x1FC50]  }
0x2a5: {  	v16 =	vld [tilespmem:s21+$0x40]  }
0x2a6: {  	v62 =	vmul.f32 v63, v22;
	v22 =	vld [tilespmem:s21+$0x60]  }
0x2a7: {  	v17 =	vsub.f32 v52, v2;
	v49 =	vsub.f32 v49, v2;
	v2 =	vld [tilespmem:s21+$0x50]  }
0x2a8: {  	v12 =	vadd.f32 v12, v27;
	s26 =	sand.u32 $0xE, s16;
	v23 =	vld [tilespmem:s21+$0x70]  }
0x2a9: {  	v20 =	vmov s26;
	v60 =	vld [tilespmem:$0x1FF60];
	v4 =	vmul.f32 $1.131370830e+01, v4;
	v63 =	vmul.f32 v10, v1;
	v1 =	vmovc v17  }
0x2aa: {  	s24 =	sadd.s32 $0x3, s24;
	v11 =	vadd.f32 v11, v38;
	v9 =	vmul.f32 $1.131370830e+01, v9;
	v0 =	vmul.f32 $1.131370830e+01, v0;
	[tilespmem:$0x1FC50] =	vst v1;
	v1 =	vld [tilespmem:$0x1FC60]  }
0x2ab: {  	v58 =	vmov s24;
	v14 =	vmul.f32 $1.131370830e+01, v14;
	v16 =	vmul.f32 $1.131370830e+01, v16;
	v10 =	vld [tilespmem:s21+$0xFFFFFF80]  }
0x2ac: {  	v15 =	vadd.f32 v15, v33;
	v2 =	vmul.f32 $1.131370830e+01, v2;
	v52 =	vmul.f32 v32, v21;
	v17 =	vld [tilespmem:s21+$0xFFFFFF90];
	[tilespmem:s20+$0xFFFFFF90] =	vst v12  }
0x2ad: {  	s17 =	sadd.s32 $0x100, s17;
	v33 =	vld [tilespmem:$0x1FF90];
	v21 =	vmul.f32 $1.131370830e+01, v22;
	v12 =	vperm.xlane v19, v58;
	[tilespmem:s20+$0xFFFFFFA0] =	vst v11;
	v11 =	vadd.f32 v13, v39  }
0x2ae: {  	v59 =	vld [tilespmem:s17+$0x0];
	v22 =	vmul.f32 $1.131370830e+01, v23;
	v19 =	vperm.xlane v19, v20  }
0x2af: {  	v25 =	vld [tilespmem:s17+$0x30];
	v6 =	vmul.f32 v62, v6;
	vm0 =	veq.s32 v12, $0x0;
	[tilespmem:s20+$0xFFFFFFB0] =	vst v11;
	v8 =	vmul.f32 v8, v1;
	v1 =	vmovc v18  }
0x2b0: {  	vm15 =	veq.s32 v19, $0x0;
	v11 =	vsel vm0, v53, v28;
	v23 =	vsel vm0, v60, v30;
	[tilespmem:$0x1FC60] =	vst v1;
	v1 =	vld [tilespmem:$0x1FF40]  }
0x2b1: {  	v13 =	vld [tilespmem:s17+$0x10];
	v24 =	vsel vm0, v29, v31;
	v26 =	vsel vm0, v45, v46;
	v53 =	vsel vm15, v53, v28  }
0x2b2: {  	v12 =	vld [tilespmem:s17+$0x20];
	v4 =	vadd.f32 v11, v4;
	v11 =	vsel vm0, v33, v43;
	v9 =	vadd.f32 v9, v23  }
0x2b3: {  	[tilespmem:s20+$0xFFFFFFC0] =	vst v15;
	v15 =	vld [tilespmem:s17+$0x40];
	v0 =	vadd.f32 v0, v24;
	v24 =	vsel vm0, v34, v37;
	v11 =	vadd.f32 v14, v11  }
0x2b4: {  	v23 =	vld [tilespmem:s17+$0x50];
	v14 =	vadd.f32 v16, v26;
	v24 =	vadd.f32 v2, v24;
	v2 =	vsel vm0, v36, v40  }
0x2b5: {  	v16 =	vld [tilespmem:s17+$0x60];
	v4 =	vadd.f32 v4, v59;
	v55 =	vadd.f32 v22, v2;
	v26 =	vsel vm0, v35, v1  }
0x2b6: {  	v33 =	vsel vm15, v33, v43;
	v2 =	vadd.f32 v9, v13;
	v21 =	vadd.f32 v21, v26;
	v26 =	vld [tilespmem:s17+$0x70]  }
0x2b7: {  	v10 =	vmul.f32 $1.131370830e+01, v10;
	v0 =	vadd.f32 v0, v12;
	v41 =	vadd.f32 v11, v25  }
0x2b8: {  	v20 =	vld [tilespmem:s21+$0xFFFFFFA0];
	v27 =	vadd.f32 v14, v15;
	v13 =	vmul.f32 v4, v4;
	v15 =	vmul.f32 v2, v2  }
0x2b9: {  	v22 =	vld [tilespmem:s21+$0xFFFFFFB0];
	v57 =	vadd.f32 v24, v23;
	v19 =	vmul.f32 v41, v41;
	v23 =	vadd.f32 v41, v0  }
0x2ba: {  	v18 =	vld [tilespmem:s21+$0xFFFFFFF0];
	v25 =	vmul.f32 v27, v27;
	v58 =	vadd.f32 v21, v16;
	v21 =	vadd.f32 v2, v4  }
0x2bb: {  	v12 =	vld [tilespmem:s21+$0xFFFFFFC0];
	[tilespmem:$0x1FC80] =	vst v27;
	v13 =	vadd.f32 v15, v13;
	v16 =	vmul.f32 v0, v0;
	v9 =	vadd.f32 v55, v26  }
0x2bc: {  	v11 =	vld [tilespmem:s21+$0xFFFFFFD0];
	[tilespmem:$0x1FC90] =	vst v57;
	v21 =	vadd.f32 v23, v21;
	v26 =	vadd.f32 v57, v27;
	v57 =	vmul.f32 v57, v57  }
0x2bd: {  	v14 =	vld [tilespmem:s21+$0xFFFFFFE0];
	[tilespmem:$0x1FCA0] =	vst v58;
	v27 =	vadd.f32 v9, v58;
	v58 =	vmul.f32 v58, v58;
	v59 =	vmul.f32 v9, v9  }
0x2be: {  	v24 =	vld [tilespmem:s17+$0xFFFFFF80];
	v15 =	vadd.f32 v19, v16;
	v16 =	vmul.f32 $1.131370830e+01, v20;
	v20 =	vadd.f32 v57, v25  }
0x2bf: {  	v17 =	vmul.f32 $1.131370830e+01, v17;
	v23 =	vadd.f32 v27, v26;
	v25 =	vadd.f32 v59, v58  }
0x2c0: {  	v10 =	vadd.f32 v53, v10;
	v22 =	vmul.f32 $1.131370830e+01, v22;
	v13 =	vadd.f32 v15, v13  }
0x2c1: {  	v28 =	vld [tilespmem:s17+$0xFFFFFFA0];
	v18 =	vmul.f32 $1.131370830e+01, v18;
	v21 =	vadd.f32 v23, v21;
	v15 =	vadd.f32 v25, v20  }
0x2c2: {  	v43 =	vsel vm15, v34, v37;
	v12 =	vmul.f32 $1.131370830e+01, v12;
	v11 =	vmul.f32 $1.131370830e+01, v11;
	v19 =	vld [tilespmem:s17+$0xFFFFFFC0]  }
0x2c3: {  	v14 =	vmul.f32 $1.131370830e+01, v14;
	v55 =	vld [tilespmem:s17+$0xFFFFFF90];
	v59 =	vadd.f32 v10, v24;
	(xrf2) =	vadd.scan.msk.f32 $0xffff, v21;
	v13 =	vadd.f32 v15, v13  }
0x2c4: {  	v11 =	vadd.f32 v11, v43;
	v26 =	vld [tilespmem:s17+$0xFFFFFFB0];
	v10 =	vmul.f32 v47, v51;
	v20 =	vsel vm15, v60, v30  }
0x2c5: {  	v27 =	vld [tilespmem:s17+$0xFFFFFFD0];
	v47 =	vmul.f32 v59, v59;
	v17 =	vadd.f32 v17, v20;
	v20 =	vsel vm15, v36, v40;
	(xrf2) =	vadd.scan.msk.f32 $0xffff, v13  }
0x2c6: {  	v23 =	vld [tilespmem:s17+$0xFFFFFFE0];
	v21 =	vsel vm15, v29, v31;
	v15 =	vsel vm15, v45, v46;
	v46 =	vadd.f32 v22, v33  }
0x2c7: {  	v45 =	vsel vm15, v35, v1;
	v18 =	vadd.f32 v18, v20;
	v12 =	vadd.f32 v12, v15  }
0x2c8: {  	v1 =	vld [tilespmem:$0x1FC70];
	v20 =	vmul.f32 v50, v48;
	v14 =	vadd.f32 v14, v45;
	v60 =	vadd.f32 v17, v55  }
0x2c9: {  	v25 =	vld [tilespmem:s17+$0xFFFFFFF0];
	v13 =	vadd.f32 v16, v21;
	v21 =	vmul.f32 v32, v52;
	v55 =	vadd.f32 v46, v26  }
0x2ca: {  	v52 =	vadd.f32 v11, v27;
	v57 =	vadd.f32 v12, v19;
	v11 =	vmul.f32 v60, v60  }
0x2cb: {  	v53 =	vadd.f32 v14, v23;
	v58 =	vadd.f32 v13, v28;
	v13 =	vmul.f32 v56, v54  }
0x2cc: {  	v51 =	vadd.f32 v60, v59;
	v50 =	vmul.f32 v55, v55;
	v23 =	vmul.f32 v52, v52  }
0x2cd: {  	v48 =	vsub.f32 $1.500000000e+00, v21;
	v15 =	vmul.f32 v42, v1;
	v19 =	vmul.f32 v57, v57;
	v12, _, _ =	vpop (xrf2)  }
0x2ce: {  	v1 =	vmovc v49;
	v49 =	vadd.f32 v18, v25;
	v24 =	vmul.f32 v53, v53;
	v12 =	vmul.f32 $7.812500000e-03, v12  }
0x2cf: {  	v25 =	vadd.f32 v52, v57;
	v11 =	vadd.f32 v11, v47;
	v14 =	vmul.f32 v58, v58;
	v26, _, _ =	vpop (xrf2)  }
0x2d0: {  	v62 =	vld [tilespmem:$0x1FE60];
	v22 =	vadd.f32 v55, v58;
	v26 =	vmul.f32 $7.812500000e-03, v26;
	v28 =	vmul.f32 v12, v12  }
0x2d1: {  	[tilespmem:$0x1FC70] =	vst v1;
	v1 =	vld [tilespmem:$0x1FBE0];
	v27 =	vadd.f32 v49, v53;
	v54 =	vmul.f32 v49, v49;
	v45 =	vadd.f32 v23, v19  }
0x2d2: {  	v23 =	vmul.f32 v61, v7;
	v61 =	vld [tilespmem:$0x1FE50];
	v18 =	vadd.f32 v22, v51;
	v22 =	vsub.f32 v26, v28  }
0x2d3: {  	v14 =	vadd.f32 v50, v14;
	v56 =	vadd.f32 v27, v25  }
0x2d4: {  	v37 =	vld [tilespmem:$0x1FE30];
	v46 =	vadd.f32 v54, v24;
	v22 =	vadd.f32 $9.999999960e-13, v22  }
0x2d5: {  	v17 =	vmul.f32 v32, v48;
	v32 =	vld [tilespmem:$0x1FE70];
	v11 =	vadd.f32 v14, v11;
	v7 =	vadd.f32 v56, v18  }
0x2d6: {  	v29 =	vld [tilespmem:$0x1FE10];
	v14 =	vmul.f32 v1, v3;
	v3 =	vadd.f32 v46, v45;
	v47 =	vbroadcast v22, $0xF  }
0x2d7: {  	v1 =	vadd.f32 v63, v61;
	(xrf2) =	vadd.scan.msk.f32 $0xffff, v7;
	v7 =	vadd.f32 v8, v62;
	v26 =	vld [tilespmem:$0x1FEC0]  }
0x2d8: {  	v21 =	vld [tilespmem:$0x1FE90];
	v3 =	vadd.f32 v3, v11;
	v8 =	vshra.s32 v47, $0x1;
	v11 =	vmul.f32 $5.000000000e-01, v47  }
0x2d9: {  	v27 =	vld [tilespmem:$0x1FED0];
	v50 =	vsub.s32 $0x5F3759DF, v8  }
0x2da: {  	[tilespmem:s20+$0xFFFFFFD0] =	vst v1;
	v1 =	vadd.f32 v15, v32;
	v28 =	vld [tilespmem:$0x1FE00];
	v8 =	vmul.f32 v50, v11  }
0x2db: {  	v25 =	vld [tilespmem:$0x1FEB0];
	(xrf2) =	vadd.scan.msk.f32 $0xffff, v3  }
0x2dc: {  	v5 =	vmul.f32 v44, v5;
	[tilespmem:s20+$0xFFFFFFF0] =	vst v1;
	v1 =	vld [tilespmem:$0x1FBF0];
	v11 =	vadd.f32 v20, v26;
	v8 =	vmul.f32 v50, v8  }
0x2dd: {  	v33 =	vld [tilespmem:$0x1FE40]  }
0x2de: {  	v5 =	vadd.f32 v5, v39;
	v36 =	vld [tilespmem:$0x1FE20];
	[tilespmem:s19+$0x0] =	vst v11;
	v11 =	vsub.f32 $1.500000000e+00, v8  }
0x2df: {  	v54 =	vmul.f32 v17, v29;
	v15 =	vadd.f32 v10, v27;
	v22 =	vld [tilespmem:$0x1FE80];
	v51 =	vmul.f32 v17, v28  }
0x2e0: {  	[tilespmem:s19+$0x30] =	vst v5;
	v10 =	vmul.f32 v17, v21;
	v63 =	vmul.f32 v50, v11;
	v11 =	vld [tilespmem:$0x1FC00]  }
0x2e1: {  	v5 =	vadd.f32 v14, v62;
	v42 =	vmul.f32 v17, v25;
	[tilespmem:s19+$0x10] =	vst v15;
	v15 =	vmul.f32 v51, v1;
	v14, _, _ =	vpop (xrf2)  }
0x2e2: {  	v6 =	vadd.f32 v6, v33;
	v24 =	vld [tilespmem:$0x1FEA0];
	v1 =	vbroadcast v12, $0xF;
	v14 =	vmul.f32 $7.812500000e-03, v14  }
0x2e3: {  	v13 =	vadd.f32 v13, v38;
	[tilespmem:s20+$0xFFFFFFE0] =	vst v7;
	v7 =	vmul.f32 v17, v37;
	v20 =	vmul.f32 v17, v36  }
0x2e4: {  	[tilespmem:s19+$0x40] =	vst v6;
	v3 =	vmul.f32 v17, v22;
	v56 =	vsub.f32 v9, v1;
	v6 =	vmul.f32 v14, v14  }
0x2e5: {  	p0 =	slt.u32 s16, $0x7E;
	[tilespmem:s19+$0x20] =	vst v13;
	v51 =	vsub.f32 v2, v1;
	v9, _, _ =	vpop (xrf2);
	v2 =	vbroadcast v14, $0xF;
	v12 =	vmul.f32 v54, v11;
	v11 =	vld [tilespmem:$0x1FC10]  }
.Ltmp3:
0x2e6: {  	v13 =	vadd.f32 v23, v61;
	[tilespmem:s19+$0x60] =	vst v5;
	v5 =	vmul.f32 $7.812500000e-03, v9;
	v16 =	vmul.f32 v63, v25;
	(pc) =	sbr.rel @p0 .LBB2_5-.Ltmp3, $4  }
0x2e7: {  	v15 =	vadd.f32 v15, v26;
	v8 =	vmul.f32 v17, v24;
	v50 =	vmul.f32 v63, v28  }
0x2e8: {  	v48 =	vsub.f32 v4, v1;
	v47 =	vmul.f32 v63, v29;
	v4 =	vmul.f32 v16, v56  }
0x2e9: {  	[tilespmem:s19+$0x50] =	vst v13;
	v44 =	vmul.f32 v63, v37;
	v56 =	vmul.f32 v63, v36  }
0x2ea: {  	s21 =	sadd.s32 $0x100, s21;
	s20 =	smov.u32 s19;
	[tilespmem:s19+$0xFFFFFF80] =	vst v15;
	v54 =	vsub.f32 v0, v1;
	v0 =	vadd.f32 v4, v32;
	v11 =	vmul.f32 v20, v11  }
0x2eb: {  	v14 =	vld [tilespmem:$0x1FF70]  }
0x2ec: {  	v13 =	vld [tilespmem:$0x1FFD0]  }
0x2ed: {  	v15 =	vld [tilespmem:$0x1FFC0]  }
0x2ee: {  	v16 =	vld [tilespmem:$0x1FFB0]  }
0x2ef: {  	v18 =	vld [tilespmem:$0x1FC30]  }
0x2f0: {  	v19 =	vld [tilespmem:$0x1FFA0]  }
0x2f1: {  	v17 =	vld [tilespmem:$0x1FF90]  }
0x2f2: {  	v29 =	vld [tilespmem:$0x1FF80]  }
0x2f3: {  	v28 =	vld [tilespmem:$0x1FF60];
	s16 =	sadd.s32 $0x100, s19  }
0x2f4: {  	v12 =	vadd.f32 v12, v27;
	v7 =	vmul.f32 v7, v18;
	v18 =	vld [tilespmem:$0x1FC40];
	[tilespmem:s16+$0x70] =	vst v0  }
0x2f5: {  	v30 =	vld [tilespmem:$0x1FFE0]  }
0x2f6: {  	v20 =	vld [tilespmem:$0x1FC50];
	[tilespmem:s20+$0xFFFFFF90] =	vst v12  }
0x2f7: {  	v31 =	vld [tilespmem:$0x1FFF0];
	_ =	sdelay $0x3  }
0x2f8: {  	v4 =	vsub.f32 v5, v6;
	v11 =	vadd.f32 v11, v30  }
0x2f9: {  	v7 =	vadd.f32 v7, v31  }
0x2fa: {  	v4 =	vadd.f32 $9.999999960e-13, v4;
	v12 =	vld [tilespmem:$0x1FC60];
	[tilespmem:s20+$0xFFFFFFA0] =	vst v11  }
0x2fb: {  	[tilespmem:s20+$0xFFFFFFB0] =	vst v7  }
0x2fc: {  	v4 =	vbroadcast v4, $0xF;
	v7 =	vld [tilespmem:$0x1FC70]  }
0x2fd: {  	v3 =	vmul.f32 v3, v18  }
0x2fe: {  	v18 =	vshra.s32 v4, $0x1;
	v4 =	vmul.f32 $5.000000000e-01, v4;
	v10 =	vmul.f32 v10, v20  }
0x2ff: {  	v18 =	vsub.s32 $0x5F3759DF, v18;
	v8 =	vmul.f32 v8, v12;
	v3 =	vadd.f32 v3, v33  }
0x300: {  	v4 =	vmul.f32 v18, v4;
	v10 =	vadd.f32 v10, v61  }
0x301: {  	v8 =	vadd.f32 v8, v62;
	[tilespmem:s20+$0xFFFFFFC0] =	vst v3;
	v7 =	vmul.f32 v42, v7  }
0x302: {  	v48 =	vmul.f32 v50, v48;
	v4 =	vmul.f32 v18, v4;
	v12 =	vld [tilespmem:$0x1FC80];
	[tilespmem:s20+$0xFFFFFFD0] =	vst v10  }
0x303: {  	[tilespmem:s20+$0xFFFFFFE0] =	vst v8;
	v7 =	vadd.f32 v7, v32  }
0x304: {  	v20 =	vmul.f32 v47, v51;
	v3 =	vadd.f32 v48, v26;
	v4 =	vsub.f32 $1.500000000e+00, v4;
	v8 =	vld [tilespmem:$0x1FC90]  }
0x305: {  	v45 =	vsub.f32 v49, v2;
	v46 =	vsub.f32 v41, v1;
	v49 =	vmul.f32 v56, v54;
	[tilespmem:s20+$0xFFFFFFF0] =	vst v7  }
0x306: {  	v9 =	vsub.f32 v59, v2;
	v4 =	vmul.f32 v18, v4;
	v18 =	vadd.f32 v20, v27;
	v7 =	vld [tilespmem:$0x1FE00];
	[tilespmem:s16+$0x0] =	vst v3  }
0x307: {  	v35 =	vsub.f32 v60, v2;
	v11 =	vmul.f32 v44, v46;
	v10 =	vadd.f32 v49, v30;
	v3 =	vld [tilespmem:$0x1FCA0]  }
0x308: {  	v5 =	vmul.f32 v63, v22;
	v36 =	vsub.f32 v52, v2;
	v43 =	vsub.f32 v53, v2;
	[tilespmem:s16+$0x10] =	vst v18  }
0x309: {  	v34 =	vmul.f32 v63, v21;
	v52 =	vadd.f32 v11, v31;
	v8 =	vsub.f32 v8, v1;
	v53 =	vld [tilespmem:$0x1FE10];
	[tilespmem:s16+$0x20] =	vst v10  }
0x30a: {  	v40 =	vmul.f32 v63, v24;
	v58 =	vsub.f32 v58, v2;
	v12 =	vsub.f32 v12, v1;
	v54 =	vld [tilespmem:$0x1FE20]  }
0x30b: {  	v37 =	vsub.f32 v55, v2;
	v51 =	vmul.f32 v34, v8;
	[tilespmem:s16+$0x30] =	vst v52;
	v7 =	vmul.f32 v4, v7  }
0x30c: {  	v23 =	vsub.f32 v57, v2;
	v5 =	vmul.f32 v5, v12;
	v6 =	vld [tilespmem:$0x1FE30];
	v50 =	vsub.f32 v3, v1  }
0x30d: {  	v56 =	vmul.f32 v4, v21;
	v3 =	vadd.f32 v51, v61;
	v7 =	vmul.f32 v7, v9  }
0x30e: {  	v5 =	vadd.f32 v5, v33;
	v8 =	vmul.f32 v4, v53;
	v1 =	vmul.f32 v40, v50  }
0x30f: {  	v9 =	vmul.f32 v4, v54;
	[tilespmem:s16+$0x50] =	vst v3;
	v3 =	vmul.f32 v56, v36;
	v7 =	vadd.f32 v7, v26  }
0x310: {  	v55 =	vmul.f32 v4, v22;
	[tilespmem:s16+$0x40] =	vst v5;
	v8 =	vmul.f32 v8, v35;
	v1 =	vadd.f32 v1, v62  }
0x311: {  	v6 =	vmul.f32 v4, v6;
	v9 =	vmul.f32 v9, v58;
	v3 =	vadd.f32 v3, v61;
	[tilespmem:s16+$0xFFFFFF80] =	vst v7  }
0x312: {  	v59 =	vmul.f32 v55, v23;
	v58 =	vmul.f32 v4, v24;
	v57 =	vadd.f32 v8, v27;
	[tilespmem:s16+$0x60] =	vst v1  }
0x313: {  	v4 =	vmul.f32 v4, v25;
	v6 =	vmul.f32 v6, v37;
	v60 =	vadd.f32 v9, v30;
	[tilespmem:s16+$0xFFFFFFD0] =	vst v3  }
0x314: {  	v0 =	vmul.f32 v58, v43;
	v1 =	vadd.f32 v59, v33;
	[tilespmem:s16+$0xFFFFFF90] =	vst v57  }
0x315: {  	v2 =	vmul.f32 v4, v45;
	v6 =	vadd.f32 v6, v31;
	[tilespmem:s16+$0xFFFFFFA0] =	vst v60  }
.Ltmp4:
0x316: {  	[tilespmem:s16+$0xFFFFFFC0] =	vst v1;
	v0 =	vadd.f32 v0, v62;
	(pc) =	sbr.rel @p1 .LBB2_8-.Ltmp4, $4  }
0x317: {  	v63 =	vadd.f32 v2, v32;
	[tilespmem:s16+$0xFFFFFFB0] =	vst v6  }
0x318: {  	s15 =	sshll.u32 s15, $0x4;
	[tilespmem:s16+$0xFFFFFFE0] =	vst v0  }
0x319: {  	s15 =	sadd.s32 s15, s25;
	[tilespmem:s16+$0xFFFFFFF0] =	vst v63  }
0x31a: {  	[hbm4b:s15+s4] =	stream.linear.scatter [tilespmem:s9], [sflag:$0x6], $0x4000, $0x38;
	[tilespmem:$0x18A00] =	vst v63  }
0x31b: {  	v23 =	vld [tilespmem:$0x1FEE0]  }
0x31c: {  	s14 =	sadd.s32 $0x180, s14;
	v33 =	vld [tilespmem:$0x1FEF0]  }
0x31d: {  	v34 =	vld [tilespmem:$0x1FF00];
	[tilespmem:s18], [sflag:$0x2] =	stream.indirect.gather [hbm4b:s1+s22], $0x80, s14, s22, $0xb8  }
.Ltmp5:
0x31e: {  	v35 =	vld [tilespmem:$0x1FF10];
	(pc) =	sbr.rel .LBB2_2-.Ltmp5, $4  }
0x31f: {  	v61 =	vld [tilespmem:$0x1FF20];
	s14 =	sadd.s32 s5, s14  }
0x320: {  	v39 =	vld [tilespmem:$0x1FF30];
	s14 =	sshll.u32 s14, $0x4  }
0x321: {  	s13 =	sadd.s32 $0x1, s13;
	v45 =	vmov v28;
	v46 =	vmov v29;
	v2 =	vld [tilespmem:$0x1FF40];
	s14 =	sadd.s32 s3, s14  }
0x322: {  	v18 =	vmovc v17;
	v20 =	vmovc v16;
	v37 =	vmov v15;
	v38 =	vmov v13;
	v32 =	vmov v14;
	v3 =	vld [tilespmem:$0x1FF50];
	[tilespmem:s23], [sflag:$0x4] =	stream.linear.gather [hbm4b:s14+s4], $0x4000, $0x38  }
.LBB2_9:
0x323: {  	_ =	sfence.sel $0x180000  }
0x324: {  	[bflag:$0x0] =	sbarrier.arrive $0xFFFF  }
0x325: {  	_ =	strace $0x90000047  }
0x326: {  	s0 =	stileid.u32;
	[bflag:$0x2] =	sbarrier.arrive $0xFFFF  }
0x327: {  	p0 =	sne.s32 s0, $0x0;
	s0 =	rddreg [dreg:$0x8]  }
0x328: {  	s0 =	sadd.s32 @!p0 $0x100000, s0  }
0x329: {  	[sflag:s0] =	ssyncadd.tile.s32 @!p0 $0x1;
	_ =	shalt  }
.Lfunc_end2:
_tile_overlayer_lowered:
.L_overlay_start_2:
0x32a: {  	(tag) =	ssettag $0x2  }
0x32b: {  	s0 =	rddreg [dreg:$0x0];
	s2 =	stileid.u32  }
0x32c: {  	s1 =	rddreg [dreg:$0x1];
	p0 =	sne.s32 s2, $0x0  }
0x32d: {  	s3 =	rddreg [dreg:$0x2];
	[bflag:$0x3] =	sbarrier.arrive $0xFFFF;
	s2 =	simm.s32 @!p0 $0x1C08  }
0x32e: {  	[timem:s3], [sflag:s2] =	dma.local @!p0 [hbm:s0], s1  }
0x32f: {  	s0 =	simm.s32 @!p0 $0x8  }
0x330: {  	_ =	swait.ge @!p0 [sflag:s0], s1  }
0x331: {  	s1 =	ssub.s32 @!p0 $0x0, s1;
	[sflag:s0] =	ssyncset.done @!p0 $0x0  }
0x332: {  	[sflag:s0] =	ssyncadd.s32 @!p0 s1  }
0x333: {  	[bflag:$0x3] =	sbarrier.arrive $0xFFFF  }
0x334: {  	_ =	shalt  }

</sc_bundles>
